<compile_context>
chip_gen: v7x
topology: tpu7x:2x2x1
jax: 0.10.2.dev20260603
libtpu: 0.0.44.dev20260713+nightly
codegen_flags: <defaults>
</compile_context>

<pallas_src>
import jax
import jax.numpy as jnp
from jax import lax
from jax.experimental import pallas as pl
from jax.experimental.pallas import tpu as pltpu
from jax.experimental.pallas import tpu_sc as plsc

N_SHIFT = 2

B, C, T = 64, 128, 4096
SCB = 16
NC, NS = 2, 16
NW = NC * NS
R = 8
CHPB = C // R
K = SCB * CHPB // NW
L = 16
LW = T + 2 * L


def _shift_constants():
    return (
        2, 2, -1, 2, 2, 2, 0, 0, 2, -1, 0, 2, -2, -1, 0, -2,
        1, 2, -2, 2, 0, 1, 1, 0, 2, -1, 0, -1, 0, 2, 2, 0,
        0, 1, -1, 2, 0, 2, 1, 1, 2, -1, -2, 2, -2, 0, -1, 2,
        0, 1, 1, -2, 0, 1, 2, 2, -1, -2, 0, -1, -2, -2, 2, -2,
    )


def _sc_body(x_hbm, out_hbm, vin0, vin1, lin, isem0, isem1, osem0, osem1):
    cid = lax.axis_index("c")
    sid = lax.axis_index("s")
    wid = sid * NC + cid

    shifts = _shift_constants()

    def dsel(b):
        dd = jnp.int32(L - shifts[0])
        for w in range(1, SCB):
            dd = jnp.where(b == w, jnp.int32(L - shifts[w]), dd)
        return dd

    vin = (vin0, vin1)
    isem = (isem0, isem1)
    osem = (osem0, osem1)

    def slices(kk):
        g = wid * K + kk
        b = g // CHPB
        r0 = (g % CHPB) * R
        return b, r0

    def start_in(kk, p):
        b, r0 = slices(kk)
        pltpu.make_async_copy(x_hbm.at[b, pl.ds(r0, R), :], vin[p], isem[p]).start()

    def wait_in(kk, p):
        b, r0 = slices(kk)
        pltpu.make_async_copy(x_hbm.at[b, pl.ds(r0, R), :], vin[p], isem[p]).wait()

    def start_out(kk, p):
        b, r0 = slices(kk)
        pltpu.make_async_copy(vin[p], out_hbm.at[b, pl.ds(r0, R), :], osem[p]).start()

    def wait_out(kk, p):
        b, r0 = slices(kk)
        pltpu.make_async_copy(vin[p], out_hbm.at[b, pl.ds(r0, R), :], osem[p]).wait()

    def pass1(p):
        for r in range(R):
            base = r * LW

            @plsc.parallel_loop(0, T // L, unroll=8)
            def detile(i, r=r, p=p, base=base):
                lin[pl.ds(base + L + i * L, L)] = vin[p][r, pl.ds(i * L, L)]

            lin[pl.ds(base, L)] = vin[p][r, pl.ds(T - L, L)]
            lin[pl.ds(base + L + T, L)] = vin[p][r, pl.ds(0, L)]

    def pass2(p, d):
        for r in range(R):
            base = r * LW

            @plsc.parallel_loop(0, T // L, unroll=8)
            def shuf(i, r=r, p=p, base=base, d=d):
                vin[p][r, pl.ds(i * L, L)] = lin[pl.ds(base + i * L + d, L)]

    start_in(0, 0)
    start_in(1, 1)

    def step(kk, _):
        p = lax.rem(kk, 2)

        def proc(p):
            b, _r0 = slices(kk)
            d = dsel(b)
            wait_in(kk, p)
            pass1(p)
            @pl.when(jnp.logical_and(kk >= 1, kk + 1 < K))
            def _():
                wait_out(kk - 1, 1 - p)
                start_in(kk + 1, 1 - p)

            pass2(p, d)
            start_out(kk, p)

        @pl.when(p == 0)
        def _():
            proc(0)

        @pl.when(p == 1)
        def _():
            proc(1)

        return _

    lax.fori_loop(0, K, step, None)

    wait_out(K - 2, (K - 2) % 2)
    wait_out(K - 1, (K - 1) % 2)


def _sc_kernel(input):
    mesh = plsc.VectorSubcoreMesh(
        core_axis_name="c", subcore_axis_name="s", num_cores=NC, num_subcores=NS
    )
    f = pl.kernel(
        _sc_body,
        out_type=jax.ShapeDtypeStruct((SCB, C, T), jnp.float32),
        mesh=mesh,
        scratch_types=[
            pltpu.VMEM((R, T), jnp.float32),
            pltpu.VMEM((R, T), jnp.float32),
            pltpu.VMEM((R * LW,), jnp.float32),
            pltpu.SemaphoreType.DMA,
            pltpu.SemaphoreType.DMA,
            pltpu.SemaphoreType.DMA,
            pltpu.SemaphoreType.DMA,
        ],
    )
    return f(input)


TCSPLIT = 1


def _tc_roll_body(x_ref, o_ref):
    shifts = _shift_constants()
    b = pl.program_id(0) // TCSPLIT + SCB
    s = jnp.int32(shifts[SCB])
    for w in range(SCB + 1, B):
        s = jnp.where(b == w, jnp.int32(shifts[w]), s)
    o_ref[0] = pltpu.roll(x_ref[0], s, axis=1)


def _tc_kernel(input):
    cs = C // TCSPLIT
    return pl.pallas_call(
        _tc_roll_body,
        grid=((B - SCB) * TCSPLIT,),
        in_specs=[
            pl.BlockSpec((1, cs, T), lambda i: (i // TCSPLIT + SCB, i % TCSPLIT, 0))
        ],
        out_specs=pl.BlockSpec(
            (1, cs, T), lambda i: (i // TCSPLIT + SCB, i % TCSPLIT, 0)
        ),
        out_shape=jax.ShapeDtypeStruct((B, C, T), jnp.float32),
    )(input)


@jax.jit
def kernel(input):
    sc_out = _sc_kernel(input)
    tc_out = _tc_kernel(input)
    return lax.dynamic_update_slice(tc_out, sc_out, (0, 0, 0))

# --- scband reference (transcript-rebuilt; emitter-appended) ---
"""Pipeline reference for scband-phase-shuffle-31988916420874 (READ-ONLY COPY).

The authoritative reference and input builder live on the scoring server;
editing this copy changes nothing except your own understanding.
"""

import jax, jax.numpy as jnp
import numpy as np

N_SHIFT = 2

def setup_inputs(seed: int = 0) -> dict:
    key = jax.random.key(seed)
    x = jax.random.normal(key, (64, 128, 4096), dtype=jnp.float32)
    return {"input": x}

def reference(input):
    n = N_SHIFT
    if n == 0:
        return input
    b, c, t = input.shape
    # per-batch random shift in [-n, n], deterministic key for reproducibility
    skey = jax.random.key(42)
    shifts = jax.random.randint(skey, (b,), 0, 2 * n + 1) - n
    base = jnp.arange(t)[None, None, :]
    idx = (base - shifts[:, None, None]) % t
    idx = jnp.broadcast_to(idx, (b, c, t))
    return jnp.take_along_axis(input, idx, axis=2)

if __name__ == "__main__":
    import jax
    _d = setup_inputs()
    print(jax.jit(kernel)(*tuple(_d.values())))

</pallas_src>

<mosaic_0001>
#map = affine_map<(d0, d1) -> (0, 0, 0)>
module attributes {stable_mosaic.version = 14 : i64} {
  func.func @_sc_body(%arg0: i32, %arg1: i32, %arg2: memref<64x128x4096xf32, #tpu.memory_space<hbm>>, %arg3: memref<16x128x4096xf32, #tpu.memory_space<hbm>>, %arg4: memref<8x4096xf32, #tpu.memory_space<vmem>>, %arg5: memref<8x4096xf32, #tpu.memory_space<vmem>>, %arg6: memref<33024xf32, #tpu.memory_space<vmem>>, %arg7: memref<!tpu.dma_semaphore, #tpu.memory_space<semaphore_mem>>, %arg8: memref<!tpu.dma_semaphore, #tpu.memory_space<semaphore_mem>>, %arg9: memref<!tpu.dma_semaphore, #tpu.memory_space<semaphore_mem>>, %arg10: memref<!tpu.dma_semaphore, #tpu.memory_space<semaphore_mem>>) attributes {dimension_semantics = [#tpu.dimension_semantics<core_parallel>, #tpu.dimension_semantics<subcore_parallel>], iteration_bounds = array<i64: 2, 16>, scalar_prefetch = 0 : i64, scratch_operands = 7 : i64, tpu.core_type = #tpu.core_type<sc_vector_subcore>, window_params = [{transform_indices = #map}, {transform_indices = #map}]} {
    %mul3A = arith.constant 2 : i32
    %mul3A_0 = arith.muli %arg1, %mul3A : i32
    %add3A = arith.addi %mul3A_0, %arg0 : i32
    %mul3A_1 = arith.constant 8 : i32
    %mul3A_2 = arith.muli %add3A, %mul3A_1 : i32
    %add3A_3 = arith.constant 0 : i32
    %add3A_4 = arith.addi %mul3A_2, %add3A_3 : i32
    %jit3A = arith.constant 16 : i32
    %div3A = arith.divsi %add3A_4, %jit3A : i32
    %sign3A = arith.constant 0 : i32
    %sign3A_5 = arith.cmpi sgt, %add3A_4, %sign3A : i32
    %sign3A_6 = arith.extui %sign3A_5 : i1 to i32
    %sign3A_7 = arith.constant 0 : i32
    %sign3A_8 = arith.cmpi slt, %add3A_4, %sign3A_7 : i32
    %sign3A_9 = arith.extui %sign3A_8 : i1 to i32
    %sign3A_10 = arith.subi %sign3A_6, %sign3A_9 : i32
    %sign3A_11 = arith.constant 0 : i32
    %sign3A_12 = arith.cmpi sgt, %jit3A, %sign3A_11 : i32
    %sign3A_13 = arith.extui %sign3A_12 : i1 to i32
    %sign3A_14 = arith.constant 0 : i32
    %sign3A_15 = arith.cmpi slt, %jit3A, %sign3A_14 : i32
    %sign3A_16 = arith.extui %sign3A_15 : i1 to i32
    %sign3A_17 = arith.subi %sign3A_13, %sign3A_16 : i32
    %ne3A = arith.cmpi ne, %sign3A_10, %sign3A_17 : i32
    %rem3A = arith.remsi %add3A_4, %jit3A : i32
    %ne3A_18 = arith.constant 0 : i32
    %ne3A_19 = arith.cmpi ne, %rem3A, %ne3A_18 : i32
    %and3A = arith.andi %ne3A, %ne3A_19 : i1
    %sub3A = arith.constant 1 : i32
    %sub3A_20 = arith.subi %div3A, %sub3A : i32
    %select_n3A = arith.select %and3A, %sub3A_20, %div3A : i32
    %jit3A_21 = arith.constant 16 : i32
    %eq3A = arith.constant 0 : i32
    %eq3A_22 = arith.cmpi eq, %jit3A_21, %eq3A : i32
    %jit3A_23 = arith.constant 1 : i32
    %select_n3A_24 = arith.select %eq3A_22, %jit3A_23, %jit3A_21 : i32
    %rem3A_25 = arith.remsi %add3A_4, %select_n3A_24 : i32
    %ne3A_26 = arith.constant 0 : i32
    %ne3A_27 = arith.cmpi ne, %rem3A_25, %ne3A_26 : i32
    %lt3A = arith.constant 0 : i32
    %lt3A_28 = arith.cmpi slt, %rem3A_25, %lt3A : i32
    %lt3A_29 = arith.constant 0 : i32
    %lt3A_30 = arith.cmpi slt, %select_n3A_24, %lt3A_29 : i32
    %ne3A_31 = arith.xori %lt3A_28, %lt3A_30 : i1
    %and3A_32 = arith.andi %ne3A_31, %ne3A_27 : i1
    %add3A_33 = arith.addi %rem3A_25, %select_n3A_24 : i32
    %select_n3A_34 = arith.select %and3A_32, %add3A_33, %rem3A_25 : i32
    %mul3A_35 = arith.constant 8 : i32
    %mul3A_36 = arith.muli %select_n3A_34, %mul3A_35 : i32
    %dma_start3A = arith.constant 0 : i32
    %dma_start3A_37 = tpu.memref_slice %arg2[%select_n3A, %mul3A_36, %dma_start3A] : memref<64x128x4096xf32, #tpu.memory_space<hbm>> -> memref<1x8x4096xf32, #tpu.memory_space<hbm>>
    %dma_start3A_38 = tpu.memref_squeeze %dma_start3A_37 : memref<1x8x4096xf32, #tpu.memory_space<hbm>> -> memref<8x4096xf32, #tpu.memory_space<hbm>>
    %dma_start3A_39 = arith.constant 0 : i32
    %dma_start3A_40 = tpu.memref_slice %arg2[%select_n3A, %mul3A_36, %dma_start3A_39] : memref<64x128x4096xf32, #tpu.memory_space<hbm>> -> memref<1x8x4096xf32, #tpu.memory_space<hbm>>
    %dma_start3A_41 = tpu.memref_squeeze %dma_start3A_40 : memref<1x8x4096xf32, #tpu.memory_space<hbm>> -> memref<8x4096xf32, #tpu.memory_space<hbm>>
    tpu.enqueue_dma source(%dma_start3A_41 : memref<8x4096xf32, #tpu.memory_space<hbm>>) target(%arg4 : memref<8x4096xf32, #tpu.memory_space<vmem>>) target_semaphore(%arg7 : memref<!tpu.dma_semaphore, #tpu.memory_space<semaphore_mem>>)
    %mul3A_42 = arith.constant 8 : i32
    %mul3A_43 = arith.muli %add3A, %mul3A_42 : i32
    %add3A_44 = arith.constant 1 : i32
    %add3A_45 = arith.addi %mul3A_43, %add3A_44 : i32
    %jit3A_46 = arith.constant 16 : i32
    %div3A_47 = arith.divsi %add3A_45, %jit3A_46 : i32
    %sign3A_48 = arith.constant 0 : i32
    %sign3A_49 = arith.cmpi sgt, %add3A_45, %sign3A_48 : i32
    %sign3A_50 = arith.extui %sign3A_49 : i1 to i32
    %sign3A_51 = arith.constant 0 : i32
    %sign3A_52 = arith.cmpi slt, %add3A_45, %sign3A_51 : i32
    %sign3A_53 = arith.extui %sign3A_52 : i1 to i32
    %sign3A_54 = arith.subi %sign3A_50, %sign3A_53 : i32
    %sign3A_55 = arith.constant 0 : i32
    %sign3A_56 = arith.cmpi sgt, %jit3A_46, %sign3A_55 : i32
    %sign3A_57 = arith.extui %sign3A_56 : i1 to i32
    %sign3A_58 = arith.constant 0 : i32
    %sign3A_59 = arith.cmpi slt, %jit3A_46, %sign3A_58 : i32
    %sign3A_60 = arith.extui %sign3A_59 : i1 to i32
    %sign3A_61 = arith.subi %sign3A_57, %sign3A_60 : i32
    %ne3A_62 = arith.cmpi ne, %sign3A_54, %sign3A_61 : i32
    %rem3A_63 = arith.remsi %add3A_45, %jit3A_46 : i32
    %ne3A_64 = arith.constant 0 : i32
    %ne3A_65 = arith.cmpi ne, %rem3A_63, %ne3A_64 : i32
    %and3A_66 = arith.andi %ne3A_62, %ne3A_65 : i1
    %sub3A_67 = arith.constant 1 : i32
    %sub3A_68 = arith.subi %div3A_47, %sub3A_67 : i32
    %select_n3A_69 = arith.select %and3A_66, %sub3A_68, %div3A_47 : i32
    %jit3A_70 = arith.constant 16 : i32
    %eq3A_71 = arith.constant 0 : i32
    %eq3A_72 = arith.cmpi eq, %jit3A_70, %eq3A_71 : i32
    %jit3A_73 = arith.constant 1 : i32
    %select_n3A_74 = arith.select %eq3A_72, %jit3A_73, %jit3A_70 : i32
    %rem3A_75 = arith.remsi %add3A_45, %select_n3A_74 : i32
    %ne3A_76 = arith.constant 0 : i32
    %ne3A_77 = arith.cmpi ne, %rem3A_75, %ne3A_76 : i32
    %lt3A_78 = arith.constant 0 : i32
    %lt3A_79 = arith.cmpi slt, %rem3A_75, %lt3A_78 : i32
    %lt3A_80 = arith.constant 0 : i32
    %lt3A_81 = arith.cmpi slt, %select_n3A_74, %lt3A_80 : i32
    %ne3A_82 = arith.xori %lt3A_79, %lt3A_81 : i1
    %and3A_83 = arith.andi %ne3A_82, %ne3A_77 : i1
    %add3A_84 = arith.addi %rem3A_75, %select_n3A_74 : i32
    %select_n3A_85 = arith.select %and3A_83, %add3A_84, %rem3A_75 : i32
    %mul3A_86 = arith.constant 8 : i32
    %mul3A_87 = arith.muli %select_n3A_85, %mul3A_86 : i32
    %dma_start3A_88 = arith.constant 0 : i32
    %dma_start3A_89 = tpu.memref_slice %arg2[%select_n3A_69, %mul3A_87, %dma_start3A_88] : memref<64x128x4096xf32, #tpu.memory_space<hbm>> -> memref<1x8x4096xf32, #tpu.memory_space<hbm>>
    %dma_start3A_90 = tpu.memref_squeeze %dma_start3A_89 : memref<1x8x4096xf32, #tpu.memory_space<hbm>> -> memref<8x4096xf32, #tpu.memory_space<hbm>>
    %dma_start3A_91 = arith.constant 0 : i32
    %dma_start3A_92 = tpu.memref_slice %arg2[%select_n3A_69, %mul3A_87, %dma_start3A_91] : memref<64x128x4096xf32, #tpu.memory_space<hbm>> -> memref<1x8x4096xf32, #tpu.memory_space<hbm>>
    %dma_start3A_93 = tpu.memref_squeeze %dma_start3A_92 : memref<1x8x4096xf32, #tpu.memory_space<hbm>> -> memref<8x4096xf32, #tpu.memory_space<hbm>>
    tpu.enqueue_dma source(%dma_start3A_93 : memref<8x4096xf32, #tpu.memory_space<hbm>>) target(%arg5 : memref<8x4096xf32, #tpu.memory_space<vmem>>) target_semaphore(%arg8 : memref<!tpu.dma_semaphore, #tpu.memory_space<semaphore_mem>>)
    %scan3A = arith.constant 0 : i32
    %scan3A_94 = arith.constant 8 : i32
    %scan3A_95 = arith.addi %scan3A, %scan3A_94 : i32
    %scan3A_96 = arith.constant 1 : i32
    scf.for %scan3A_201 = %scan3A to %scan3A_95 step %scan3A_96  : i32 {
      %rem3A_202 = arith.constant 2 : i32
      %rem3A_203 = arith.remsi %scan3A_201, %rem3A_202 : i32
      %eq3A_204 = arith.constant 0 : i32
      %eq3A_205 = arith.cmpi eq, %rem3A_203, %eq3A_204 : i32
      %convert_element_type3A = arith.extui %eq3A_205 : i1 to i32
      %cond3A = arith.constant 0 : i32
      %cond3A_206 = arith.cmpi ne, %convert_element_type3A, %cond3A : i32
      scf.if %cond3A_206 {
        %mul3A_212 = arith.constant 8 : i32
        %mul3A_213 = arith.muli %add3A, %mul3A_212 : i32
        %add3A_214 = arith.addi %mul3A_213, %scan3A_201 : i32
        %jit3A_215 = arith.constant 16 : i32
        %div3A_216 = arith.divsi %add3A_214, %jit3A_215 : i32
        %sign3A_217 = arith.constant 0 : i32
        %sign3A_218 = arith.cmpi sgt, %add3A_214, %sign3A_217 : i32
        %sign3A_219 = arith.extui %sign3A_218 : i1 to i32
        %sign3A_220 = arith.constant 0 : i32
        %sign3A_221 = arith.cmpi slt, %add3A_214, %sign3A_220 : i32
        %sign3A_222 = arith.extui %sign3A_221 : i1 to i32
        %sign3A_223 = arith.subi %sign3A_219, %sign3A_222 : i32
        %sign3A_224 = arith.constant 0 : i32
        %sign3A_225 = arith.cmpi sgt, %jit3A_215, %sign3A_224 : i32
        %sign3A_226 = arith.extui %sign3A_225 : i1 to i32
        %sign3A_227 = arith.constant 0 : i32
        %sign3A_228 = arith.cmpi slt, %jit3A_215, %sign3A_227 : i32
        %sign3A_229 = arith.extui %sign3A_228 : i1 to i32
        %sign3A_230 = arith.subi %sign3A_226, %sign3A_229 : i32
        %ne3A_231 = arith.cmpi ne, %sign3A_223, %sign3A_230 : i32
        %rem3A_232 = arith.remsi %add3A_214, %jit3A_215 : i32
        %ne3A_233 = arith.constant 0 : i32
        %ne3A_234 = arith.cmpi ne, %rem3A_232, %ne3A_233 : i32
        %and3A_235 = arith.andi %ne3A_231, %ne3A_234 : i1
        %sub3A_236 = arith.constant 1 : i32
        %sub3A_237 = arith.subi %div3A_216, %sub3A_236 : i32
        %select_n3A_238 = arith.select %and3A_235, %sub3A_237, %div3A_216 : i32
        %jit3A_239 = arith.constant 16 : i32
        %eq3A_240 = arith.constant 0 : i32
        %eq3A_241 = arith.cmpi eq, %jit3A_239, %eq3A_240 : i32
        %jit3A_242 = arith.constant 1 : i32
        %select_n3A_243 = arith.select %eq3A_241, %jit3A_242, %jit3A_239 : i32
        %rem3A_244 = arith.remsi %add3A_214, %select_n3A_243 : i32
        %ne3A_245 = arith.constant 0 : i32
        %ne3A_246 = arith.cmpi ne, %rem3A_244, %ne3A_245 : i32
        %lt3A_247 = arith.constant 0 : i32
        %lt3A_248 = arith.cmpi slt, %rem3A_244, %lt3A_247 : i32
        %lt3A_249 = arith.constant 0 : i32
        %lt3A_250 = arith.cmpi slt, %select_n3A_243, %lt3A_249 : i32
        %ne3A_251 = arith.xori %lt3A_248, %lt3A_250 : i1
        %and3A_252 = arith.andi %ne3A_251, %ne3A_246 : i1
        %add3A_253 = arith.addi %rem3A_244, %select_n3A_243 : i32
        %select_n3A_254 = arith.select %and3A_252, %add3A_253, %rem3A_244 : i32
        %mul3A_255 = arith.constant 8 : i32
        %mul3A_256 = arith.muli %select_n3A_254, %mul3A_255 : i32
        %eq3A_257 = arith.constant 1 : i32
        %eq3A_258 = arith.cmpi eq, %select_n3A_238, %eq3A_257 : i32
        %jit3A_259 = arith.constant 14 : i32
        %jit3A_260 = arith.constant 14 : i32
        %select_n3A_261 = arith.select %eq3A_258, %jit3A_259, %jit3A_260 : i32
        %eq3A_262 = arith.constant 2 : i32
        %eq3A_263 = arith.cmpi eq, %select_n3A_238, %eq3A_262 : i32
        %jit3A_264 = arith.constant 17 : i32
        %select_n3A_265 = arith.select %eq3A_263, %jit3A_264, %select_n3A_261 : i32
        %eq3A_266 = arith.constant 3 : i32
        %eq3A_267 = arith.cmpi eq, %select_n3A_238, %eq3A_266 : i32
        %jit3A_268 = arith.constant 14 : i32
        %select_n3A_269 = arith.select %eq3A_267, %jit3A_268, %select_n3A_265 : i32
        %eq3A_270 = arith.constant 4 : i32
        %eq3A_271 = arith.cmpi eq, %select_n3A_238, %eq3A_270 : i32
        %jit3A_272 = arith.constant 14 : i32
        %select_n3A_273 = arith.select %eq3A_271, %jit3A_272, %select_n3A_269 : i32
        %eq3A_274 = arith.constant 5 : i32
        %eq3A_275 = arith.cmpi eq, %select_n3A_238, %eq3A_274 : i32
        %jit3A_276 = arith.constant 14 : i32
        %select_n3A_277 = arith.select %eq3A_275, %jit3A_276, %select_n3A_273 : i32
        %eq3A_278 = arith.constant 6 : i32
        %eq3A_279 = arith.cmpi eq, %select_n3A_238, %eq3A_278 : i32
        %jit3A_280 = arith.constant 16 : i32
        %select_n3A_281 = arith.select %eq3A_279, %jit3A_280, %select_n3A_277 : i32
        %eq3A_282 = arith.constant 7 : i32
        %eq3A_283 = arith.cmpi eq, %select_n3A_238, %eq3A_282 : i32
        %jit3A_284 = arith.constant 16 : i32
        %select_n3A_285 = arith.select %eq3A_283, %jit3A_284, %select_n3A_281 : i32
        %eq3A_286 = arith.constant 8 : i32
        %eq3A_287 = arith.cmpi eq, %select_n3A_238, %eq3A_286 : i32
        %jit3A_288 = arith.constant 14 : i32
        %select_n3A_289 = arith.select %eq3A_287, %jit3A_288, %select_n3A_285 : i32
        %eq3A_290 = arith.constant 9 : i32
        %eq3A_291 = arith.cmpi eq, %select_n3A_238, %eq3A_290 : i32
        %jit3A_292 = arith.constant 17 : i32
        %select_n3A_293 = arith.select %eq3A_291, %jit3A_292, %select_n3A_289 : i32
        %eq3A_294 = arith.constant 10 : i32
        %eq3A_295 = arith.cmpi eq, %select_n3A_238, %eq3A_294 : i32
        %jit3A_296 = arith.constant 16 : i32
        %select_n3A_297 = arith.select %eq3A_295, %jit3A_296, %select_n3A_293 : i32
        %eq3A_298 = arith.constant 11 : i32
        %eq3A_299 = arith.cmpi eq, %select_n3A_238, %eq3A_298 : i32
        %jit3A_300 = arith.constant 14 : i32
        %select_n3A_301 = arith.select %eq3A_299, %jit3A_300, %select_n3A_297 : i32
        %eq3A_302 = arith.constant 12 : i32
        %eq3A_303 = arith.cmpi eq, %select_n3A_238, %eq3A_302 : i32
        %jit3A_304 = arith.constant 18 : i32
        %select_n3A_305 = arith.select %eq3A_303, %jit3A_304, %select_n3A_301 : i32
        %eq3A_306 = arith.constant 13 : i32
        %eq3A_307 = arith.cmpi eq, %select_n3A_238, %eq3A_306 : i32
        %jit3A_308 = arith.constant 17 : i32
        %select_n3A_309 = arith.select %eq3A_307, %jit3A_308, %select_n3A_305 : i32
        %eq3A_310 = arith.constant 14 : i32
        %eq3A_311 = arith.cmpi eq, %select_n3A_238, %eq3A_310 : i32
        %jit3A_312 = arith.constant 16 : i32
        %select_n3A_313 = arith.select %eq3A_311, %jit3A_312, %select_n3A_309 : i32
        %eq3A_314 = arith.constant 15 : i32
        %eq3A_315 = arith.cmpi eq, %select_n3A_238, %eq3A_314 : i32
        %jit3A_316 = arith.constant 18 : i32
        %select_n3A_317 = arith.select %eq3A_315, %jit3A_316, %select_n3A_313 : i32
        %mul3A_318 = arith.constant 8 : i32
        %mul3A_319 = arith.muli %add3A, %mul3A_318 : i32
        %add3A_320 = arith.addi %mul3A_319, %scan3A_201 : i32
        %jit3A_321 = arith.constant 16 : i32
        %div3A_322 = arith.divsi %add3A_320, %jit3A_321 : i32
        %sign3A_323 = arith.constant 0 : i32
        %sign3A_324 = arith.cmpi sgt, %add3A_320, %sign3A_323 : i32
        %sign3A_325 = arith.extui %sign3A_324 : i1 to i32
        %sign3A_326 = arith.constant 0 : i32
        %sign3A_327 = arith.cmpi slt, %add3A_320, %sign3A_326 : i32
        %sign3A_328 = arith.extui %sign3A_327 : i1 to i32
        %sign3A_329 = arith.subi %sign3A_325, %sign3A_328 : i32
        %sign3A_330 = arith.constant 0 : i32
        %sign3A_331 = arith.cmpi sgt, %jit3A_321, %sign3A_330 : i32
        %sign3A_332 = arith.extui %sign3A_331 : i1 to i32
        %sign3A_333 = arith.constant 0 : i32
        %sign3A_334 = arith.cmpi slt, %jit3A_321, %sign3A_333 : i32
        %sign3A_335 = arith.extui %sign3A_334 : i1 to i32
        %sign3A_336 = arith.subi %sign3A_332, %sign3A_335 : i32
        %ne3A_337 = arith.cmpi ne, %sign3A_329, %sign3A_336 : i32
        %rem3A_338 = arith.remsi %add3A_320, %jit3A_321 : i32
        %ne3A_339 = arith.constant 0 : i32
        %ne3A_340 = arith.cmpi ne, %rem3A_338, %ne3A_339 : i32
        %and3A_341 = arith.andi %ne3A_337, %ne3A_340 : i1
        %sub3A_342 = arith.constant 1 : i32
        %sub3A_343 = arith.subi %div3A_322, %sub3A_342 : i32
        %select_n3A_344 = arith.select %and3A_341, %sub3A_343, %div3A_322 : i32
        %jit3A_345 = arith.constant 16 : i32
        %eq3A_346 = arith.constant 0 : i32
        %eq3A_347 = arith.cmpi eq, %jit3A_345, %eq3A_346 : i32
        %jit3A_348 = arith.constant 1 : i32
        %select_n3A_349 = arith.select %eq3A_347, %jit3A_348, %jit3A_345 : i32
        %rem3A_350 = arith.remsi %add3A_320, %select_n3A_349 : i32
        %ne3A_351 = arith.constant 0 : i32
        %ne3A_352 = arith.cmpi ne, %rem3A_350, %ne3A_351 : i32
        %lt3A_353 = arith.constant 0 : i32
        %lt3A_354 = arith.cmpi slt, %rem3A_350, %lt3A_353 : i32
        %lt3A_355 = arith.constant 0 : i32
        %lt3A_356 = arith.cmpi slt, %select_n3A_349, %lt3A_355 : i32
        %ne3A_357 = arith.xori %lt3A_354, %lt3A_356 : i1
        %and3A_358 = arith.andi %ne3A_357, %ne3A_352 : i1
        %add3A_359 = arith.addi %rem3A_350, %select_n3A_349 : i32
        %select_n3A_360 = arith.select %and3A_358, %add3A_359, %rem3A_350 : i32
        %mul3A_361 = arith.constant 8 : i32
        %mul3A_362 = arith.muli %select_n3A_360, %mul3A_361 : i32
        %dma_wait3A_363 = arith.constant 0 : i32
        %dma_wait3A_364 = tpu.memref_slice %arg2[%select_n3A_344, %mul3A_362, %dma_wait3A_363] : memref<64x128x4096xf32, #tpu.memory_space<hbm>> -> memref<1x8x4096xf32, #tpu.memory_space<hbm>>
        %dma_wait3A_365 = tpu.memref_squeeze %dma_wait3A_364 : memref<1x8x4096xf32, #tpu.memory_space<hbm>> -> memref<8x4096xf32, #tpu.memory_space<hbm>>
        %dma_wait3A_366 = arith.constant 0 : i32
        %dma_wait3A_367 = tpu.memref_slice %arg2[%select_n3A_344, %mul3A_362, %dma_wait3A_366] : memref<64x128x4096xf32, #tpu.memory_space<hbm>> -> memref<1x8x4096xf32, #tpu.memory_space<hbm>>
        %dma_wait3A_368 = tpu.memref_squeeze %dma_wait3A_367 : memref<1x8x4096xf32, #tpu.memory_space<hbm>> -> memref<8x4096xf32, #tpu.memory_space<hbm>>
        tpu.wait_dma2 semaphore(%arg7 : memref<!tpu.dma_semaphore, #tpu.memory_space<semaphore_mem>>) src(%dma_wait3A_368 : memref<8x4096xf32, #tpu.memory_space<hbm>>) dst(%arg4 : memref<8x4096xf32, #tpu.memory_space<vmem>>)
        %parallel_loop3A = arith.constant 0 : i32
        %parallel_loop3A_369 = arith.constant 256 : i32
        %parallel_loop3A_370 = arith.constant 1 : i32
        scf.for %parallel_loop3A_618 = %parallel_loop3A to %parallel_loop3A_369 step %parallel_loop3A_370  : i32 {
          %parallel_loop3A_619 = arith.constant 16 : i32
          %parallel_loop3A_620 = arith.muli %parallel_loop3A_618, %parallel_loop3A_619 : i32
          %parallel_loop3A_621 = arith.constant 0 : i32
          %parallel_loop3A_622 = arith.index_cast %parallel_loop3A_621 : i32 to index
          %parallel_loop3A_623 = arith.index_cast %parallel_loop3A_620 : i32 to index
          %parallel_loop3A_624 = tpu.vector_load %arg4[%parallel_loop3A_622, %parallel_loop3A_623] {strides = array<i32>} : memref<8x4096xf32, #tpu.memory_space<vmem>>, vector<1x16xf32>,
          %parallel_loop3A_625 = vector.shape_cast %parallel_loop3A_624 : vector<1x16xf32> to vector<16xf32>
          %parallel_loop3A_626 = arith.constant 16 : i32
          %parallel_loop3A_627 = arith.muli %parallel_loop3A_618, %parallel_loop3A_626 : i32
          %parallel_loop3A_628 = arith.constant 16 : i32
          %parallel_loop3A_629 = arith.addi %parallel_loop3A_628, %parallel_loop3A_627 : i32
          %parallel_loop3A_630 = arith.index_cast %parallel_loop3A_629 : i32 to index
          %parallel_loop3A_631 = tpu.vector_load %arg6[%parallel_loop3A_630] {strides = array<i32>} : memref<33024xf32, #tpu.memory_space<vmem>>, vector<16xf32>,
          %parallel_loop3A_632 = vector.shape_cast %parallel_loop3A_631 : vector<16xf32> to vector<16xf32>
          %parallel_loop3A_633 = vector.shape_cast %parallel_loop3A_625 : vector<16xf32> to vector<16xf32>
          tpu.vector_store %arg6[%parallel_loop3A_630], %parallel_loop3A_633 {strides = array<i32>} : memref<33024xf32, #tpu.memory_space<vmem>>, vector<16xf32>,
        } {sc.loop_unroll_factor = 8 : i64, sc.parallel_access}
        %get3A = arith.constant 0 : i32
        %get3A_371 = arith.index_cast %get3A : i32 to index
        %get3A_372 = arith.constant 4080 : index
        %get3A_373 = tpu.vector_load %arg4[%get3A_371, %get3A_372] {strides = array<i32>} : memref<8x4096xf32, #tpu.memory_space<vmem>>, vector<1x16xf32>,
        %get3A_374 = vector.shape_cast %get3A_373 : vector<1x16xf32> to vector<16xf32>
        %swap3A = arith.constant 0 : index
        %swap3A_375 = tpu.vector_load %arg6[%swap3A] {strides = array<i32>} : memref<33024xf32, #tpu.memory_space<vmem>>, vector<16xf32>,
        %swap3A_376 = vector.shape_cast %swap3A_375 : vector<16xf32> to vector<16xf32>
        %swap3A_377 = vector.shape_cast %get3A_374 : vector<16xf32> to vector<16xf32>
        tpu.vector_store %arg6[%swap3A], %swap3A_377 {strides = array<i32>} : memref<33024xf32, #tpu.memory_space<vmem>>, vector<16xf32>,
        %get3A_378 = arith.constant 0 : i32
        %get3A_379 = arith.index_cast %get3A_378 : i32 to index
        %get3A_380 = arith.constant 0 : index
        %get3A_381 = tpu.vector_load %arg4[%get3A_379, %get3A_380] {strides = array<i32>} : memref<8x4096xf32, #tpu.memory_space<vmem>>, vector<1x16xf32>,
        %get3A_382 = vector.shape_cast %get3A_381 : vector<1x16xf32> to vector<16xf32>
        %swap3A_383 = arith.constant 4112 : index
        %swap3A_384 = tpu.vector_load %arg6[%swap3A_383] {strides = array<i32>} : memref<33024xf32, #tpu.memory_space<vmem>>, vector<16xf32>,
        %swap3A_385 = vector.shape_cast %swap3A_384 : vector<16xf32> to vector<16xf32>
        %swap3A_386 = vector.shape_cast %get3A_382 : vector<16xf32> to vector<16xf32>
        tpu.vector_store %arg6[%swap3A_383], %swap3A_386 {strides = array<i32>} : memref<33024xf32, #tpu.memory_space<vmem>>, vector<16xf32>,
        %parallel_loop3A_387 = arith.constant 0 : i32
        %parallel_loop3A_388 = arith.constant 256 : i32
        %parallel_loop3A_389 = arith.constant 1 : i32
        scf.for %parallel_loop3A_618 = %parallel_loop3A_387 to %parallel_loop3A_388 step %parallel_loop3A_389  : i32 {
          %parallel_loop3A_619 = arith.constant 16 : i32
          %parallel_loop3A_620 = arith.muli %parallel_loop3A_618, %parallel_loop3A_619 : i32
          %parallel_loop3A_621 = arith.constant 1 : i32
          %parallel_loop3A_622 = arith.index_cast %parallel_loop3A_621 : i32 to index
          %parallel_loop3A_623 = arith.index_cast %parallel_loop3A_620 : i32 to index
          %parallel_loop3A_624 = tpu.vector_load %arg4[%parallel_loop3A_622, %parallel_loop3A_623] {strides = array<i32>} : memref<8x4096xf32, #tpu.memory_space<vmem>>, vector<1x16xf32>,
          %parallel_loop3A_625 = vector.shape_cast %parallel_loop3A_624 : vector<1x16xf32> to vector<16xf32>
          %parallel_loop3A_626 = arith.constant 16 : i32
          %parallel_loop3A_627 = arith.muli %parallel_loop3A_618, %parallel_loop3A_626 : i32
          %parallel_loop3A_628 = arith.constant 4144 : i32
          %parallel_loop3A_629 = arith.addi %parallel_loop3A_628, %parallel_loop3A_627 : i32
          %parallel_loop3A_630 = arith.index_cast %parallel_loop3A_629 : i32 to index
          %parallel_loop3A_631 = tpu.vector_load %arg6[%parallel_loop3A_630] {strides = array<i32>} : memref<33024xf32, #tpu.memory_space<vmem>>, vector<16xf32>,
          %parallel_loop3A_632 = vector.shape_cast %parallel_loop3A_631 : vector<16xf32> to vector<16xf32>
          %parallel_loop3A_633 = vector.shape_cast %parallel_loop3A_625 : vector<16xf32> to vector<16xf32>
          tpu.vector_store %arg6[%parallel_loop3A_630], %parallel_loop3A_633 {strides = array<i32>} : memref<33024xf32, #tpu.memory_space<vmem>>, vector<16xf32>,
        } {sc.loop_unroll_factor = 8 : i64, sc.parallel_access}
        %get3A_390 = arith.constant 1 : i32
        %get3A_391 = arith.index_cast %get3A_390 : i32 to index
        %get3A_392 = arith.constant 4080 : index
        %get3A_393 = tpu.vector_load %arg4[%get3A_391, %get3A_392] {strides = array<i32>} : memref<8x4096xf32, #tpu.memory_space<vmem>>, vector<1x16xf32>,
        %get3A_394 = vector.shape_cast %get3A_393 : vector<1x16xf32> to vector<16xf32>
        %swap3A_395 = arith.constant 4128 : index
        %swap3A_396 = tpu.vector_load %arg6[%swap3A_395] {strides = array<i32>} : memref<33024xf32, #tpu.memory_space<vmem>>, vector<16xf32>,
        %swap3A_397 = vector.shape_cast %swap3A_396 : vector<16xf32> to vector<16xf32>
        %swap3A_398 = vector.shape_cast %get3A_394 : vector<16xf32> to vector<16xf32>
        tpu.vector_store %arg6[%swap3A_395], %swap3A_398 {strides = array<i32>} : memref<33024xf32, #tpu.memory_space<vmem>>, vector<16xf32>,
        %get3A_399 = arith.constant 1 : i32
        %get3A_400 = arith.index_cast %get3A_399 : i32 to index
        %get3A_401 = arith.constant 0 : index
        %get3A_402 = tpu.vector_load %arg4[%get3A_400, %get3A_401] {strides = array<i32>} : memref<8x4096xf32, #tpu.memory_space<vmem>>, vector<1x16xf32>,
        %get3A_403 = vector.shape_cast %get3A_402 : vector<1x16xf32> to vector<16xf32>
        %swap3A_404 = arith.constant 8240 : index
        %swap3A_405 = tpu.vector_load %arg6[%swap3A_404] {strides = array<i32>} : memref<33024xf32, #tpu.memory_space<vmem>>, vector<16xf32>,
        %swap3A_406 = vector.shape_cast %swap3A_405 : vector<16xf32> to vector<16xf32>
        %swap3A_407 = vector.shape_cast %get3A_403 : vector<16xf32> to vector<16xf32>
        tpu.vector_store %arg6[%swap3A_404], %swap3A_407 {strides = array<i32>} : memref<33024xf32, #tpu.memory_space<vmem>>, vector<16xf32>,
        %parallel_loop3A_408 = arith.constant 0 : i32
        %parallel_loop3A_409 = arith.constant 256 : i32
        %parallel_loop3A_410 = arith.constant 1 : i32
        scf.for %parallel_loop3A_618 = %parallel_loop3A_408 to %parallel_loop3A_409 step %parallel_loop3A_410  : i32 {
          %parallel_loop3A_619 = arith.constant 16 : i32
          %parallel_loop3A_620 = arith.muli %parallel_loop3A_618, %parallel_loop3A_619 : i32
          %parallel_loop3A_621 = arith.constant 2 : i32
          %parallel_loop3A_622 = arith.index_cast %parallel_loop3A_621 : i32 to index
          %parallel_loop3A_623 = arith.index_cast %parallel_loop3A_620 : i32 to index
          %parallel_loop3A_624 = tpu.vector_load %arg4[%parallel_loop3A_622, %parallel_loop3A_623] {strides = array<i32>} : memref<8x4096xf32, #tpu.memory_space<vmem>>, vector<1x16xf32>,
          %parallel_loop3A_625 = vector.shape_cast %parallel_loop3A_624 : vector<1x16xf32> to vector<16xf32>
          %parallel_loop3A_626 = arith.constant 16 : i32
          %parallel_loop3A_627 = arith.muli %parallel_loop3A_618, %parallel_loop3A_626 : i32
          %parallel_loop3A_628 = arith.constant 8272 : i32
          %parallel_loop3A_629 = arith.addi %parallel_loop3A_628, %parallel_loop3A_627 : i32
          %parallel_loop3A_630 = arith.index_cast %parallel_loop3A_629 : i32 to index
          %parallel_loop3A_631 = tpu.vector_load %arg6[%parallel_loop3A_630] {strides = array<i32>} : memref<33024xf32, #tpu.memory_space<vmem>>, vector<16xf32>,
          %parallel_loop3A_632 = vector.shape_cast %parallel_loop3A_631 : vector<16xf32> to vector<16xf32>
          %parallel_loop3A_633 = vector.shape_cast %parallel_loop3A_625 : vector<16xf32> to vector<16xf32>
          tpu.vector_store %arg6[%parallel_loop3A_630], %parallel_loop3A_633 {strides = array<i32>} : memref<33024xf32, #tpu.memory_space<vmem>>, vector<16xf32>,
        } {sc.loop_unroll_factor = 8 : i64, sc.parallel_access}
        %get3A_411 = arith.constant 2 : i32
        %get3A_412 = arith.index_cast %get3A_411 : i32 to index
        %get3A_413 = arith.constant 4080 : index
        %get3A_414 = tpu.vector_load %arg4[%get3A_412, %get3A_413] {strides = array<i32>} : memref<8x4096xf32, #tpu.memory_space<vmem>>, vector<1x16xf32>,
        %get3A_415 = vector.shape_cast %get3A_414 : vector<1x16xf32> to vector<16xf32>
        %swap3A_416 = arith.constant 8256 : index
        %swap3A_417 = tpu.vector_load %arg6[%swap3A_416] {strides = array<i32>} : memref<33024xf32, #tpu.memory_space<vmem>>, vector<16xf32>,
        %swap3A_418 = vector.shape_cast %swap3A_417 : vector<16xf32> to vector<16xf32>
        %swap3A_419 = vector.shape_cast %get3A_415 : vector<16xf32> to vector<16xf32>
        tpu.vector_store %arg6[%swap3A_416], %swap3A_419 {strides = array<i32>} : memref<33024xf32, #tpu.memory_space<vmem>>, vector<16xf32>,
        %get3A_420 = arith.constant 2 : i32
        %get3A_421 = arith.index_cast %get3A_420 : i32 to index
        %get3A_422 = arith.constant 0 : index
        %get3A_423 = tpu.vector_load %arg4[%get3A_421, %get3A_422] {strides = array<i32>} : memref<8x4096xf32, #tpu.memory_space<vmem>>, vector<1x16xf32>,
        %get3A_424 = vector.shape_cast %get3A_423 : vector<1x16xf32> to vector<16xf32>
        %swap3A_425 = arith.constant 12368 : index
        %swap3A_426 = tpu.vector_load %arg6[%swap3A_425] {strides = array<i32>} : memref<33024xf32, #tpu.memory_space<vmem>>, vector<16xf32>,
        %swap3A_427 = vector.shape_cast %swap3A_426 : vector<16xf32> to vector<16xf32>
        %swap3A_428 = vector.shape_cast %get3A_424 : vector<16xf32> to vector<16xf32>
        tpu.vector_store %arg6[%swap3A_425], %swap3A_428 {strides = array<i32>} : memref<33024xf32, #tpu.memory_space<vmem>>, vector<16xf32>,
        %parallel_loop3A_429 = arith.constant 0 : i32
        %parallel_loop3A_430 = arith.constant 256 : i32
        %parallel_loop3A_431 = arith.constant 1 : i32
        scf.for %parallel_loop3A_618 = %parallel_loop3A_429 to %parallel_loop3A_430 step %parallel_loop3A_431  : i32 {
          %parallel_loop3A_619 = arith.constant 16 : i32
          %parallel_loop3A_620 = arith.muli %parallel_loop3A_618, %parallel_loop3A_619 : i32
          %parallel_loop3A_621 = arith.constant 3 : i32
          %parallel_loop3A_622 = arith.index_cast %parallel_loop3A_621 : i32 to index
          %parallel_loop3A_623 = arith.index_cast %parallel_loop3A_620 : i32 to index
          %parallel_loop3A_624 = tpu.vector_load %arg4[%parallel_loop3A_622, %parallel_loop3A_623] {strides = array<i32>} : memref<8x4096xf32, #tpu.memory_space<vmem>>, vector<1x16xf32>,
          %parallel_loop3A_625 = vector.shape_cast %parallel_loop3A_624 : vector<1x16xf32> to vector<16xf32>
          %parallel_loop3A_626 = arith.constant 16 : i32
          %parallel_loop3A_627 = arith.muli %parallel_loop3A_618, %parallel_loop3A_626 : i32
          %parallel_loop3A_628 = arith.constant 12400 : i32
          %parallel_loop3A_629 = arith.addi %parallel_loop3A_628, %parallel_loop3A_627 : i32
          %parallel_loop3A_630 = arith.index_cast %parallel_loop3A_629 : i32 to index
          %parallel_loop3A_631 = tpu.vector_load %arg6[%parallel_loop3A_630] {strides = array<i32>} : memref<33024xf32, #tpu.memory_space<vmem>>, vector<16xf32>,
          %parallel_loop3A_632 = vector.shape_cast %parallel_loop3A_631 : vector<16xf32> to vector<16xf32>
          %parallel_loop3A_633 = vector.shape_cast %parallel_loop3A_625 : vector<16xf32> to vector<16xf32>
          tpu.vector_store %arg6[%parallel_loop3A_630], %parallel_loop3A_633 {strides = array<i32>} : memref<33024xf32, #tpu.memory_space<vmem>>, vector<16xf32>,
        } {sc.loop_unroll_factor = 8 : i64, sc.parallel_access}
        %get3A_432 = arith.constant 3 : i32
        %get3A_433 = arith.index_cast %get3A_432 : i32 to index
        %get3A_434 = arith.constant 4080 : index
        %get3A_435 = tpu.vector_load %arg4[%get3A_433, %get3A_434] {strides = array<i32>} : memref<8x4096xf32, #tpu.memory_space<vmem>>, vector<1x16xf32>,
        %get3A_436 = vector.shape_cast %get3A_435 : vector<1x16xf32> to vector<16xf32>
        %swap3A_437 = arith.constant 12384 : index
        %swap3A_438 = tpu.vector_load %arg6[%swap3A_437] {strides = array<i32>} : memref<33024xf32, #tpu.memory_space<vmem>>, vector<16xf32>,
        %swap3A_439 = vector.shape_cast %swap3A_438 : vector<16xf32> to vector<16xf32>
        %swap3A_440 = vector.shape_cast %get3A_436 : vector<16xf32> to vector<16xf32>
        tpu.vector_store %arg6[%swap3A_437], %swap3A_440 {strides = array<i32>} : memref<33024xf32, #tpu.memory_space<vmem>>, vector<16xf32>,
        %get3A_441 = arith.constant 3 : i32
        %get3A_442 = arith.index_cast %get3A_441 : i32 to index
        %get3A_443 = arith.constant 0 : index
        %get3A_444 = tpu.vector_load %arg4[%get3A_442, %get3A_443] {strides = array<i32>} : memref<8x4096xf32, #tpu.memory_space<vmem>>, vector<1x16xf32>,
        %get3A_445 = vector.shape_cast %get3A_444 : vector<1x16xf32> to vector<16xf32>
        %swap3A_446 = arith.constant 16496 : index
        %swap3A_447 = tpu.vector_load %arg6[%swap3A_446] {strides = array<i32>} : memref<33024xf32, #tpu.memory_space<vmem>>, vector<16xf32>,
        %swap3A_448 = vector.shape_cast %swap3A_447 : vector<16xf32> to vector<16xf32>
        %swap3A_449 = vector.shape_cast %get3A_445 : vector<16xf32> to vector<16xf32>
        tpu.vector_store %arg6[%swap3A_446], %swap3A_449 {strides = array<i32>} : memref<33024xf32, #tpu.memory_space<vmem>>, vector<16xf32>,
        %parallel_loop3A_450 = arith.constant 0 : i32
        %parallel_loop3A_451 = arith.constant 256 : i32
        %parallel_loop3A_452 = arith.constant 1 : i32
        scf.for %parallel_loop3A_618 = %parallel_loop3A_450 to %parallel_loop3A_451 step %parallel_loop3A_452  : i32 {
          %parallel_loop3A_619 = arith.constant 16 : i32
          %parallel_loop3A_620 = arith.muli %parallel_loop3A_618, %parallel_loop3A_619 : i32
          %parallel_loop3A_621 = arith.constant 4 : i32
          %parallel_loop3A_622 = arith.index_cast %parallel_loop3A_621 : i32 to index
          %parallel_loop3A_623 = arith.index_cast %parallel_loop3A_620 : i32 to index
          %parallel_loop3A_624 = tpu.vector_load %arg4[%parallel_loop3A_622, %parallel_loop3A_623] {strides = array<i32>} : memref<8x4096xf32, #tpu.memory_space<vmem>>, vector<1x16xf32>,
          %parallel_loop3A_625 = vector.shape_cast %parallel_loop3A_624 : vector<1x16xf32> to vector<16xf32>
          %parallel_loop3A_626 = arith.constant 16 : i32
          %parallel_loop3A_627 = arith.muli %parallel_loop3A_618, %parallel_loop3A_626 : i32
          %parallel_loop3A_628 = arith.constant 16528 : i32
          %parallel_loop3A_629 = arith.addi %parallel_loop3A_628, %parallel_loop3A_627 : i32
          %parallel_loop3A_630 = arith.index_cast %parallel_loop3A_629 : i32 to index
          %parallel_loop3A_631 = tpu.vector_load %arg6[%parallel_loop3A_630] {strides = array<i32>} : memref<33024xf32, #tpu.memory_space<vmem>>, vector<16xf32>,
          %parallel_loop3A_632 = vector.shape_cast %parallel_loop3A_631 : vector<16xf32> to vector<16xf32>
          %parallel_loop3A_633 = vector.shape_cast %parallel_loop3A_625 : vector<16xf32> to vector<16xf32>
          tpu.vector_store %arg6[%parallel_loop3A_630], %parallel_loop3A_633 {strides = array<i32>} : memref<33024xf32, #tpu.memory_space<vmem>>, vector<16xf32>,
        } {sc.loop_unroll_factor = 8 : i64, sc.parallel_access}
        %get3A_453 = arith.constant 4 : i32
        %get3A_454 = arith.index_cast %get3A_453 : i32 to index
        %get3A_455 = arith.constant 4080 : index
        %get3A_456 = tpu.vector_load %arg4[%get3A_454, %get3A_455] {strides = array<i32>} : memref<8x4096xf32, #tpu.memory_space<vmem>>, vector<1x16xf32>,
        %get3A_457 = vector.shape_cast %get3A_456 : vector<1x16xf32> to vector<16xf32>
        %swap3A_458 = arith.constant 16512 : index
        %swap3A_459 = tpu.vector_load %arg6[%swap3A_458] {strides = array<i32>} : memref<33024xf32, #tpu.memory_space<vmem>>, vector<16xf32>,
        %swap3A_460 = vector.shape_cast %swap3A_459 : vector<16xf32> to vector<16xf32>
        %swap3A_461 = vector.shape_cast %get3A_457 : vector<16xf32> to vector<16xf32>
        tpu.vector_store %arg6[%swap3A_458], %swap3A_461 {strides = array<i32>} : memref<33024xf32, #tpu.memory_space<vmem>>, vector<16xf32>,
        %get3A_462 = arith.constant 4 : i32
        %get3A_463 = arith.index_cast %get3A_462 : i32 to index
        %get3A_464 = arith.constant 0 : index
        %get3A_465 = tpu.vector_load %arg4[%get3A_463, %get3A_464] {strides = array<i32>} : memref<8x4096xf32, #tpu.memory_space<vmem>>, vector<1x16xf32>,
        %get3A_466 = vector.shape_cast %get3A_465 : vector<1x16xf32> to vector<16xf32>
        %swap3A_467 = arith.constant 20624 : index
        %swap3A_468 = tpu.vector_load %arg6[%swap3A_467] {strides = array<i32>} : memref<33024xf32, #tpu.memory_space<vmem>>, vector<16xf32>,
        %swap3A_469 = vector.shape_cast %swap3A_468 : vector<16xf32> to vector<16xf32>
        %swap3A_470 = vector.shape_cast %get3A_466 : vector<16xf32> to vector<16xf32>
        tpu.vector_store %arg6[%swap3A_467], %swap3A_470 {strides = array<i32>} : memref<33024xf32, #tpu.memory_space<vmem>>, vector<16xf32>,
        %parallel_loop3A_471 = arith.constant 0 : i32
        %parallel_loop3A_472 = arith.constant 256 : i32
        %parallel_loop3A_473 = arith.constant 1 : i32
        scf.for %parallel_loop3A_618 = %parallel_loop3A_471 to %parallel_loop3A_472 step %parallel_loop3A_473  : i32 {
          %parallel_loop3A_619 = arith.constant 16 : i32
          %parallel_loop3A_620 = arith.muli %parallel_loop3A_618, %parallel_loop3A_619 : i32
          %parallel_loop3A_621 = arith.constant 5 : i32
          %parallel_loop3A_622 = arith.index_cast %parallel_loop3A_621 : i32 to index
          %parallel_loop3A_623 = arith.index_cast %parallel_loop3A_620 : i32 to index
          %parallel_loop3A_624 = tpu.vector_load %arg4[%parallel_loop3A_622, %parallel_loop3A_623] {strides = array<i32>} : memref<8x4096xf32, #tpu.memory_space<vmem>>, vector<1x16xf32>,
          %parallel_loop3A_625 = vector.shape_cast %parallel_loop3A_624 : vector<1x16xf32> to vector<16xf32>
          %parallel_loop3A_626 = arith.constant 16 : i32
          %parallel_loop3A_627 = arith.muli %parallel_loop3A_618, %parallel_loop3A_626 : i32
          %parallel_loop3A_628 = arith.constant 20656 : i32
          %parallel_loop3A_629 = arith.addi %parallel_loop3A_628, %parallel_loop3A_627 : i32
          %parallel_loop3A_630 = arith.index_cast %parallel_loop3A_629 : i32 to index
          %parallel_loop3A_631 = tpu.vector_load %arg6[%parallel_loop3A_630] {strides = array<i32>} : memref<33024xf32, #tpu.memory_space<vmem>>, vector<16xf32>,
          %parallel_loop3A_632 = vector.shape_cast %parallel_loop3A_631 : vector<16xf32> to vector<16xf32>
          %parallel_loop3A_633 = vector.shape_cast %parallel_loop3A_625 : vector<16xf32> to vector<16xf32>
          tpu.vector_store %arg6[%parallel_loop3A_630], %parallel_loop3A_633 {strides = array<i32>} : memref<33024xf32, #tpu.memory_space<vmem>>, vector<16xf32>,
        } {sc.loop_unroll_factor = 8 : i64, sc.parallel_access}
        %get3A_474 = arith.constant 5 : i32
        %get3A_475 = arith.index_cast %get3A_474 : i32 to index
        %get3A_476 = arith.constant 4080 : index
        %get3A_477 = tpu.vector_load %arg4[%get3A_475, %get3A_476] {strides = array<i32>} : memref<8x4096xf32, #tpu.memory_space<vmem>>, vector<1x16xf32>,
        %get3A_478 = vector.shape_cast %get3A_477 : vector<1x16xf32> to vector<16xf32>
        %swap3A_479 = arith.constant 20640 : index
        %swap3A_480 = tpu.vector_load %arg6[%swap3A_479] {strides = array<i32>} : memref<33024xf32, #tpu.memory_space<vmem>>, vector<16xf32>,
        %swap3A_481 = vector.shape_cast %swap3A_480 : vector<16xf32> to vector<16xf32>
        %swap3A_482 = vector.shape_cast %get3A_478 : vector<16xf32> to vector<16xf32>
        tpu.vector_store %arg6[%swap3A_479], %swap3A_482 {strides = array<i32>} : memref<33024xf32, #tpu.memory_space<vmem>>, vector<16xf32>,
        %get3A_483 = arith.constant 5 : i32
        %get3A_484 = arith.index_cast %get3A_483 : i32 to index
        %get3A_485 = arith.constant 0 : index
        %get3A_486 = tpu.vector_load %arg4[%get3A_484, %get3A_485] {strides = array<i32>} : memref<8x4096xf32, #tpu.memory_space<vmem>>, vector<1x16xf32>,
        %get3A_487 = vector.shape_cast %get3A_486 : vector<1x16xf32> to vector<16xf32>
        %swap3A_488 = arith.constant 24752 : index
        %swap3A_489 = tpu.vector_load %arg6[%swap3A_488] {strides = array<i32>} : memref<33024xf32, #tpu.memory_space<vmem>>, vector<16xf32>,
        %swap3A_490 = vector.shape_cast %swap3A_489 : vector<16xf32> to vector<16xf32>
        %swap3A_491 = vector.shape_cast %get3A_487 : vector<16xf32> to vector<16xf32>
        tpu.vector_store %arg6[%swap3A_488], %swap3A_491 {strides = array<i32>} : memref<33024xf32, #tpu.memory_space<vmem>>, vector<16xf32>,
        %parallel_loop3A_492 = arith.constant 0 : i32
        %parallel_loop3A_493 = arith.constant 256 : i32
        %parallel_loop3A_494 = arith.constant 1 : i32
        scf.for %parallel_loop3A_618 = %parallel_loop3A_492 to %parallel_loop3A_493 step %parallel_loop3A_494  : i32 {
          %parallel_loop3A_619 = arith.constant 16 : i32
          %parallel_loop3A_620 = arith.muli %parallel_loop3A_618, %parallel_loop3A_619 : i32
          %parallel_loop3A_621 = arith.constant 6 : i32
          %parallel_loop3A_622 = arith.index_cast %parallel_loop3A_621 : i32 to index
          %parallel_loop3A_623 = arith.index_cast %parallel_loop3A_620 : i32 to index
          %parallel_loop3A_624 = tpu.vector_load %arg4[%parallel_loop3A_622, %parallel_loop3A_623] {strides = array<i32>} : memref<8x4096xf32, #tpu.memory_space<vmem>>, vector<1x16xf32>,
          %parallel_loop3A_625 = vector.shape_cast %parallel_loop3A_624 : vector<1x16xf32> to vector<16xf32>
          %parallel_loop3A_626 = arith.constant 16 : i32
          %parallel_loop3A_627 = arith.muli %parallel_loop3A_618, %parallel_loop3A_626 : i32
          %parallel_loop3A_628 = arith.constant 24784 : i32
          %parallel_loop3A_629 = arith.addi %parallel_loop3A_628, %parallel_loop3A_627 : i32
          %parallel_loop3A_630 = arith.index_cast %parallel_loop3A_629 : i32 to index
          %parallel_loop3A_631 = tpu.vector_load %arg6[%parallel_loop3A_630] {strides = array<i32>} : memref<33024xf32, #tpu.memory_space<vmem>>, vector<16xf32>,
          %parallel_loop3A_632 = vector.shape_cast %parallel_loop3A_631 : vector<16xf32> to vector<16xf32>
          %parallel_loop3A_633 = vector.shape_cast %parallel_loop3A_625 : vector<16xf32> to vector<16xf32>
          tpu.vector_store %arg6[%parallel_loop3A_630], %parallel_loop3A_633 {strides = array<i32>} : memref<33024xf32, #tpu.memory_space<vmem>>, vector<16xf32>,
        } {sc.loop_unroll_factor = 8 : i64, sc.parallel_access}
        %get3A_495 = arith.constant 6 : i32
        %get3A_496 = arith.index_cast %get3A_495 : i32 to index
        %get3A_497 = arith.constant 4080 : index
        %get3A_498 = tpu.vector_load %arg4[%get3A_496, %get3A_497] {strides = array<i32>} : memref<8x4096xf32, #tpu.memory_space<vmem>>, vector<1x16xf32>,
        %get3A_499 = vector.shape_cast %get3A_498 : vector<1x16xf32> to vector<16xf32>
        %swap3A_500 = arith.constant 24768 : index
        %swap3A_501 = tpu.vector_load %arg6[%swap3A_500] {strides = array<i32>} : memref<33024xf32, #tpu.memory_space<vmem>>, vector<16xf32>,
        %swap3A_502 = vector.shape_cast %swap3A_501 : vector<16xf32> to vector<16xf32>
        %swap3A_503 = vector.shape_cast %get3A_499 : vector<16xf32> to vector<16xf32>
        tpu.vector_store %arg6[%swap3A_500], %swap3A_503 {strides = array<i32>} : memref<33024xf32, #tpu.memory_space<vmem>>, vector<16xf32>,
        %get3A_504 = arith.constant 6 : i32
        %get3A_505 = arith.index_cast %get3A_504 : i32 to index
        %get3A_506 = arith.constant 0 : index
        %get3A_507 = tpu.vector_load %arg4[%get3A_505, %get3A_506] {strides = array<i32>} : memref<8x4096xf32, #tpu.memory_space<vmem>>, vector<1x16xf32>,
        %get3A_508 = vector.shape_cast %get3A_507 : vector<1x16xf32> to vector<16xf32>
        %swap3A_509 = arith.constant 28880 : index
        %swap3A_510 = tpu.vector_load %arg6[%swap3A_509] {strides = array<i32>} : memref<33024xf32, #tpu.memory_space<vmem>>, vector<16xf32>,
        %swap3A_511 = vector.shape_cast %swap3A_510 : vector<16xf32> to vector<16xf32>
        %swap3A_512 = vector.shape_cast %get3A_508 : vector<16xf32> to vector<16xf32>
        tpu.vector_store %arg6[%swap3A_509], %swap3A_512 {strides = array<i32>} : memref<33024xf32, #tpu.memory_space<vmem>>, vector<16xf32>,
        %parallel_loop3A_513 = arith.constant 0 : i32
        %parallel_loop3A_514 = arith.constant 256 : i32
        %parallel_loop3A_515 = arith.constant 1 : i32
        scf.for %parallel_loop3A_618 = %parallel_loop3A_513 to %parallel_loop3A_514 step %parallel_loop3A_515  : i32 {
          %parallel_loop3A_619 = arith.constant 16 : i32
          %parallel_loop3A_620 = arith.muli %parallel_loop3A_618, %parallel_loop3A_619 : i32
          %parallel_loop3A_621 = arith.constant 7 : i32
          %parallel_loop3A_622 = arith.index_cast %parallel_loop3A_621 : i32 to index
          %parallel_loop3A_623 = arith.index_cast %parallel_loop3A_620 : i32 to index
          %parallel_loop3A_624 = tpu.vector_load %arg4[%parallel_loop3A_622, %parallel_loop3A_623] {strides = array<i32>} : memref<8x4096xf32, #tpu.memory_space<vmem>>, vector<1x16xf32>,
          %parallel_loop3A_625 = vector.shape_cast %parallel_loop3A_624 : vector<1x16xf32> to vector<16xf32>
          %parallel_loop3A_626 = arith.constant 16 : i32
          %parallel_loop3A_627 = arith.muli %parallel_loop3A_618, %parallel_loop3A_626 : i32
          %parallel_loop3A_628 = arith.constant 28912 : i32
          %parallel_loop3A_629 = arith.addi %parallel_loop3A_628, %parallel_loop3A_627 : i32
          %parallel_loop3A_630 = arith.index_cast %parallel_loop3A_629 : i32 to index
          %parallel_loop3A_631 = tpu.vector_load %arg6[%parallel_loop3A_630] {strides = array<i32>} : memref<33024xf32, #tpu.memory_space<vmem>>, vector<16xf32>,
          %parallel_loop3A_632 = vector.shape_cast %parallel_loop3A_631 : vector<16xf32> to vector<16xf32>
          %parallel_loop3A_633 = vector.shape_cast %parallel_loop3A_625 : vector<16xf32> to vector<16xf32>
          tpu.vector_store %arg6[%parallel_loop3A_630], %parallel_loop3A_633 {strides = array<i32>} : memref<33024xf32, #tpu.memory_space<vmem>>, vector<16xf32>,
        } {sc.loop_unroll_factor = 8 : i64, sc.parallel_access}
        %get3A_516 = arith.constant 7 : i32
        %get3A_517 = arith.index_cast %get3A_516 : i32 to index
        %get3A_518 = arith.constant 4080 : index
        %get3A_519 = tpu.vector_load %arg4[%get3A_517, %get3A_518] {strides = array<i32>} : memref<8x4096xf32, #tpu.memory_space<vmem>>, vector<1x16xf32>,
        %get3A_520 = vector.shape_cast %get3A_519 : vector<1x16xf32> to vector<16xf32>
        %swap3A_521 = arith.constant 28896 : index
        %swap3A_522 = tpu.vector_load %arg6[%swap3A_521] {strides = array<i32>} : memref<33024xf32, #tpu.memory_space<vmem>>, vector<16xf32>,
        %swap3A_523 = vector.shape_cast %swap3A_522 : vector<16xf32> to vector<16xf32>
        %swap3A_524 = vector.shape_cast %get3A_520 : vector<16xf32> to vector<16xf32>
        tpu.vector_store %arg6[%swap3A_521], %swap3A_524 {strides = array<i32>} : memref<33024xf32, #tpu.memory_space<vmem>>, vector<16xf32>,
        %get3A_525 = arith.constant 7 : i32
        %get3A_526 = arith.index_cast %get3A_525 : i32 to index
        %get3A_527 = arith.constant 0 : index
        %get3A_528 = tpu.vector_load %arg4[%get3A_526, %get3A_527] {strides = array<i32>} : memref<8x4096xf32, #tpu.memory_space<vmem>>, vector<1x16xf32>,
        %get3A_529 = vector.shape_cast %get3A_528 : vector<1x16xf32> to vector<16xf32>
        %swap3A_530 = arith.constant 33008 : index
        %swap3A_531 = tpu.vector_load %arg6[%swap3A_530] {strides = array<i32>} : memref<33024xf32, #tpu.memory_space<vmem>>, vector<16xf32>,
        %swap3A_532 = vector.shape_cast %swap3A_531 : vector<16xf32> to vector<16xf32>
        %swap3A_533 = vector.shape_cast %get3A_529 : vector<16xf32> to vector<16xf32>
        tpu.vector_store %arg6[%swap3A_530], %swap3A_533 {strides = array<i32>} : memref<33024xf32, #tpu.memory_space<vmem>>, vector<16xf32>,
        %ge3A = arith.constant 1 : i32
        %ge3A_534 = arith.cmpi sge, %scan3A_201, %ge3A : i32
        %add3A_535 = arith.constant 1 : i32
        %add3A_536 = arith.addi %scan3A_201, %add3A_535 : i32
        %lt3A_537 = arith.constant 8 : i32
        %lt3A_538 = arith.cmpi slt, %add3A_536, %lt3A_537 : i32
        %and3A_539 = arith.andi %ge3A_534, %lt3A_538 : i1
        %convert_element_type3A_540 = arith.extui %and3A_539 : i1 to i32
        %cond3A_541 = arith.constant 0 : i32
        %cond3A_542 = arith.cmpi ne, %convert_element_type3A_540, %cond3A_541 : i32
        scf.if %cond3A_542 {
          %sub3A_618 = arith.constant 1 : i32
          %sub3A_619 = arith.subi %scan3A_201, %sub3A_618 : i32
          %mul3A_620 = arith.constant 8 : i32
          %mul3A_621 = arith.muli %add3A, %mul3A_620 : i32
          %add3A_622 = arith.addi %mul3A_621, %sub3A_619 : i32
          %jit3A_623 = arith.constant 16 : i32
          %div3A_624 = arith.divsi %add3A_622, %jit3A_623 : i32
          %sign3A_625 = arith.constant 0 : i32
          %sign3A_626 = arith.cmpi sgt, %add3A_622, %sign3A_625 : i32
          %sign3A_627 = arith.extui %sign3A_626 : i1 to i32
          %sign3A_628 = arith.constant 0 : i32
          %sign3A_629 = arith.cmpi slt, %add3A_622, %sign3A_628 : i32
          %sign3A_630 = arith.extui %sign3A_629 : i1 to i32
          %sign3A_631 = arith.subi %sign3A_627, %sign3A_630 : i32
          %sign3A_632 = arith.constant 0 : i32
          %sign3A_633 = arith.cmpi sgt, %jit3A_623, %sign3A_632 : i32
          %sign3A_634 = arith.extui %sign3A_633 : i1 to i32
          %sign3A_635 = arith.constant 0 : i32
          %sign3A_636 = arith.cmpi slt, %jit3A_623, %sign3A_635 : i32
          %sign3A_637 = arith.extui %sign3A_636 : i1 to i32
          %sign3A_638 = arith.subi %sign3A_634, %sign3A_637 : i32
          %ne3A_639 = arith.cmpi ne, %sign3A_631, %sign3A_638 : i32
          %rem3A_640 = arith.remsi %add3A_622, %jit3A_623 : i32
          %ne3A_641 = arith.constant 0 : i32
          %ne3A_642 = arith.cmpi ne, %rem3A_640, %ne3A_641 : i32
          %and3A_643 = arith.andi %ne3A_639, %ne3A_642 : i1
          %sub3A_644 = arith.constant 1 : i32
          %sub3A_645 = arith.subi %div3A_624, %sub3A_644 : i32
          %select_n3A_646 = arith.select %and3A_643, %sub3A_645, %div3A_624 : i32
          %jit3A_647 = arith.constant 16 : i32
          %eq3A_648 = arith.constant 0 : i32
          %eq3A_649 = arith.cmpi eq, %jit3A_647, %eq3A_648 : i32
          %jit3A_650 = arith.constant 1 : i32
          %select_n3A_651 = arith.select %eq3A_649, %jit3A_650, %jit3A_647 : i32
          %rem3A_652 = arith.remsi %add3A_622, %select_n3A_651 : i32
          %ne3A_653 = arith.constant 0 : i32
          %ne3A_654 = arith.cmpi ne, %rem3A_652, %ne3A_653 : i32
          %lt3A_655 = arith.constant 0 : i32
          %lt3A_656 = arith.cmpi slt, %rem3A_652, %lt3A_655 : i32
          %lt3A_657 = arith.constant 0 : i32
          %lt3A_658 = arith.cmpi slt, %select_n3A_651, %lt3A_657 : i32
          %ne3A_659 = arith.xori %lt3A_656, %lt3A_658 : i1
          %and3A_660 = arith.andi %ne3A_659, %ne3A_654 : i1
          %add3A_661 = arith.addi %rem3A_652, %select_n3A_651 : i32
          %select_n3A_662 = arith.select %and3A_660, %add3A_661, %rem3A_652 : i32
          %mul3A_663 = arith.constant 8 : i32
          %mul3A_664 = arith.muli %select_n3A_662, %mul3A_663 : i32
          %dma_wait3A_665 = arith.constant 0 : i32
          %dma_wait3A_666 = tpu.memref_slice %arg3[%select_n3A_646, %mul3A_664, %dma_wait3A_665] : memref<16x128x4096xf32, #tpu.memory_space<hbm>> -> memref<1x8x4096xf32, #tpu.memory_space<hbm>>
          %dma_wait3A_667 = tpu.memref_squeeze %dma_wait3A_666 : memref<1x8x4096xf32, #tpu.memory_space<hbm>> -> memref<8x4096xf32, #tpu.memory_space<hbm>>
          %dma_wait3A_668 = arith.constant 0 : i32
          %dma_wait3A_669 = tpu.memref_slice %arg3[%select_n3A_646, %mul3A_664, %dma_wait3A_668] : memref<16x128x4096xf32, #tpu.memory_space<hbm>> -> memref<1x8x4096xf32, #tpu.memory_space<hbm>>
          %dma_wait3A_670 = tpu.memref_squeeze %dma_wait3A_669 : memref<1x8x4096xf32, #tpu.memory_space<hbm>> -> memref<8x4096xf32, #tpu.memory_space<hbm>>
          tpu.wait_dma2 semaphore(%arg10 : memref<!tpu.dma_semaphore, #tpu.memory_space<semaphore_mem>>) src(%arg5 : memref<8x4096xf32, #tpu.memory_space<vmem>>) dst(%dma_wait3A_670 : memref<8x4096xf32, #tpu.memory_space<hbm>>)
          %add3A_671 = arith.constant 1 : i32
          %add3A_672 = arith.addi %scan3A_201, %add3A_671 : i32
          %mul3A_673 = arith.constant 8 : i32
          %mul3A_674 = arith.muli %add3A, %mul3A_673 : i32
          %add3A_675 = arith.addi %mul3A_674, %add3A_672 : i32
          %jit3A_676 = arith.constant 16 : i32
          %div3A_677 = arith.divsi %add3A_675, %jit3A_676 : i32
          %sign3A_678 = arith.constant 0 : i32
          %sign3A_679 = arith.cmpi sgt, %add3A_675, %sign3A_678 : i32
          %sign3A_680 = arith.extui %sign3A_679 : i1 to i32
          %sign3A_681 = arith.constant 0 : i32
          %sign3A_682 = arith.cmpi slt, %add3A_675, %sign3A_681 : i32
          %sign3A_683 = arith.extui %sign3A_682 : i1 to i32
          %sign3A_684 = arith.subi %sign3A_680, %sign3A_683 : i32
          %sign3A_685 = arith.constant 0 : i32
          %sign3A_686 = arith.cmpi sgt, %jit3A_676, %sign3A_685 : i32
          %sign3A_687 = arith.extui %sign3A_686 : i1 to i32
          %sign3A_688 = arith.constant 0 : i32
          %sign3A_689 = arith.cmpi slt, %jit3A_676, %sign3A_688 : i32
          %sign3A_690 = arith.extui %sign3A_689 : i1 to i32
          %sign3A_691 = arith.subi %sign3A_687, %sign3A_690 : i32
          %ne3A_692 = arith.cmpi ne, %sign3A_684, %sign3A_691 : i32
          %rem3A_693 = arith.remsi %add3A_675, %jit3A_676 : i32
          %ne3A_694 = arith.constant 0 : i32
          %ne3A_695 = arith.cmpi ne, %rem3A_693, %ne3A_694 : i32
          %and3A_696 = arith.andi %ne3A_692, %ne3A_695 : i1
          %sub3A_697 = arith.constant 1 : i32
          %sub3A_698 = arith.subi %div3A_677, %sub3A_697 : i32
          %select_n3A_699 = arith.select %and3A_696, %sub3A_698, %div3A_677 : i32
          %jit3A_700 = arith.constant 16 : i32
          %eq3A_701 = arith.constant 0 : i32
          %eq3A_702 = arith.cmpi eq, %jit3A_700, %eq3A_701 : i32
          %jit3A_703 = arith.constant 1 : i32
          %select_n3A_704 = arith.select %eq3A_702, %jit3A_703, %jit3A_700 : i32
          %rem3A_705 = arith.remsi %add3A_675, %select_n3A_704 : i32
          %ne3A_706 = arith.constant 0 : i32
          %ne3A_707 = arith.cmpi ne, %rem3A_705, %ne3A_706 : i32
          %lt3A_708 = arith.constant 0 : i32
          %lt3A_709 = arith.cmpi slt, %rem3A_705, %lt3A_708 : i32
          %lt3A_710 = arith.constant 0 : i32
          %lt3A_711 = arith.cmpi slt, %select_n3A_704, %lt3A_710 : i32
          %ne3A_712 = arith.xori %lt3A_709, %lt3A_711 : i1
          %and3A_713 = arith.andi %ne3A_712, %ne3A_707 : i1
          %add3A_714 = arith.addi %rem3A_705, %select_n3A_704 : i32
          %select_n3A_715 = arith.select %and3A_713, %add3A_714, %rem3A_705 : i32
          %mul3A_716 = arith.constant 8 : i32
          %mul3A_717 = arith.muli %select_n3A_715, %mul3A_716 : i32
          %dma_start3A_718 = arith.constant 0 : i32
          %dma_start3A_719 = tpu.memref_slice %arg2[%select_n3A_699, %mul3A_717, %dma_start3A_718] : memref<64x128x4096xf32, #tpu.memory_space<hbm>> -> memref<1x8x4096xf32, #tpu.memory_space<hbm>>
          %dma_start3A_720 = tpu.memref_squeeze %dma_start3A_719 : memref<1x8x4096xf32, #tpu.memory_space<hbm>> -> memref<8x4096xf32, #tpu.memory_space<hbm>>
          %dma_start3A_721 = arith.constant 0 : i32
          %dma_start3A_722 = tpu.memref_slice %arg2[%select_n3A_699, %mul3A_717, %dma_start3A_721] : memref<64x128x4096xf32, #tpu.memory_space<hbm>> -> memref<1x8x4096xf32, #tpu.memory_space<hbm>>
          %dma_start3A_723 = tpu.memref_squeeze %dma_start3A_722 : memref<1x8x4096xf32, #tpu.memory_space<hbm>> -> memref<8x4096xf32, #tpu.memory_space<hbm>>
          tpu.enqueue_dma source(%dma_start3A_723 : memref<8x4096xf32, #tpu.memory_space<hbm>>) target(%arg5 : memref<8x4096xf32, #tpu.memory_space<vmem>>) target_semaphore(%arg8 : memref<!tpu.dma_semaphore, #tpu.memory_space<semaphore_mem>>)
        } else {
        }
        %parallel_loop3A_543 = arith.constant 0 : i32
        %parallel_loop3A_544 = arith.constant 256 : i32
        %parallel_loop3A_545 = arith.constant 1 : i32
        scf.for %parallel_loop3A_618 = %parallel_loop3A_543 to %parallel_loop3A_544 step %parallel_loop3A_545  : i32 {
          %parallel_loop3A_619 = arith.constant 16 : i32
          %parallel_loop3A_620 = arith.muli %parallel_loop3A_618, %parallel_loop3A_619 : i32
          %parallel_loop3A_621 = arith.constant 0 : i32
          %parallel_loop3A_622 = arith.addi %parallel_loop3A_621, %parallel_loop3A_620 : i32
          %parallel_loop3A_623 = arith.addi %parallel_loop3A_622, %select_n3A_317 : i32
          %parallel_loop3A_624 = arith.index_cast %parallel_loop3A_623 : i32 to index
          %parallel_loop3A_625 = tpu.vector_load %arg6[%parallel_loop3A_624] {strides = array<i32>} : memref<33024xf32, #tpu.memory_space<vmem>>, vector<16xf32>,
          %parallel_loop3A_626 = vector.shape_cast %parallel_loop3A_625 : vector<16xf32> to vector<16xf32>
          %parallel_loop3A_627 = arith.constant 16 : i32
          %parallel_loop3A_628 = arith.muli %parallel_loop3A_618, %parallel_loop3A_627 : i32
          %parallel_loop3A_629 = arith.constant 0 : i32
          %parallel_loop3A_630 = arith.index_cast %parallel_loop3A_629 : i32 to index
          %parallel_loop3A_631 = arith.index_cast %parallel_loop3A_628 : i32 to index
          %parallel_loop3A_632 = tpu.vector_load %arg4[%parallel_loop3A_630, %parallel_loop3A_631] {strides = array<i32>} : memref<8x4096xf32, #tpu.memory_space<vmem>>, vector<1x16xf32>,
          %parallel_loop3A_633 = vector.shape_cast %parallel_loop3A_632 : vector<1x16xf32> to vector<16xf32>
          %parallel_loop3A_634 = vector.shape_cast %parallel_loop3A_626 : vector<16xf32> to vector<1x16xf32>
          tpu.vector_store %arg4[%parallel_loop3A_630, %parallel_loop3A_631], %parallel_loop3A_634 {strides = array<i32>} : memref<8x4096xf32, #tpu.memory_space<vmem>>, vector<1x16xf32>,
        } {sc.loop_unroll_factor = 8 : i64, sc.parallel_access}
        %parallel_loop3A_546 = arith.constant 0 : i32
        %parallel_loop3A_547 = arith.constant 256 : i32
        %parallel_loop3A_548 = arith.constant 1 : i32
        scf.for %parallel_loop3A_618 = %parallel_loop3A_546 to %parallel_loop3A_547 step %parallel_loop3A_548  : i32 {
          %parallel_loop3A_619 = arith.constant 16 : i32
          %parallel_loop3A_620 = arith.muli %parallel_loop3A_618, %parallel_loop3A_619 : i32
          %parallel_loop3A_621 = arith.constant 4128 : i32
          %parallel_loop3A_622 = arith.addi %parallel_loop3A_621, %parallel_loop3A_620 : i32
          %parallel_loop3A_623 = arith.addi %parallel_loop3A_622, %select_n3A_317 : i32
          %parallel_loop3A_624 = arith.index_cast %parallel_loop3A_623 : i32 to index
          %parallel_loop3A_625 = tpu.vector_load %arg6[%parallel_loop3A_624] {strides = array<i32>} : memref<33024xf32, #tpu.memory_space<vmem>>, vector<16xf32>,
          %parallel_loop3A_626 = vector.shape_cast %parallel_loop3A_625 : vector<16xf32> to vector<16xf32>
          %parallel_loop3A_627 = arith.constant 16 : i32
          %parallel_loop3A_628 = arith.muli %parallel_loop3A_618, %parallel_loop3A_627 : i32
          %parallel_loop3A_629 = arith.constant 1 : i32
          %parallel_loop3A_630 = arith.index_cast %parallel_loop3A_629 : i32 to index
          %parallel_loop3A_631 = arith.index_cast %parallel_loop3A_628 : i32 to index
          %parallel_loop3A_632 = tpu.vector_load %arg4[%parallel_loop3A_630, %parallel_loop3A_631] {strides = array<i32>} : memref<8x4096xf32, #tpu.memory_space<vmem>>, vector<1x16xf32>,
          %parallel_loop3A_633 = vector.shape_cast %parallel_loop3A_632 : vector<1x16xf32> to vector<16xf32>
          %parallel_loop3A_634 = vector.shape_cast %parallel_loop3A_626 : vector<16xf32> to vector<1x16xf32>
          tpu.vector_store %arg4[%parallel_loop3A_630, %parallel_loop3A_631], %parallel_loop3A_634 {strides = array<i32>} : memref<8x4096xf32, #tpu.memory_space<vmem>>, vector<1x16xf32>,
        } {sc.loop_unroll_factor = 8 : i64, sc.parallel_access}
        %parallel_loop3A_549 = arith.constant 0 : i32
        %parallel_loop3A_550 = arith.constant 256 : i32
        %parallel_loop3A_551 = arith.constant 1 : i32
        scf.for %parallel_loop3A_618 = %parallel_loop3A_549 to %parallel_loop3A_550 step %parallel_loop3A_551  : i32 {
          %parallel_loop3A_619 = arith.constant 16 : i32
          %parallel_loop3A_620 = arith.muli %parallel_loop3A_618, %parallel_loop3A_619 : i32
          %parallel_loop3A_621 = arith.constant 8256 : i32
          %parallel_loop3A_622 = arith.addi %parallel_loop3A_621, %parallel_loop3A_620 : i32
          %parallel_loop3A_623 = arith.addi %parallel_loop3A_622, %select_n3A_317 : i32
          %parallel_loop3A_624 = arith.index_cast %parallel_loop3A_623 : i32 to index
          %parallel_loop3A_625 = tpu.vector_load %arg6[%parallel_loop3A_624] {strides = array<i32>} : memref<33024xf32, #tpu.memory_space<vmem>>, vector<16xf32>,
          %parallel_loop3A_626 = vector.shape_cast %parallel_loop3A_625 : vector<16xf32> to vector<16xf32>
          %parallel_loop3A_627 = arith.constant 16 : i32
          %parallel_loop3A_628 = arith.muli %parallel_loop3A_618, %parallel_loop3A_627 : i32
          %parallel_loop3A_629 = arith.constant 2 : i32
          %parallel_loop3A_630 = arith.index_cast %parallel_loop3A_629 : i32 to index
          %parallel_loop3A_631 = arith.index_cast %parallel_loop3A_628 : i32 to index
          %parallel_loop3A_632 = tpu.vector_load %arg4[%parallel_loop3A_630, %parallel_loop3A_631] {strides = array<i32>} : memref<8x4096xf32, #tpu.memory_space<vmem>>, vector<1x16xf32>,
          %parallel_loop3A_633 = vector.shape_cast %parallel_loop3A_632 : vector<1x16xf32> to vector<16xf32>
          %parallel_loop3A_634 = vector.shape_cast %parallel_loop3A_626 : vector<16xf32> to vector<1x16xf32>
          tpu.vector_store %arg4[%parallel_loop3A_630, %parallel_loop3A_631], %parallel_loop3A_634 {strides = array<i32>} : memref<8x4096xf32, #tpu.memory_space<vmem>>, vector<1x16xf32>,
        } {sc.loop_unroll_factor = 8 : i64, sc.parallel_access}
        %parallel_loop3A_552 = arith.constant 0 : i32
        %parallel_loop3A_553 = arith.constant 256 : i32
        %parallel_loop3A_554 = arith.constant 1 : i32
        scf.for %parallel_loop3A_618 = %parallel_loop3A_552 to %parallel_loop3A_553 step %parallel_loop3A_554  : i32 {
          %parallel_loop3A_619 = arith.constant 16 : i32
          %parallel_loop3A_620 = arith.muli %parallel_loop3A_618, %parallel_loop3A_619 : i32
          %parallel_loop3A_621 = arith.constant 12384 : i32
          %parallel_loop3A_622 = arith.addi %parallel_loop3A_621, %parallel_loop3A_620 : i32
          %parallel_loop3A_623 = arith.addi %parallel_loop3A_622, %select_n3A_317 : i32
          %parallel_loop3A_624 = arith.index_cast %parallel_loop3A_623 : i32 to index
          %parallel_loop3A_625 = tpu.vector_load %arg6[%parallel_loop3A_624] {strides = array<i32>} : memref<33024xf32, #tpu.memory_space<vmem>>, vector<16xf32>,
          %parallel_loop3A_626 = vector.shape_cast %parallel_loop3A_625 : vector<16xf32> to vector<16xf32>
          %parallel_loop3A_627 = arith.constant 16 : i32
          %parallel_loop3A_628 = arith.muli %parallel_loop3A_618, %parallel_loop3A_627 : i32
          %parallel_loop3A_629 = arith.constant 3 : i32
          %parallel_loop3A_630 = arith.index_cast %parallel_loop3A_629 : i32 to index
          %parallel_loop3A_631 = arith.index_cast %parallel_loop3A_628 : i32 to index
          %parallel_loop3A_632 = tpu.vector_load %arg4[%parallel_loop3A_630, %parallel_loop3A_631] {strides = array<i32>} : memref<8x4096xf32, #tpu.memory_space<vmem>>, vector<1x16xf32>,
          %parallel_loop3A_633 = vector.shape_cast %parallel_loop3A_632 : vector<1x16xf32> to vector<16xf32>
          %parallel_loop3A_634 = vector.shape_cast %parallel_loop3A_626 : vector<16xf32> to vector<1x16xf32>
          tpu.vector_store %arg4[%parallel_loop3A_630, %parallel_loop3A_631], %parallel_loop3A_634 {strides = array<i32>} : memref<8x4096xf32, #tpu.memory_space<vmem>>, vector<1x16xf32>,
        } {sc.loop_unroll_factor = 8 : i64, sc.parallel_access}
        %parallel_loop3A_555 = arith.constant 0 : i32
        %parallel_loop3A_556 = arith.constant 256 : i32
        %parallel_loop3A_557 = arith.constant 1 : i32
        scf.for %parallel_loop3A_618 = %parallel_loop3A_555 to %parallel_loop3A_556 step %parallel_loop3A_557  : i32 {
          %parallel_loop3A_619 = arith.constant 16 : i32
          %parallel_loop3A_620 = arith.muli %parallel_loop3A_618, %parallel_loop3A_619 : i32
          %parallel_loop3A_621 = arith.constant 16512 : i32
          %parallel_loop3A_622 = arith.addi %parallel_loop3A_621, %parallel_loop3A_620 : i32
          %parallel_loop3A_623 = arith.addi %parallel_loop3A_622, %select_n3A_317 : i32
          %parallel_loop3A_624 = arith.index_cast %parallel_loop3A_623 : i32 to index
          %parallel_loop3A_625 = tpu.vector_load %arg6[%parallel_loop3A_624] {strides = array<i32>} : memref<33024xf32, #tpu.memory_space<vmem>>, vector<16xf32>,
          %parallel_loop3A_626 = vector.shape_cast %parallel_loop3A_625 : vector<16xf32> to vector<16xf32>
          %parallel_loop3A_627 = arith.constant 16 : i32
          %parallel_loop3A_628 = arith.muli %parallel_loop3A_618, %parallel_loop3A_627 : i32
          %parallel_loop3A_629 = arith.constant 4 : i32
          %parallel_loop3A_630 = arith.index_cast %parallel_loop3A_629 : i32 to index
          %parallel_loop3A_631 = arith.index_cast %parallel_loop3A_628 : i32 to index
          %parallel_loop3A_632 = tpu.vector_load %arg4[%parallel_loop3A_630, %parallel_loop3A_631] {strides = array<i32>} : memref<8x4096xf32, #tpu.memory_space<vmem>>, vector<1x16xf32>,
          %parallel_loop3A_633 = vector.shape_cast %parallel_loop3A_632 : vector<1x16xf32> to vector<16xf32>
          %parallel_loop3A_634 = vector.shape_cast %parallel_loop3A_626 : vector<16xf32> to vector<1x16xf32>
          tpu.vector_store %arg4[%parallel_loop3A_630, %parallel_loop3A_631], %parallel_loop3A_634 {strides = array<i32>} : memref<8x4096xf32, #tpu.memory_space<vmem>>, vector<1x16xf32>,
        } {sc.loop_unroll_factor = 8 : i64, sc.parallel_access}
        %parallel_loop3A_558 = arith.constant 0 : i32
        %parallel_loop3A_559 = arith.constant 256 : i32
        %parallel_loop3A_560 = arith.constant 1 : i32
        scf.for %parallel_loop3A_618 = %parallel_loop3A_558 to %parallel_loop3A_559 step %parallel_loop3A_560  : i32 {
          %parallel_loop3A_619 = arith.constant 16 : i32
          %parallel_loop3A_620 = arith.muli %parallel_loop3A_618, %parallel_loop3A_619 : i32
          %parallel_loop3A_621 = arith.constant 20640 : i32
          %parallel_loop3A_622 = arith.addi %parallel_loop3A_621, %parallel_loop3A_620 : i32
          %parallel_loop3A_623 = arith.addi %parallel_loop3A_622, %select_n3A_317 : i32
          %parallel_loop3A_624 = arith.index_cast %parallel_loop3A_623 : i32 to index
          %parallel_loop3A_625 = tpu.vector_load %arg6[%parallel_loop3A_624] {strides = array<i32>} : memref<33024xf32, #tpu.memory_space<vmem>>, vector<16xf32>,
          %parallel_loop3A_626 = vector.shape_cast %parallel_loop3A_625 : vector<16xf32> to vector<16xf32>
          %parallel_loop3A_627 = arith.constant 16 : i32
          %parallel_loop3A_628 = arith.muli %parallel_loop3A_618, %parallel_loop3A_627 : i32
          %parallel_loop3A_629 = arith.constant 5 : i32
          %parallel_loop3A_630 = arith.index_cast %parallel_loop3A_629 : i32 to index
          %parallel_loop3A_631 = arith.index_cast %parallel_loop3A_628 : i32 to index
          %parallel_loop3A_632 = tpu.vector_load %arg4[%parallel_loop3A_630, %parallel_loop3A_631] {strides = array<i32>} : memref<8x4096xf32, #tpu.memory_space<vmem>>, vector<1x16xf32>,
          %parallel_loop3A_633 = vector.shape_cast %parallel_loop3A_632 : vector<1x16xf32> to vector<16xf32>
          %parallel_loop3A_634 = vector.shape_cast %parallel_loop3A_626 : vector<16xf32> to vector<1x16xf32>
          tpu.vector_store %arg4[%parallel_loop3A_630, %parallel_loop3A_631], %parallel_loop3A_634 {strides = array<i32>} : memref<8x4096xf32, #tpu.memory_space<vmem>>, vector<1x16xf32>,
        } {sc.loop_unroll_factor = 8 : i64, sc.parallel_access}
        %parallel_loop3A_561 = arith.constant 0 : i32
        %parallel_loop3A_562 = arith.constant 256 : i32
        %parallel_loop3A_563 = arith.constant 1 : i32
        scf.for %parallel_loop3A_618 = %parallel_loop3A_561 to %parallel_loop3A_562 step %parallel_loop3A_563  : i32 {
          %parallel_loop3A_619 = arith.constant 16 : i32
          %parallel_loop3A_620 = arith.muli %parallel_loop3A_618, %parallel_loop3A_619 : i32
          %parallel_loop3A_621 = arith.constant 24768 : i32
          %parallel_loop3A_622 = arith.addi %parallel_loop3A_621, %parallel_loop3A_620 : i32
          %parallel_loop3A_623 = arith.addi %parallel_loop3A_622, %select_n3A_317 : i32
          %parallel_loop3A_624 = arith.index_cast %parallel_loop3A_623 : i32 to index
          %parallel_loop3A_625 = tpu.vector_load %arg6[%parallel_loop3A_624] {strides = array<i32>} : memref<33024xf32, #tpu.memory_space<vmem>>, vector<16xf32>,
          %parallel_loop3A_626 = vector.shape_cast %parallel_loop3A_625 : vector<16xf32> to vector<16xf32>
          %parallel_loop3A_627 = arith.constant 16 : i32
          %parallel_loop3A_628 = arith.muli %parallel_loop3A_618, %parallel_loop3A_627 : i32
          %parallel_loop3A_629 = arith.constant 6 : i32
          %parallel_loop3A_630 = arith.index_cast %parallel_loop3A_629 : i32 to index
          %parallel_loop3A_631 = arith.index_cast %parallel_loop3A_628 : i32 to index
          %parallel_loop3A_632 = tpu.vector_load %arg4[%parallel_loop3A_630, %parallel_loop3A_631] {strides = array<i32>} : memref<8x4096xf32, #tpu.memory_space<vmem>>, vector<1x16xf32>,
          %parallel_loop3A_633 = vector.shape_cast %parallel_loop3A_632 : vector<1x16xf32> to vector<16xf32>
          %parallel_loop3A_634 = vector.shape_cast %parallel_loop3A_626 : vector<16xf32> to vector<1x16xf32>
          tpu.vector_store %arg4[%parallel_loop3A_630, %parallel_loop3A_631], %parallel_loop3A_634 {strides = array<i32>} : memref<8x4096xf32, #tpu.memory_space<vmem>>, vector<1x16xf32>,
        } {sc.loop_unroll_factor = 8 : i64, sc.parallel_access}
        %parallel_loop3A_564 = arith.constant 0 : i32
        %parallel_loop3A_565 = arith.constant 256 : i32
        %parallel_loop3A_566 = arith.constant 1 : i32
        scf.for %parallel_loop3A_618 = %parallel_loop3A_564 to %parallel_loop3A_565 step %parallel_loop3A_566  : i32 {
          %parallel_loop3A_619 = arith.constant 16 : i32
          %parallel_loop3A_620 = arith.muli %parallel_loop3A_618, %parallel_loop3A_619 : i32
          %parallel_loop3A_621 = arith.constant 28896 : i32
          %parallel_loop3A_622 = arith.addi %parallel_loop3A_621, %parallel_loop3A_620 : i32
          %parallel_loop3A_623 = arith.addi %parallel_loop3A_622, %select_n3A_317 : i32
          %parallel_loop3A_624 = arith.index_cast %parallel_loop3A_623 : i32 to index
          %parallel_loop3A_625 = tpu.vector_load %arg6[%parallel_loop3A_624] {strides = array<i32>} : memref<33024xf32, #tpu.memory_space<vmem>>, vector<16xf32>,
          %parallel_loop3A_626 = vector.shape_cast %parallel_loop3A_625 : vector<16xf32> to vector<16xf32>
          %parallel_loop3A_627 = arith.constant 16 : i32
          %parallel_loop3A_628 = arith.muli %parallel_loop3A_618, %parallel_loop3A_627 : i32
          %parallel_loop3A_629 = arith.constant 7 : i32
          %parallel_loop3A_630 = arith.index_cast %parallel_loop3A_629 : i32 to index
          %parallel_loop3A_631 = arith.index_cast %parallel_loop3A_628 : i32 to index
          %parallel_loop3A_632 = tpu.vector_load %arg4[%parallel_loop3A_630, %parallel_loop3A_631] {strides = array<i32>} : memref<8x4096xf32, #tpu.memory_space<vmem>>, vector<1x16xf32>,
          %parallel_loop3A_633 = vector.shape_cast %parallel_loop3A_632 : vector<1x16xf32> to vector<16xf32>
          %parallel_loop3A_634 = vector.shape_cast %parallel_loop3A_626 : vector<16xf32> to vector<1x16xf32>
          tpu.vector_store %arg4[%parallel_loop3A_630, %parallel_loop3A_631], %parallel_loop3A_634 {strides = array<i32>} : memref<8x4096xf32, #tpu.memory_space<vmem>>, vector<1x16xf32>,
        } {sc.loop_unroll_factor = 8 : i64, sc.parallel_access}
        %mul3A_567 = arith.constant 8 : i32
        %mul3A_568 = arith.muli %add3A, %mul3A_567 : i32
        %add3A_569 = arith.addi %mul3A_568, %scan3A_201 : i32
        %jit3A_570 = arith.constant 16 : i32
        %div3A_571 = arith.divsi %add3A_569, %jit3A_570 : i32
        %sign3A_572 = arith.constant 0 : i32
        %sign3A_573 = arith.cmpi sgt, %add3A_569, %sign3A_572 : i32
        %sign3A_574 = arith.extui %sign3A_573 : i1 to i32
        %sign3A_575 = arith.constant 0 : i32
        %sign3A_576 = arith.cmpi slt, %add3A_569, %sign3A_575 : i32
        %sign3A_577 = arith.extui %sign3A_576 : i1 to i32
        %sign3A_578 = arith.subi %sign3A_574, %sign3A_577 : i32
        %sign3A_579 = arith.constant 0 : i32
        %sign3A_580 = arith.cmpi sgt, %jit3A_570, %sign3A_579 : i32
        %sign3A_581 = arith.extui %sign3A_580 : i1 to i32
        %sign3A_582 = arith.constant 0 : i32
        %sign3A_583 = arith.cmpi slt, %jit3A_570, %sign3A_582 : i32
        %sign3A_584 = arith.extui %sign3A_583 : i1 to i32
        %sign3A_585 = arith.subi %sign3A_581, %sign3A_584 : i32
        %ne3A_586 = arith.cmpi ne, %sign3A_578, %sign3A_585 : i32
        %rem3A_587 = arith.remsi %add3A_569, %jit3A_570 : i32
        %ne3A_588 = arith.constant 0 : i32
        %ne3A_589 = arith.cmpi ne, %rem3A_587, %ne3A_588 : i32
        %and3A_590 = arith.andi %ne3A_586, %ne3A_589 : i1
        %sub3A_591 = arith.constant 1 : i32
        %sub3A_592 = arith.subi %div3A_571, %sub3A_591 : i32
        %select_n3A_593 = arith.select %and3A_590, %sub3A_592, %div3A_571 : i32
        %jit3A_594 = arith.constant 16 : i32
        %eq3A_595 = arith.constant 0 : i32
        %eq3A_596 = arith.cmpi eq, %jit3A_594, %eq3A_595 : i32
        %jit3A_597 = arith.constant 1 : i32
        %select_n3A_598 = arith.select %eq3A_596, %jit3A_597, %jit3A_594 : i32
        %rem3A_599 = arith.remsi %add3A_569, %select_n3A_598 : i32
        %ne3A_600 = arith.constant 0 : i32
        %ne3A_601 = arith.cmpi ne, %rem3A_599, %ne3A_600 : i32
        %lt3A_602 = arith.constant 0 : i32
        %lt3A_603 = arith.cmpi slt, %rem3A_599, %lt3A_602 : i32
        %lt3A_604 = arith.constant 0 : i32
        %lt3A_605 = arith.cmpi slt, %select_n3A_598, %lt3A_604 : i32
        %ne3A_606 = arith.xori %lt3A_603, %lt3A_605 : i1
        %and3A_607 = arith.andi %ne3A_606, %ne3A_601 : i1
        %add3A_608 = arith.addi %rem3A_599, %select_n3A_598 : i32
        %select_n3A_609 = arith.select %and3A_607, %add3A_608, %rem3A_599 : i32
        %mul3A_610 = arith.constant 8 : i32
        %mul3A_611 = arith.muli %select_n3A_609, %mul3A_610 : i32
        %dma_start3A_612 = arith.constant 0 : i32
        %dma_start3A_613 = tpu.memref_slice %arg3[%select_n3A_593, %mul3A_611, %dma_start3A_612] : memref<16x128x4096xf32, #tpu.memory_space<hbm>> -> memref<1x8x4096xf32, #tpu.memory_space<hbm>>
        %dma_start3A_614 = tpu.memref_squeeze %dma_start3A_613 : memref<1x8x4096xf32, #tpu.memory_space<hbm>> -> memref<8x4096xf32, #tpu.memory_space<hbm>>
        %dma_start3A_615 = arith.constant 0 : i32
        %dma_start3A_616 = tpu.memref_slice %arg3[%select_n3A_593, %mul3A_611, %dma_start3A_615] : memref<16x128x4096xf32, #tpu.memory_space<hbm>> -> memref<1x8x4096xf32, #tpu.memory_space<hbm>>
        %dma_start3A_617 = tpu.memref_squeeze %dma_start3A_616 : memref<1x8x4096xf32, #tpu.memory_space<hbm>> -> memref<8x4096xf32, #tpu.memory_space<hbm>>
        tpu.enqueue_dma source(%arg4 : memref<8x4096xf32, #tpu.memory_space<vmem>>) target(%dma_start3A_617 : memref<8x4096xf32, #tpu.memory_space<hbm>>) target_semaphore(%arg9 : memref<!tpu.dma_semaphore, #tpu.memory_space<semaphore_mem>>)
      } else {
      }
      %eq3A_207 = arith.constant 1 : i32
      %eq3A_208 = arith.cmpi eq, %rem3A_203, %eq3A_207 : i32
      %convert_element_type3A_209 = arith.extui %eq3A_208 : i1 to i32
      %cond3A_210 = arith.constant 0 : i32
      %cond3A_211 = arith.cmpi ne, %convert_element_type3A_209, %cond3A_210 : i32
      scf.if %cond3A_211 {
        %mul3A_212 = arith.constant 8 : i32
        %mul3A_213 = arith.muli %add3A, %mul3A_212 : i32
        %add3A_214 = arith.addi %mul3A_213, %scan3A_201 : i32
        %jit3A_215 = arith.constant 16 : i32
        %div3A_216 = arith.divsi %add3A_214, %jit3A_215 : i32
        %sign3A_217 = arith.constant 0 : i32
        %sign3A_218 = arith.cmpi sgt, %add3A_214, %sign3A_217 : i32
        %sign3A_219 = arith.extui %sign3A_218 : i1 to i32
        %sign3A_220 = arith.constant 0 : i32
        %sign3A_221 = arith.cmpi slt, %add3A_214, %sign3A_220 : i32
        %sign3A_222 = arith.extui %sign3A_221 : i1 to i32
        %sign3A_223 = arith.subi %sign3A_219, %sign3A_222 : i32
        %sign3A_224 = arith.constant 0 : i32
        %sign3A_225 = arith.cmpi sgt, %jit3A_215, %sign3A_224 : i32
        %sign3A_226 = arith.extui %sign3A_225 : i1 to i32
        %sign3A_227 = arith.constant 0 : i32
        %sign3A_228 = arith.cmpi slt, %jit3A_215, %sign3A_227 : i32
        %sign3A_229 = arith.extui %sign3A_228 : i1 to i32
        %sign3A_230 = arith.subi %sign3A_226, %sign3A_229 : i32
        %ne3A_231 = arith.cmpi ne, %sign3A_223, %sign3A_230 : i32
        %rem3A_232 = arith.remsi %add3A_214, %jit3A_215 : i32
        %ne3A_233 = arith.constant 0 : i32
        %ne3A_234 = arith.cmpi ne, %rem3A_232, %ne3A_233 : i32
        %and3A_235 = arith.andi %ne3A_231, %ne3A_234 : i1
        %sub3A_236 = arith.constant 1 : i32
        %sub3A_237 = arith.subi %div3A_216, %sub3A_236 : i32
        %select_n3A_238 = arith.select %and3A_235, %sub3A_237, %div3A_216 : i32
        %jit3A_239 = arith.constant 16 : i32
        %eq3A_240 = arith.constant 0 : i32
        %eq3A_241 = arith.cmpi eq, %jit3A_239, %eq3A_240 : i32
        %jit3A_242 = arith.constant 1 : i32
        %select_n3A_243 = arith.select %eq3A_241, %jit3A_242, %jit3A_239 : i32
        %rem3A_244 = arith.remsi %add3A_214, %select_n3A_243 : i32
        %ne3A_245 = arith.constant 0 : i32
        %ne3A_246 = arith.cmpi ne, %rem3A_244, %ne3A_245 : i32
        %lt3A_247 = arith.constant 0 : i32
        %lt3A_248 = arith.cmpi slt, %rem3A_244, %lt3A_247 : i32
        %lt3A_249 = arith.constant 0 : i32
        %lt3A_250 = arith.cmpi slt, %select_n3A_243, %lt3A_249 : i32
        %ne3A_251 = arith.xori %lt3A_248, %lt3A_250 : i1
        %and3A_252 = arith.andi %ne3A_251, %ne3A_246 : i1
        %add3A_253 = arith.addi %rem3A_244, %select_n3A_243 : i32
        %select_n3A_254 = arith.select %and3A_252, %add3A_253, %rem3A_244 : i32
        %mul3A_255 = arith.constant 8 : i32
        %mul3A_256 = arith.muli %select_n3A_254, %mul3A_255 : i32
        %eq3A_257 = arith.constant 1 : i32
        %eq3A_258 = arith.cmpi eq, %select_n3A_238, %eq3A_257 : i32
        %jit3A_259 = arith.constant 14 : i32
        %jit3A_260 = arith.constant 14 : i32
        %select_n3A_261 = arith.select %eq3A_258, %jit3A_259, %jit3A_260 : i32
        %eq3A_262 = arith.constant 2 : i32
        %eq3A_263 = arith.cmpi eq, %select_n3A_238, %eq3A_262 : i32
        %jit3A_264 = arith.constant 17 : i32
        %select_n3A_265 = arith.select %eq3A_263, %jit3A_264, %select_n3A_261 : i32
        %eq3A_266 = arith.constant 3 : i32
        %eq3A_267 = arith.cmpi eq, %select_n3A_238, %eq3A_266 : i32
        %jit3A_268 = arith.constant 14 : i32
        %select_n3A_269 = arith.select %eq3A_267, %jit3A_268, %select_n3A_265 : i32
        %eq3A_270 = arith.constant 4 : i32
        %eq3A_271 = arith.cmpi eq, %select_n3A_238, %eq3A_270 : i32
        %jit3A_272 = arith.constant 14 : i32
        %select_n3A_273 = arith.select %eq3A_271, %jit3A_272, %select_n3A_269 : i32
        %eq3A_274 = arith.constant 5 : i32
        %eq3A_275 = arith.cmpi eq, %select_n3A_238, %eq3A_274 : i32
        %jit3A_276 = arith.constant 14 : i32
        %select_n3A_277 = arith.select %eq3A_275, %jit3A_276, %select_n3A_273 : i32
        %eq3A_278 = arith.constant 6 : i32
        %eq3A_279 = arith.cmpi eq, %select_n3A_238, %eq3A_278 : i32
        %jit3A_280 = arith.constant 16 : i32
        %select_n3A_281 = arith.select %eq3A_279, %jit3A_280, %select_n3A_277 : i32
        %eq3A_282 = arith.constant 7 : i32
        %eq3A_283 = arith.cmpi eq, %select_n3A_238, %eq3A_282 : i32
        %jit3A_284 = arith.constant 16 : i32
        %select_n3A_285 = arith.select %eq3A_283, %jit3A_284, %select_n3A_281 : i32
        %eq3A_286 = arith.constant 8 : i32
        %eq3A_287 = arith.cmpi eq, %select_n3A_238, %eq3A_286 : i32
        %jit3A_288 = arith.constant 14 : i32
        %select_n3A_289 = arith.select %eq3A_287, %jit3A_288, %select_n3A_285 : i32
        %eq3A_290 = arith.constant 9 : i32
        %eq3A_291 = arith.cmpi eq, %select_n3A_238, %eq3A_290 : i32
        %jit3A_292 = arith.constant 17 : i32
        %select_n3A_293 = arith.select %eq3A_291, %jit3A_292, %select_n3A_289 : i32
        %eq3A_294 = arith.constant 10 : i32
        %eq3A_295 = arith.cmpi eq, %select_n3A_238, %eq3A_294 : i32
        %jit3A_296 = arith.constant 16 : i32
        %select_n3A_297 = arith.select %eq3A_295, %jit3A_296, %select_n3A_293 : i32
        %eq3A_298 = arith.constant 11 : i32
        %eq3A_299 = arith.cmpi eq, %select_n3A_238, %eq3A_298 : i32
        %jit3A_300 = arith.constant 14 : i32
        %select_n3A_301 = arith.select %eq3A_299, %jit3A_300, %select_n3A_297 : i32
        %eq3A_302 = arith.constant 12 : i32
        %eq3A_303 = arith.cmpi eq, %select_n3A_238, %eq3A_302 : i32
        %jit3A_304 = arith.constant 18 : i32
        %select_n3A_305 = arith.select %eq3A_303, %jit3A_304, %select_n3A_301 : i32
        %eq3A_306 = arith.constant 13 : i32
        %eq3A_307 = arith.cmpi eq, %select_n3A_238, %eq3A_306 : i32
        %jit3A_308 = arith.constant 17 : i32
        %select_n3A_309 = arith.select %eq3A_307, %jit3A_308, %select_n3A_305 : i32
        %eq3A_310 = arith.constant 14 : i32
        %eq3A_311 = arith.cmpi eq, %select_n3A_238, %eq3A_310 : i32
        %jit3A_312 = arith.constant 16 : i32
        %select_n3A_313 = arith.select %eq3A_311, %jit3A_312, %select_n3A_309 : i32
        %eq3A_314 = arith.constant 15 : i32
        %eq3A_315 = arith.cmpi eq, %select_n3A_238, %eq3A_314 : i32
        %jit3A_316 = arith.constant 18 : i32
        %select_n3A_317 = arith.select %eq3A_315, %jit3A_316, %select_n3A_313 : i32
        %mul3A_318 = arith.constant 8 : i32
        %mul3A_319 = arith.muli %add3A, %mul3A_318 : i32
        %add3A_320 = arith.addi %mul3A_319, %scan3A_201 : i32
        %jit3A_321 = arith.constant 16 : i32
        %div3A_322 = arith.divsi %add3A_320, %jit3A_321 : i32
        %sign3A_323 = arith.constant 0 : i32
        %sign3A_324 = arith.cmpi sgt, %add3A_320, %sign3A_323 : i32
        %sign3A_325 = arith.extui %sign3A_324 : i1 to i32
        %sign3A_326 = arith.constant 0 : i32
        %sign3A_327 = arith.cmpi slt, %add3A_320, %sign3A_326 : i32
        %sign3A_328 = arith.extui %sign3A_327 : i1 to i32
        %sign3A_329 = arith.subi %sign3A_325, %sign3A_328 : i32
        %sign3A_330 = arith.constant 0 : i32
        %sign3A_331 = arith.cmpi sgt, %jit3A_321, %sign3A_330 : i32
        %sign3A_332 = arith.extui %sign3A_331 : i1 to i32
        %sign3A_333 = arith.constant 0 : i32
        %sign3A_334 = arith.cmpi slt, %jit3A_321, %sign3A_333 : i32
        %sign3A_335 = arith.extui %sign3A_334 : i1 to i32
        %sign3A_336 = arith.subi %sign3A_332, %sign3A_335 : i32
        %ne3A_337 = arith.cmpi ne, %sign3A_329, %sign3A_336 : i32
        %rem3A_338 = arith.remsi %add3A_320, %jit3A_321 : i32
        %ne3A_339 = arith.constant 0 : i32
        %ne3A_340 = arith.cmpi ne, %rem3A_338, %ne3A_339 : i32
        %and3A_341 = arith.andi %ne3A_337, %ne3A_340 : i1
        %sub3A_342 = arith.constant 1 : i32
        %sub3A_343 = arith.subi %div3A_322, %sub3A_342 : i32
        %select_n3A_344 = arith.select %and3A_341, %sub3A_343, %div3A_322 : i32
        %jit3A_345 = arith.constant 16 : i32
        %eq3A_346 = arith.constant 0 : i32
        %eq3A_347 = arith.cmpi eq, %jit3A_345, %eq3A_346 : i32
        %jit3A_348 = arith.constant 1 : i32
        %select_n3A_349 = arith.select %eq3A_347, %jit3A_348, %jit3A_345 : i32
        %rem3A_350 = arith.remsi %add3A_320, %select_n3A_349 : i32
        %ne3A_351 = arith.constant 0 : i32
        %ne3A_352 = arith.cmpi ne, %rem3A_350, %ne3A_351 : i32
        %lt3A_353 = arith.constant 0 : i32
        %lt3A_354 = arith.cmpi slt, %rem3A_350, %lt3A_353 : i32
        %lt3A_355 = arith.constant 0 : i32
        %lt3A_356 = arith.cmpi slt, %select_n3A_349, %lt3A_355 : i32
        %ne3A_357 = arith.xori %lt3A_354, %lt3A_356 : i1
        %and3A_358 = arith.andi %ne3A_357, %ne3A_352 : i1
        %add3A_359 = arith.addi %rem3A_350, %select_n3A_349 : i32
        %select_n3A_360 = arith.select %and3A_358, %add3A_359, %rem3A_350 : i32
        %mul3A_361 = arith.constant 8 : i32
        %mul3A_362 = arith.muli %select_n3A_360, %mul3A_361 : i32
        %dma_wait3A_363 = arith.constant 0 : i32
        %dma_wait3A_364 = tpu.memref_slice %arg2[%select_n3A_344, %mul3A_362, %dma_wait3A_363] : memref<64x128x4096xf32, #tpu.memory_space<hbm>> -> memref<1x8x4096xf32, #tpu.memory_space<hbm>>
        %dma_wait3A_365 = tpu.memref_squeeze %dma_wait3A_364 : memref<1x8x4096xf32, #tpu.memory_space<hbm>> -> memref<8x4096xf32, #tpu.memory_space<hbm>>
        %dma_wait3A_366 = arith.constant 0 : i32
        %dma_wait3A_367 = tpu.memref_slice %arg2[%select_n3A_344, %mul3A_362, %dma_wait3A_366] : memref<64x128x4096xf32, #tpu.memory_space<hbm>> -> memref<1x8x4096xf32, #tpu.memory_space<hbm>>
        %dma_wait3A_368 = tpu.memref_squeeze %dma_wait3A_367 : memref<1x8x4096xf32, #tpu.memory_space<hbm>> -> memref<8x4096xf32, #tpu.memory_space<hbm>>
        tpu.wait_dma2 semaphore(%arg8 : memref<!tpu.dma_semaphore, #tpu.memory_space<semaphore_mem>>) src(%dma_wait3A_368 : memref<8x4096xf32, #tpu.memory_space<hbm>>) dst(%arg5 : memref<8x4096xf32, #tpu.memory_space<vmem>>)
        %parallel_loop3A = arith.constant 0 : i32
        %parallel_loop3A_369 = arith.constant 256 : i32
        %parallel_loop3A_370 = arith.constant 1 : i32
        scf.for %parallel_loop3A_618 = %parallel_loop3A to %parallel_loop3A_369 step %parallel_loop3A_370  : i32 {
          %parallel_loop3A_619 = arith.constant 16 : i32
          %parallel_loop3A_620 = arith.muli %parallel_loop3A_618, %parallel_loop3A_619 : i32
          %parallel_loop3A_621 = arith.constant 0 : i32
          %parallel_loop3A_622 = arith.index_cast %parallel_loop3A_621 : i32 to index
          %parallel_loop3A_623 = arith.index_cast %parallel_loop3A_620 : i32 to index
          %parallel_loop3A_624 = tpu.vector_load %arg5[%parallel_loop3A_622, %parallel_loop3A_623] {strides = array<i32>} : memref<8x4096xf32, #tpu.memory_space<vmem>>, vector<1x16xf32>,
          %parallel_loop3A_625 = vector.shape_cast %parallel_loop3A_624 : vector<1x16xf32> to vector<16xf32>
          %parallel_loop3A_626 = arith.constant 16 : i32
          %parallel_loop3A_627 = arith.muli %parallel_loop3A_618, %parallel_loop3A_626 : i32
          %parallel_loop3A_628 = arith.constant 16 : i32
          %parallel_loop3A_629 = arith.addi %parallel_loop3A_628, %parallel_loop3A_627 : i32
          %parallel_loop3A_630 = arith.index_cast %parallel_loop3A_629 : i32 to index
          %parallel_loop3A_631 = tpu.vector_load %arg6[%parallel_loop3A_630] {strides = array<i32>} : memref<33024xf32, #tpu.memory_space<vmem>>, vector<16xf32>,
          %parallel_loop3A_632 = vector.shape_cast %parallel_loop3A_631 : vector<16xf32> to vector<16xf32>
          %parallel_loop3A_633 = vector.shape_cast %parallel_loop3A_625 : vector<16xf32> to vector<16xf32>
          tpu.vector_store %arg6[%parallel_loop3A_630], %parallel_loop3A_633 {strides = array<i32>} : memref<33024xf32, #tpu.memory_space<vmem>>, vector<16xf32>,
        } {sc.loop_unroll_factor = 8 : i64, sc.parallel_access}
        %get3A = arith.constant 0 : i32
        %get3A_371 = arith.index_cast %get3A : i32 to index
        %get3A_372 = arith.constant 4080 : index
        %get3A_373 = tpu.vector_load %arg5[%get3A_371, %get3A_372] {strides = array<i32>} : memref<8x4096xf32, #tpu.memory_space<vmem>>, vector<1x16xf32>,
        %get3A_374 = vector.shape_cast %get3A_373 : vector<1x16xf32> to vector<16xf32>
        %swap3A = arith.constant 0 : index
        %swap3A_375 = tpu.vector_load %arg6[%swap3A] {strides = array<i32>} : memref<33024xf32, #tpu.memory_space<vmem>>, vector<16xf32>,
        %swap3A_376 = vector.shape_cast %swap3A_375 : vector<16xf32> to vector<16xf32>
        %swap3A_377 = vector.shape_cast %get3A_374 : vector<16xf32> to vector<16xf32>
        tpu.vector_store %arg6[%swap3A], %swap3A_377 {strides = array<i32>} : memref<33024xf32, #tpu.memory_space<vmem>>, vector<16xf32>,
        %get3A_378 = arith.constant 0 : i32
        %get3A_379 = arith.index_cast %get3A_378 : i32 to index
        %get3A_380 = arith.constant 0 : index
        %get3A_381 = tpu.vector_load %arg5[%get3A_379, %get3A_380] {strides = array<i32>} : memref<8x4096xf32, #tpu.memory_space<vmem>>, vector<1x16xf32>,
        %get3A_382 = vector.shape_cast %get3A_381 : vector<1x16xf32> to vector<16xf32>
        %swap3A_383 = arith.constant 4112 : index
        %swap3A_384 = tpu.vector_load %arg6[%swap3A_383] {strides = array<i32>} : memref<33024xf32, #tpu.memory_space<vmem>>, vector<16xf32>,
        %swap3A_385 = vector.shape_cast %swap3A_384 : vector<16xf32> to vector<16xf32>
        %swap3A_386 = vector.shape_cast %get3A_382 : vector<16xf32> to vector<16xf32>
        tpu.vector_store %arg6[%swap3A_383], %swap3A_386 {strides = array<i32>} : memref<33024xf32, #tpu.memory_space<vmem>>, vector<16xf32>,
        %parallel_loop3A_387 = arith.constant 0 : i32
        %parallel_loop3A_388 = arith.constant 256 : i32
        %parallel_loop3A_389 = arith.constant 1 : i32
        scf.for %parallel_loop3A_618 = %parallel_loop3A_387 to %parallel_loop3A_388 step %parallel_loop3A_389  : i32 {
          %parallel_loop3A_619 = arith.constant 16 : i32
          %parallel_loop3A_620 = arith.muli %parallel_loop3A_618, %parallel_loop3A_619 : i32
          %parallel_loop3A_621 = arith.constant 1 : i32
          %parallel_loop3A_622 = arith.index_cast %parallel_loop3A_621 : i32 to index
          %parallel_loop3A_623 = arith.index_cast %parallel_loop3A_620 : i32 to index
          %parallel_loop3A_624 = tpu.vector_load %arg5[%parallel_loop3A_622, %parallel_loop3A_623] {strides = array<i32>} : memref<8x4096xf32, #tpu.memory_space<vmem>>, vector<1x16xf32>,
          %parallel_loop3A_625 = vector.shape_cast %parallel_loop3A_624 : vector<1x16xf32> to vector<16xf32>
          %parallel_loop3A_626 = arith.constant 16 : i32
          %parallel_loop3A_627 = arith.muli %parallel_loop3A_618, %parallel_loop3A_626 : i32
          %parallel_loop3A_628 = arith.constant 4144 : i32
          %parallel_loop3A_629 = arith.addi %parallel_loop3A_628, %parallel_loop3A_627 : i32
          %parallel_loop3A_630 = arith.index_cast %parallel_loop3A_629 : i32 to index
          %parallel_loop3A_631 = tpu.vector_load %arg6[%parallel_loop3A_630] {strides = array<i32>} : memref<33024xf32, #tpu.memory_space<vmem>>, vector<16xf32>,
          %parallel_loop3A_632 = vector.shape_cast %parallel_loop3A_631 : vector<16xf32> to vector<16xf32>
          %parallel_loop3A_633 = vector.shape_cast %parallel_loop3A_625 : vector<16xf32> to vector<16xf32>
          tpu.vector_store %arg6[%parallel_loop3A_630], %parallel_loop3A_633 {strides = array<i32>} : memref<33024xf32, #tpu.memory_space<vmem>>, vector<16xf32>,
        } {sc.loop_unroll_factor = 8 : i64, sc.parallel_access}
        %get3A_390 = arith.constant 1 : i32
        %get3A_391 = arith.index_cast %get3A_390 : i32 to index
        %get3A_392 = arith.constant 4080 : index
        %get3A_393 = tpu.vector_load %arg5[%get3A_391, %get3A_392] {strides = array<i32>} : memref<8x4096xf32, #tpu.memory_space<vmem>>, vector<1x16xf32>,
        %get3A_394 = vector.shape_cast %get3A_393 : vector<1x16xf32> to vector<16xf32>
        %swap3A_395 = arith.constant 4128 : index
        %swap3A_396 = tpu.vector_load %arg6[%swap3A_395] {strides = array<i32>} : memref<33024xf32, #tpu.memory_space<vmem>>, vector<16xf32>,
        %swap3A_397 = vector.shape_cast %swap3A_396 : vector<16xf32> to vector<16xf32>
        %swap3A_398 = vector.shape_cast %get3A_394 : vector<16xf32> to vector<16xf32>
        tpu.vector_store %arg6[%swap3A_395], %swap3A_398 {strides = array<i32>} : memref<33024xf32, #tpu.memory_space<vmem>>, vector<16xf32>,
        %get3A_399 = arith.constant 1 : i32
        %get3A_400 = arith.index_cast %get3A_399 : i32 to index
        %get3A_401 = arith.constant 0 : index
        %get3A_402 = tpu.vector_load %arg5[%get3A_400, %get3A_401] {strides = array<i32>} : memref<8x4096xf32, #tpu.memory_space<vmem>>, vector<1x16xf32>,
        %get3A_403 = vector.shape_cast %get3A_402 : vector<1x16xf32> to vector<16xf32>
        %swap3A_404 = arith.constant 8240 : index
        %swap3A_405 = tpu.vector_load %arg6[%swap3A_404] {strides = array<i32>} : memref<33024xf32, #tpu.memory_space<vmem>>, vector<16xf32>,
        %swap3A_406 = vector.shape_cast %swap3A_405 : vector<16xf32> to vector<16xf32>
        %swap3A_407 = vector.shape_cast %get3A_403 : vector<16xf32> to vector<16xf32>
        tpu.vector_store %arg6[%swap3A_404], %swap3A_407 {strides = array<i32>} : memref<33024xf32, #tpu.memory_space<vmem>>, vector<16xf32>,
        %parallel_loop3A_408 = arith.constant 0 : i32
        %parallel_loop3A_409 = arith.constant 256 : i32
        %parallel_loop3A_410 = arith.constant 1 : i32
        scf.for %parallel_loop3A_618 = %parallel_loop3A_408 to %parallel_loop3A_409 step %parallel_loop3A_410  : i32 {
          %parallel_loop3A_619 = arith.constant 16 : i32
          %parallel_loop3A_620 = arith.muli %parallel_loop3A_618, %parallel_loop3A_619 : i32
          %parallel_loop3A_621 = arith.constant 2 : i32
          %parallel_loop3A_622 = arith.index_cast %parallel_loop3A_621 : i32 to index
          %parallel_loop3A_623 = arith.index_cast %parallel_loop3A_620 : i32 to index
          %parallel_loop3A_624 = tpu.vector_load %arg5[%parallel_loop3A_622, %parallel_loop3A_623] {strides = array<i32>} : memref<8x4096xf32, #tpu.memory_space<vmem>>, vector<1x16xf32>,
          %parallel_loop3A_625 = vector.shape_cast %parallel_loop3A_624 : vector<1x16xf32> to vector<16xf32>
          %parallel_loop3A_626 = arith.constant 16 : i32
          %parallel_loop3A_627 = arith.muli %parallel_loop3A_618, %parallel_loop3A_626 : i32
          %parallel_loop3A_628 = arith.constant 8272 : i32
          %parallel_loop3A_629 = arith.addi %parallel_loop3A_628, %parallel_loop3A_627 : i32
          %parallel_loop3A_630 = arith.index_cast %parallel_loop3A_629 : i32 to index
          %parallel_loop3A_631 = tpu.vector_load %arg6[%parallel_loop3A_630] {strides = array<i32>} : memref<33024xf32, #tpu.memory_space<vmem>>, vector<16xf32>,
          %parallel_loop3A_632 = vector.shape_cast %parallel_loop3A_631 : vector<16xf32> to vector<16xf32>
          %parallel_loop3A_633 = vector.shape_cast %parallel_loop3A_625 : vector<16xf32> to vector<16xf32>
          tpu.vector_store %arg6[%parallel_loop3A_630], %parallel_loop3A_633 {strides = array<i32>} : memref<33024xf32, #tpu.memory_space<vmem>>, vector<16xf32>,
        } {sc.loop_unroll_factor = 8 : i64, sc.parallel_access}
        %get3A_411 = arith.constant 2 : i32
        %get3A_412 = arith.index_cast %get3A_411 : i32 to index
        %get3A_413 = arith.constant 4080 : index
        %get3A_414 = tpu.vector_load %arg5[%get3A_412, %get3A_413] {strides = array<i32>} : memref<8x4096xf32, #tpu.memory_space<vmem>>, vector<1x16xf32>,
        %get3A_415 = vector.shape_cast %get3A_414 : vector<1x16xf32> to vector<16xf32>
        %swap3A_416 = arith.constant 8256 : index
        %swap3A_417 = tpu.vector_load %arg6[%swap3A_416] {strides = array<i32>} : memref<33024xf32, #tpu.memory_space<vmem>>, vector<16xf32>,
        %swap3A_418 = vector.shape_cast %swap3A_417 : vector<16xf32> to vector<16xf32>
        %swap3A_419 = vector.shape_cast %get3A_415 : vector<16xf32> to vector<16xf32>
        tpu.vector_store %arg6[%swap3A_416], %swap3A_419 {strides = array<i32>} : memref<33024xf32, #tpu.memory_space<vmem>>, vector<16xf32>,
        %get3A_420 = arith.constant 2 : i32
        %get3A_421 = arith.index_cast %get3A_420 : i32 to index
        %get3A_422 = arith.constant 0 : index
        %get3A_423 = tpu.vector_load %arg5[%get3A_421, %get3A_422] {strides = array<i32>} : memref<8x4096xf32, #tpu.memory_space<vmem>>, vector<1x16xf32>,
        %get3A_424 = vector.shape_cast %get3A_423 : vector<1x16xf32> to vector<16xf32>
        %swap3A_425 = arith.constant 12368 : index
        %swap3A_426 = tpu.vector_load %arg6[%swap3A_425] {strides = array<i32>} : memref<33024xf32, #tpu.memory_space<vmem>>, vector<16xf32>,
        %swap3A_427 = vector.shape_cast %swap3A_426 : vector<16xf32> to vector<16xf32>
        %swap3A_428 = vector.shape_cast %get3A_424 : vector<16xf32> to vector<16xf32>
        tpu.vector_store %arg6[%swap3A_425], %swap3A_428 {strides = array<i32>} : memref<33024xf32, #tpu.memory_space<vmem>>, vector<16xf32>,
        %parallel_loop3A_429 = arith.constant 0 : i32
        %parallel_loop3A_430 = arith.constant 256 : i32
        %parallel_loop3A_431 = arith.constant 1 : i32
        scf.for %parallel_loop3A_618 = %parallel_loop3A_429 to %parallel_loop3A_430 step %parallel_loop3A_431  : i32 {
          %parallel_loop3A_619 = arith.constant 16 : i32
          %parallel_loop3A_620 = arith.muli %parallel_loop3A_618, %parallel_loop3A_619 : i32
          %parallel_loop3A_621 = arith.constant 3 : i32
          %parallel_loop3A_622 = arith.index_cast %parallel_loop3A_621 : i32 to index
          %parallel_loop3A_623 = arith.index_cast %parallel_loop3A_620 : i32 to index
          %parallel_loop3A_624 = tpu.vector_load %arg5[%parallel_loop3A_622, %parallel_loop3A_623] {strides = array<i32>} : memref<8x4096xf32, #tpu.memory_space<vmem>>, vector<1x16xf32>,
          %parallel_loop3A_625 = vector.shape_cast %parallel_loop3A_624 : vector<1x16xf32> to vector<16xf32>
          %parallel_loop3A_626 = arith.constant 16 : i32
          %parallel_loop3A_627 = arith.muli %parallel_loop3A_618, %parallel_loop3A_626 : i32
          %parallel_loop3A_628 = arith.constant 12400 : i32
          %parallel_loop3A_629 = arith.addi %parallel_loop3A_628, %parallel_loop3A_627 : i32
          %parallel_loop3A_630 = arith.index_cast %parallel_loop3A_629 : i32 to index
          %parallel_loop3A_631 = tpu.vector_load %arg6[%parallel_loop3A_630] {strides = array<i32>} : memref<33024xf32, #tpu.memory_space<vmem>>, vector<16xf32>,
          %parallel_loop3A_632 = vector.shape_cast %parallel_loop3A_631 : vector<16xf32> to vector<16xf32>
          %parallel_loop3A_633 = vector.shape_cast %parallel_loop3A_625 : vector<16xf32> to vector<16xf32>
          tpu.vector_store %arg6[%parallel_loop3A_630], %parallel_loop3A_633 {strides = array<i32>} : memref<33024xf32, #tpu.memory_space<vmem>>, vector<16xf32>,
        } {sc.loop_unroll_factor = 8 : i64, sc.parallel_access}
        %get3A_432 = arith.constant 3 : i32
        %get3A_433 = arith.index_cast %get3A_432 : i32 to index
        %get3A_434 = arith.constant 4080 : index
        %get3A_435 = tpu.vector_load %arg5[%get3A_433, %get3A_434] {strides = array<i32>} : memref<8x4096xf32, #tpu.memory_space<vmem>>, vector<1x16xf32>,
        %get3A_436 = vector.shape_cast %get3A_435 : vector<1x16xf32> to vector<16xf32>
        %swap3A_437 = arith.constant 12384 : index
        %swap3A_438 = tpu.vector_load %arg6[%swap3A_437] {strides = array<i32>} : memref<33024xf32, #tpu.memory_space<vmem>>, vector<16xf32>,
        %swap3A_439 = vector.shape_cast %swap3A_438 : vector<16xf32> to vector<16xf32>
        %swap3A_440 = vector.shape_cast %get3A_436 : vector<16xf32> to vector<16xf32>
        tpu.vector_store %arg6[%swap3A_437], %swap3A_440 {strides = array<i32>} : memref<33024xf32, #tpu.memory_space<vmem>>, vector<16xf32>,
        %get3A_441 = arith.constant 3 : i32
        %get3A_442 = arith.index_cast %get3A_441 : i32 to index
        %get3A_443 = arith.constant 0 : index
        %get3A_444 = tpu.vector_load %arg5[%get3A_442, %get3A_443] {strides = array<i32>} : memref<8x4096xf32, #tpu.memory_space<vmem>>, vector<1x16xf32>,
        %get3A_445 = vector.shape_cast %get3A_444 : vector<1x16xf32> to vector<16xf32>
        %swap3A_446 = arith.constant 16496 : index
        %swap3A_447 = tpu.vector_load %arg6[%swap3A_446] {strides = array<i32>} : memref<33024xf32, #tpu.memory_space<vmem>>, vector<16xf32>,
        %swap3A_448 = vector.shape_cast %swap3A_447 : vector<16xf32> to vector<16xf32>
        %swap3A_449 = vector.shape_cast %get3A_445 : vector<16xf32> to vector<16xf32>
        tpu.vector_store %arg6[%swap3A_446], %swap3A_449 {strides = array<i32>} : memref<33024xf32, #tpu.memory_space<vmem>>, vector<16xf32>,
        %parallel_loop3A_450 = arith.constant 0 : i32
        %parallel_loop3A_451 = arith.constant 256 : i32
        %parallel_loop3A_452 = arith.constant 1 : i32
        scf.for %parallel_loop3A_618 = %parallel_loop3A_450 to %parallel_loop3A_451 step %parallel_loop3A_452  : i32 {
          %parallel_loop3A_619 = arith.constant 16 : i32
          %parallel_loop3A_620 = arith.muli %parallel_loop3A_618, %parallel_loop3A_619 : i32
          %parallel_loop3A_621 = arith.constant 4 : i32
          %parallel_loop3A_622 = arith.index_cast %parallel_loop3A_621 : i32 to index
          %parallel_loop3A_623 = arith.index_cast %parallel_loop3A_620 : i32 to index
          %parallel_loop3A_624 = tpu.vector_load %arg5[%parallel_loop3A_622, %parallel_loop3A_623] {strides = array<i32>} : memref<8x4096xf32, #tpu.memory_space<vmem>>, vector<1x16xf32>,
          %parallel_loop3A_625 = vector.shape_cast %parallel_loop3A_624 : vector<1x16xf32> to vector<16xf32>
          %parallel_loop3A_626 = arith.constant 16 : i32
          %parallel_loop3A_627 = arith.muli %parallel_loop3A_618, %parallel_loop3A_626 : i32
          %parallel_loop3A_628 = arith.constant 16528 : i32
          %parallel_loop3A_629 = arith.addi %parallel_loop3A_628, %parallel_loop3A_627 : i32
          %parallel_loop3A_630 = arith.index_cast %parallel_loop3A_629 : i32 to index
          %parallel_loop3A_631 = tpu.vector_load %arg6[%parallel_loop3A_630] {strides = array<i32>} : memref<33024xf32, #tpu.memory_space<vmem>>, vector<16xf32>,
          %parallel_loop3A_632 = vector.shape_cast %parallel_loop3A_631 : vector<16xf32> to vector<16xf32>
          %parallel_loop3A_633 = vector.shape_cast %parallel_loop3A_625 : vector<16xf32> to vector<16xf32>
          tpu.vector_store %arg6[%parallel_loop3A_630], %parallel_loop3A_633 {strides = array<i32>} : memref<33024xf32, #tpu.memory_space<vmem>>, vector<16xf32>,
        } {sc.loop_unroll_factor = 8 : i64, sc.parallel_access}
        %get3A_453 = arith.constant 4 : i32
        %get3A_454 = arith.index_cast %get3A_453 : i32 to index
        %get3A_455 = arith.constant 4080 : index
        %get3A_456 = tpu.vector_load %arg5[%get3A_454, %get3A_455] {strides = array<i32>} : memref<8x4096xf32, #tpu.memory_space<vmem>>, vector<1x16xf32>,
        %get3A_457 = vector.shape_cast %get3A_456 : vector<1x16xf32> to vector<16xf32>
        %swap3A_458 = arith.constant 16512 : index
        %swap3A_459 = tpu.vector_load %arg6[%swap3A_458] {strides = array<i32>} : memref<33024xf32, #tpu.memory_space<vmem>>, vector<16xf32>,
        %swap3A_460 = vector.shape_cast %swap3A_459 : vector<16xf32> to vector<16xf32>
        %swap3A_461 = vector.shape_cast %get3A_457 : vector<16xf32> to vector<16xf32>
        tpu.vector_store %arg6[%swap3A_458], %swap3A_461 {strides = array<i32>} : memref<33024xf32, #tpu.memory_space<vmem>>, vector<16xf32>,
        %get3A_462 = arith.constant 4 : i32
        %get3A_463 = arith.index_cast %get3A_462 : i32 to index
        %get3A_464 = arith.constant 0 : index
        %get3A_465 = tpu.vector_load %arg5[%get3A_463, %get3A_464] {strides = array<i32>} : memref<8x4096xf32, #tpu.memory_space<vmem>>, vector<1x16xf32>,
        %get3A_466 = vector.shape_cast %get3A_465 : vector<1x16xf32> to vector<16xf32>
        %swap3A_467 = arith.constant 20624 : index
        %swap3A_468 = tpu.vector_load %arg6[%swap3A_467] {strides = array<i32>} : memref<33024xf32, #tpu.memory_space<vmem>>, vector<16xf32>,
        %swap3A_469 = vector.shape_cast %swap3A_468 : vector<16xf32> to vector<16xf32>
        %swap3A_470 = vector.shape_cast %get3A_466 : vector<16xf32> to vector<16xf32>
        tpu.vector_store %arg6[%swap3A_467], %swap3A_470 {strides = array<i32>} : memref<33024xf32, #tpu.memory_space<vmem>>, vector<16xf32>,
        %parallel_loop3A_471 = arith.constant 0 : i32
        %parallel_loop3A_472 = arith.constant 256 : i32
        %parallel_loop3A_473 = arith.constant 1 : i32
        scf.for %parallel_loop3A_618 = %parallel_loop3A_471 to %parallel_loop3A_472 step %parallel_loop3A_473  : i32 {
          %parallel_loop3A_619 = arith.constant 16 : i32
          %parallel_loop3A_620 = arith.muli %parallel_loop3A_618, %parallel_loop3A_619 : i32
          %parallel_loop3A_621 = arith.constant 5 : i32
          %parallel_loop3A_622 = arith.index_cast %parallel_loop3A_621 : i32 to index
          %parallel_loop3A_623 = arith.index_cast %parallel_loop3A_620 : i32 to index
          %parallel_loop3A_624 = tpu.vector_load %arg5[%parallel_loop3A_622, %parallel_loop3A_623] {strides = array<i32>} : memref<8x4096xf32, #tpu.memory_space<vmem>>, vector<1x16xf32>,
          %parallel_loop3A_625 = vector.shape_cast %parallel_loop3A_624 : vector<1x16xf32> to vector<16xf32>
          %parallel_loop3A_626 = arith.constant 16 : i32
          %parallel_loop3A_627 = arith.muli %parallel_loop3A_618, %parallel_loop3A_626 : i32
          %parallel_loop3A_628 = arith.constant 20656 : i32
          %parallel_loop3A_629 = arith.addi %parallel_loop3A_628, %parallel_loop3A_627 : i32
          %parallel_loop3A_630 = arith.index_cast %parallel_loop3A_629 : i32 to index
          %parallel_loop3A_631 = tpu.vector_load %arg6[%parallel_loop3A_630] {strides = array<i32>} : memref<33024xf32, #tpu.memory_space<vmem>>, vector<16xf32>,
          %parallel_loop3A_632 = vector.shape_cast %parallel_loop3A_631 : vector<16xf32> to vector<16xf32>
          %parallel_loop3A_633 = vector.shape_cast %parallel_loop3A_625 : vector<16xf32> to vector<16xf32>
          tpu.vector_store %arg6[%parallel_loop3A_630], %parallel_loop3A_633 {strides = array<i32>} : memref<33024xf32, #tpu.memory_space<vmem>>, vector<16xf32>,
        } {sc.loop_unroll_factor = 8 : i64, sc.parallel_access}
        %get3A_474 = arith.constant 5 : i32
        %get3A_475 = arith.index_cast %get3A_474 : i32 to index
        %get3A_476 = arith.constant 4080 : index
        %get3A_477 = tpu.vector_load %arg5[%get3A_475, %get3A_476] {strides = array<i32>} : memref<8x4096xf32, #tpu.memory_space<vmem>>, vector<1x16xf32>,
        %get3A_478 = vector.shape_cast %get3A_477 : vector<1x16xf32> to vector<16xf32>
        %swap3A_479 = arith.constant 20640 : index
        %swap3A_480 = tpu.vector_load %arg6[%swap3A_479] {strides = array<i32>} : memref<33024xf32, #tpu.memory_space<vmem>>, vector<16xf32>,
        %swap3A_481 = vector.shape_cast %swap3A_480 : vector<16xf32> to vector<16xf32>
        %swap3A_482 = vector.shape_cast %get3A_478 : vector<16xf32> to vector<16xf32>
        tpu.vector_store %arg6[%swap3A_479], %swap3A_482 {strides = array<i32>} : memref<33024xf32, #tpu.memory_space<vmem>>, vector<16xf32>,
        %get3A_483 = arith.constant 5 : i32
        %get3A_484 = arith.index_cast %get3A_483 : i32 to index
        %get3A_485 = arith.constant 0 : index
        %get3A_486 = tpu.vector_load %arg5[%get3A_484, %get3A_485] {strides = array<i32>} : memref<8x4096xf32, #tpu.memory_space<vmem>>, vector<1x16xf32>,
        %get3A_487 = vector.shape_cast %get3A_486 : vector<1x16xf32> to vector<16xf32>
        %swap3A_488 = arith.constant 24752 : index
        %swap3A_489 = tpu.vector_load %arg6[%swap3A_488] {strides = array<i32>} : memref<33024xf32, #tpu.memory_space<vmem>>, vector<16xf32>,
        %swap3A_490 = vector.shape_cast %swap3A_489 : vector<16xf32> to vector<16xf32>
        %swap3A_491 = vector.shape_cast %get3A_487 : vector<16xf32> to vector<16xf32>
        tpu.vector_store %arg6[%swap3A_488], %swap3A_491 {strides = array<i32>} : memref<33024xf32, #tpu.memory_space<vmem>>, vector<16xf32>,
        %parallel_loop3A_492 = arith.constant 0 : i32
        %parallel_loop3A_493 = arith.constant 256 : i32
        %parallel_loop3A_494 = arith.constant 1 : i32
        scf.for %parallel_loop3A_618 = %parallel_loop3A_492 to %parallel_loop3A_493 step %parallel_loop3A_494  : i32 {
          %parallel_loop3A_619 = arith.constant 16 : i32
          %parallel_loop3A_620 = arith.muli %parallel_loop3A_618, %parallel_loop3A_619 : i32
          %parallel_loop3A_621 = arith.constant 6 : i32
          %parallel_loop3A_622 = arith.index_cast %parallel_loop3A_621 : i32 to index
          %parallel_loop3A_623 = arith.index_cast %parallel_loop3A_620 : i32 to index
          %parallel_loop3A_624 = tpu.vector_load %arg5[%parallel_loop3A_622, %parallel_loop3A_623] {strides = array<i32>} : memref<8x4096xf32, #tpu.memory_space<vmem>>, vector<1x16xf32>,
          %parallel_loop3A_625 = vector.shape_cast %parallel_loop3A_624 : vector<1x16xf32> to vector<16xf32>
          %parallel_loop3A_626 = arith.constant 16 : i32
          %parallel_loop3A_627 = arith.muli %parallel_loop3A_618, %parallel_loop3A_626 : i32
          %parallel_loop3A_628 = arith.constant 24784 : i32
          %parallel_loop3A_629 = arith.addi %parallel_loop3A_628, %parallel_loop3A_627 : i32
          %parallel_loop3A_630 = arith.index_cast %parallel_loop3A_629 : i32 to index
          %parallel_loop3A_631 = tpu.vector_load %arg6[%parallel_loop3A_630] {strides = array<i32>} : memref<33024xf32, #tpu.memory_space<vmem>>, vector<16xf32>,
          %parallel_loop3A_632 = vector.shape_cast %parallel_loop3A_631 : vector<16xf32> to vector<16xf32>
          %parallel_loop3A_633 = vector.shape_cast %parallel_loop3A_625 : vector<16xf32> to vector<16xf32>
          tpu.vector_store %arg6[%parallel_loop3A_630], %parallel_loop3A_633 {strides = array<i32>} : memref<33024xf32, #tpu.memory_space<vmem>>, vector<16xf32>,
        } {sc.loop_unroll_factor = 8 : i64, sc.parallel_access}
        %get3A_495 = arith.constant 6 : i32
        %get3A_496 = arith.index_cast %get3A_495 : i32 to index
        %get3A_497 = arith.constant 4080 : index
        %get3A_498 = tpu.vector_load %arg5[%get3A_496, %get3A_497] {strides = array<i32>} : memref<8x4096xf32, #tpu.memory_space<vmem>>, vector<1x16xf32>,
        %get3A_499 = vector.shape_cast %get3A_498 : vector<1x16xf32> to vector<16xf32>
        %swap3A_500 = arith.constant 24768 : index
        %swap3A_501 = tpu.vector_load %arg6[%swap3A_500] {strides = array<i32>} : memref<33024xf32, #tpu.memory_space<vmem>>, vector<16xf32>,
        %swap3A_502 = vector.shape_cast %swap3A_501 : vector<16xf32> to vector<16xf32>
        %swap3A_503 = vector.shape_cast %get3A_499 : vector<16xf32> to vector<16xf32>
        tpu.vector_store %arg6[%swap3A_500], %swap3A_503 {strides = array<i32>} : memref<33024xf32, #tpu.memory_space<vmem>>, vector<16xf32>,
        %get3A_504 = arith.constant 6 : i32
        %get3A_505 = arith.index_cast %get3A_504 : i32 to index
        %get3A_506 = arith.constant 0 : index
        %get3A_507 = tpu.vector_load %arg5[%get3A_505, %get3A_506] {strides = array<i32>} : memref<8x4096xf32, #tpu.memory_space<vmem>>, vector<1x16xf32>,
        %get3A_508 = vector.shape_cast %get3A_507 : vector<1x16xf32> to vector<16xf32>
        %swap3A_509 = arith.constant 28880 : index
        %swap3A_510 = tpu.vector_load %arg6[%swap3A_509] {strides = array<i32>} : memref<33024xf32, #tpu.memory_space<vmem>>, vector<16xf32>,
        %swap3A_511 = vector.shape_cast %swap3A_510 : vector<16xf32> to vector<16xf32>
        %swap3A_512 = vector.shape_cast %get3A_508 : vector<16xf32> to vector<16xf32>
        tpu.vector_store %arg6[%swap3A_509], %swap3A_512 {strides = array<i32>} : memref<33024xf32, #tpu.memory_space<vmem>>, vector<16xf32>,
        %parallel_loop3A_513 = arith.constant 0 : i32
        %parallel_loop3A_514 = arith.constant 256 : i32
        %parallel_loop3A_515 = arith.constant 1 : i32
        scf.for %parallel_loop3A_618 = %parallel_loop3A_513 to %parallel_loop3A_514 step %parallel_loop3A_515  : i32 {
          %parallel_loop3A_619 = arith.constant 16 : i32
          %parallel_loop3A_620 = arith.muli %parallel_loop3A_618, %parallel_loop3A_619 : i32
          %parallel_loop3A_621 = arith.constant 7 : i32
          %parallel_loop3A_622 = arith.index_cast %parallel_loop3A_621 : i32 to index
          %parallel_loop3A_623 = arith.index_cast %parallel_loop3A_620 : i32 to index
          %parallel_loop3A_624 = tpu.vector_load %arg5[%parallel_loop3A_622, %parallel_loop3A_623] {strides = array<i32>} : memref<8x4096xf32, #tpu.memory_space<vmem>>, vector<1x16xf32>,
          %parallel_loop3A_625 = vector.shape_cast %parallel_loop3A_624 : vector<1x16xf32> to vector<16xf32>
          %parallel_loop3A_626 = arith.constant 16 : i32
          %parallel_loop3A_627 = arith.muli %parallel_loop3A_618, %parallel_loop3A_626 : i32
          %parallel_loop3A_628 = arith.constant 28912 : i32
          %parallel_loop3A_629 = arith.addi %parallel_loop3A_628, %parallel_loop3A_627 : i32
          %parallel_loop3A_630 = arith.index_cast %parallel_loop3A_629 : i32 to index
          %parallel_loop3A_631 = tpu.vector_load %arg6[%parallel_loop3A_630] {strides = array<i32>} : memref<33024xf32, #tpu.memory_space<vmem>>, vector<16xf32>,
          %parallel_loop3A_632 = vector.shape_cast %parallel_loop3A_631 : vector<16xf32> to vector<16xf32>
          %parallel_loop3A_633 = vector.shape_cast %parallel_loop3A_625 : vector<16xf32> to vector<16xf32>
          tpu.vector_store %arg6[%parallel_loop3A_630], %parallel_loop3A_633 {strides = array<i32>} : memref<33024xf32, #tpu.memory_space<vmem>>, vector<16xf32>,
        } {sc.loop_unroll_factor = 8 : i64, sc.parallel_access}
        %get3A_516 = arith.constant 7 : i32
        %get3A_517 = arith.index_cast %get3A_516 : i32 to index
        %get3A_518 = arith.constant 4080 : index
        %get3A_519 = tpu.vector_load %arg5[%get3A_517, %get3A_518] {strides = array<i32>} : memref<8x4096xf32, #tpu.memory_space<vmem>>, vector<1x16xf32>,
        %get3A_520 = vector.shape_cast %get3A_519 : vector<1x16xf32> to vector<16xf32>
        %swap3A_521 = arith.constant 28896 : index
        %swap3A_522 = tpu.vector_load %arg6[%swap3A_521] {strides = array<i32>} : memref<33024xf32, #tpu.memory_space<vmem>>, vector<16xf32>,
        %swap3A_523 = vector.shape_cast %swap3A_522 : vector<16xf32> to vector<16xf32>
        %swap3A_524 = vector.shape_cast %get3A_520 : vector<16xf32> to vector<16xf32>
        tpu.vector_store %arg6[%swap3A_521], %swap3A_524 {strides = array<i32>} : memref<33024xf32, #tpu.memory_space<vmem>>, vector<16xf32>,
        %get3A_525 = arith.constant 7 : i32
        %get3A_526 = arith.index_cast %get3A_525 : i32 to index
        %get3A_527 = arith.constant 0 : index
        %get3A_528 = tpu.vector_load %arg5[%get3A_526, %get3A_527] {strides = array<i32>} : memref<8x4096xf32, #tpu.memory_space<vmem>>, vector<1x16xf32>,
        %get3A_529 = vector.shape_cast %get3A_528 : vector<1x16xf32> to vector<16xf32>
        %swap3A_530 = arith.constant 33008 : index
        %swap3A_531 = tpu.vector_load %arg6[%swap3A_530] {strides = array<i32>} : memref<33024xf32, #tpu.memory_space<vmem>>, vector<16xf32>,
        %swap3A_532 = vector.shape_cast %swap3A_531 : vector<16xf32> to vector<16xf32>
        %swap3A_533 = vector.shape_cast %get3A_529 : vector<16xf32> to vector<16xf32>
        tpu.vector_store %arg6[%swap3A_530], %swap3A_533 {strides = array<i32>} : memref<33024xf32, #tpu.memory_space<vmem>>, vector<16xf32>,
        %ge3A = arith.constant 1 : i32
        %ge3A_534 = arith.cmpi sge, %scan3A_201, %ge3A : i32
        %add3A_535 = arith.constant 1 : i32
        %add3A_536 = arith.addi %scan3A_201, %add3A_535 : i32
        %lt3A_537 = arith.constant 8 : i32
        %lt3A_538 = arith.cmpi slt, %add3A_536, %lt3A_537 : i32
        %and3A_539 = arith.andi %ge3A_534, %lt3A_538 : i1
        %convert_element_type3A_540 = arith.extui %and3A_539 : i1 to i32
        %cond3A_541 = arith.constant 0 : i32
        %cond3A_542 = arith.cmpi ne, %convert_element_type3A_540, %cond3A_541 : i32
        scf.if %cond3A_542 {
          %sub3A_618 = arith.constant 1 : i32
          %sub3A_619 = arith.subi %scan3A_201, %sub3A_618 : i32
          %mul3A_620 = arith.constant 8 : i32
          %mul3A_621 = arith.muli %add3A, %mul3A_620 : i32
          %add3A_622 = arith.addi %mul3A_621, %sub3A_619 : i32
          %jit3A_623 = arith.constant 16 : i32
          %div3A_624 = arith.divsi %add3A_622, %jit3A_623 : i32
          %sign3A_625 = arith.constant 0 : i32
          %sign3A_626 = arith.cmpi sgt, %add3A_622, %sign3A_625 : i32
          %sign3A_627 = arith.extui %sign3A_626 : i1 to i32
          %sign3A_628 = arith.constant 0 : i32
          %sign3A_629 = arith.cmpi slt, %add3A_622, %sign3A_628 : i32
          %sign3A_630 = arith.extui %sign3A_629 : i1 to i32
          %sign3A_631 = arith.subi %sign3A_627, %sign3A_630 : i32
          %sign3A_632 = arith.constant 0 : i32
          %sign3A_633 = arith.cmpi sgt, %jit3A_623, %sign3A_632 : i32
          %sign3A_634 = arith.extui %sign3A_633 : i1 to i32
          %sign3A_635 = arith.constant 0 : i32
          %sign3A_636 = arith.cmpi slt, %jit3A_623, %sign3A_635 : i32
          %sign3A_637 = arith.extui %sign3A_636 : i1 to i32
          %sign3A_638 = arith.subi %sign3A_634, %sign3A_637 : i32
          %ne3A_639 = arith.cmpi ne, %sign3A_631, %sign3A_638 : i32
          %rem3A_640 = arith.remsi %add3A_622, %jit3A_623 : i32
          %ne3A_641 = arith.constant 0 : i32
          %ne3A_642 = arith.cmpi ne, %rem3A_640, %ne3A_641 : i32
          %and3A_643 = arith.andi %ne3A_639, %ne3A_642 : i1
          %sub3A_644 = arith.constant 1 : i32
          %sub3A_645 = arith.subi %div3A_624, %sub3A_644 : i32
          %select_n3A_646 = arith.select %and3A_643, %sub3A_645, %div3A_624 : i32
          %jit3A_647 = arith.constant 16 : i32
          %eq3A_648 = arith.constant 0 : i32
          %eq3A_649 = arith.cmpi eq, %jit3A_647, %eq3A_648 : i32
          %jit3A_650 = arith.constant 1 : i32
          %select_n3A_651 = arith.select %eq3A_649, %jit3A_650, %jit3A_647 : i32
          %rem3A_652 = arith.remsi %add3A_622, %select_n3A_651 : i32
          %ne3A_653 = arith.constant 0 : i32
          %ne3A_654 = arith.cmpi ne, %rem3A_652, %ne3A_653 : i32
          %lt3A_655 = arith.constant 0 : i32
          %lt3A_656 = arith.cmpi slt, %rem3A_652, %lt3A_655 : i32
          %lt3A_657 = arith.constant 0 : i32
          %lt3A_658 = arith.cmpi slt, %select_n3A_651, %lt3A_657 : i32
          %ne3A_659 = arith.xori %lt3A_656, %lt3A_658 : i1
          %and3A_660 = arith.andi %ne3A_659, %ne3A_654 : i1
          %add3A_661 = arith.addi %rem3A_652, %select_n3A_651 : i32
          %select_n3A_662 = arith.select %and3A_660, %add3A_661, %rem3A_652 : i32
          %mul3A_663 = arith.constant 8 : i32
          %mul3A_664 = arith.muli %select_n3A_662, %mul3A_663 : i32
          %dma_wait3A_665 = arith.constant 0 : i32
          %dma_wait3A_666 = tpu.memref_slice %arg3[%select_n3A_646, %mul3A_664, %dma_wait3A_665] : memref<16x128x4096xf32, #tpu.memory_space<hbm>> -> memref<1x8x4096xf32, #tpu.memory_space<hbm>>
          %dma_wait3A_667 = tpu.memref_squeeze %dma_wait3A_666 : memref<1x8x4096xf32, #tpu.memory_space<hbm>> -> memref<8x4096xf32, #tpu.memory_space<hbm>>
          %dma_wait3A_668 = arith.constant 0 : i32
          %dma_wait3A_669 = tpu.memref_slice %arg3[%select_n3A_646, %mul3A_664, %dma_wait3A_668] : memref<16x128x4096xf32, #tpu.memory_space<hbm>> -> memref<1x8x4096xf32, #tpu.memory_space<hbm>>
          %dma_wait3A_670 = tpu.memref_squeeze %dma_wait3A_669 : memref<1x8x4096xf32, #tpu.memory_space<hbm>> -> memref<8x4096xf32, #tpu.memory_space<hbm>>
          tpu.wait_dma2 semaphore(%arg9 : memref<!tpu.dma_semaphore, #tpu.memory_space<semaphore_mem>>) src(%arg4 : memref<8x4096xf32, #tpu.memory_space<vmem>>) dst(%dma_wait3A_670 : memref<8x4096xf32, #tpu.memory_space<hbm>>)
          %add3A_671 = arith.constant 1 : i32
          %add3A_672 = arith.addi %scan3A_201, %add3A_671 : i32
          %mul3A_673 = arith.constant 8 : i32
          %mul3A_674 = arith.muli %add3A, %mul3A_673 : i32
          %add3A_675 = arith.addi %mul3A_674, %add3A_672 : i32
          %jit3A_676 = arith.constant 16 : i32
          %div3A_677 = arith.divsi %add3A_675, %jit3A_676 : i32
          %sign3A_678 = arith.constant 0 : i32
          %sign3A_679 = arith.cmpi sgt, %add3A_675, %sign3A_678 : i32
          %sign3A_680 = arith.extui %sign3A_679 : i1 to i32
          %sign3A_681 = arith.constant 0 : i32
          %sign3A_682 = arith.cmpi slt, %add3A_675, %sign3A_681 : i32
          %sign3A_683 = arith.extui %sign3A_682 : i1 to i32
          %sign3A_684 = arith.subi %sign3A_680, %sign3A_683 : i32
          %sign3A_685 = arith.constant 0 : i32
          %sign3A_686 = arith.cmpi sgt, %jit3A_676, %sign3A_685 : i32
          %sign3A_687 = arith.extui %sign3A_686 : i1 to i32
          %sign3A_688 = arith.constant 0 : i32
          %sign3A_689 = arith.cmpi slt, %jit3A_676, %sign3A_688 : i32
          %sign3A_690 = arith.extui %sign3A_689 : i1 to i32
          %sign3A_691 = arith.subi %sign3A_687, %sign3A_690 : i32
          %ne3A_692 = arith.cmpi ne, %sign3A_684, %sign3A_691 : i32
          %rem3A_693 = arith.remsi %add3A_675, %jit3A_676 : i32
          %ne3A_694 = arith.constant 0 : i32
          %ne3A_695 = arith.cmpi ne, %rem3A_693, %ne3A_694 : i32
          %and3A_696 = arith.andi %ne3A_692, %ne3A_695 : i1
          %sub3A_697 = arith.constant 1 : i32
          %sub3A_698 = arith.subi %div3A_677, %sub3A_697 : i32
          %select_n3A_699 = arith.select %and3A_696, %sub3A_698, %div3A_677 : i32
          %jit3A_700 = arith.constant 16 : i32
          %eq3A_701 = arith.constant 0 : i32
          %eq3A_702 = arith.cmpi eq, %jit3A_700, %eq3A_701 : i32
          %jit3A_703 = arith.constant 1 : i32
          %select_n3A_704 = arith.select %eq3A_702, %jit3A_703, %jit3A_700 : i32
          %rem3A_705 = arith.remsi %add3A_675, %select_n3A_704 : i32
          %ne3A_706 = arith.constant 0 : i32
          %ne3A_707 = arith.cmpi ne, %rem3A_705, %ne3A_706 : i32
          %lt3A_708 = arith.constant 0 : i32
          %lt3A_709 = arith.cmpi slt, %rem3A_705, %lt3A_708 : i32
          %lt3A_710 = arith.constant 0 : i32
          %lt3A_711 = arith.cmpi slt, %select_n3A_704, %lt3A_710 : i32
          %ne3A_712 = arith.xori %lt3A_709, %lt3A_711 : i1
          %and3A_713 = arith.andi %ne3A_712, %ne3A_707 : i1
          %add3A_714 = arith.addi %rem3A_705, %select_n3A_704 : i32
          %select_n3A_715 = arith.select %and3A_713, %add3A_714, %rem3A_705 : i32
          %mul3A_716 = arith.constant 8 : i32
          %mul3A_717 = arith.muli %select_n3A_715, %mul3A_716 : i32
          %dma_start3A_718 = arith.constant 0 : i32
          %dma_start3A_719 = tpu.memref_slice %arg2[%select_n3A_699, %mul3A_717, %dma_start3A_718] : memref<64x128x4096xf32, #tpu.memory_space<hbm>> -> memref<1x8x4096xf32, #tpu.memory_space<hbm>>
          %dma_start3A_720 = tpu.memref_squeeze %dma_start3A_719 : memref<1x8x4096xf32, #tpu.memory_space<hbm>> -> memref<8x4096xf32, #tpu.memory_space<hbm>>
          %dma_start3A_721 = arith.constant 0 : i32
          %dma_start3A_722 = tpu.memref_slice %arg2[%select_n3A_699, %mul3A_717, %dma_start3A_721] : memref<64x128x4096xf32, #tpu.memory_space<hbm>> -> memref<1x8x4096xf32, #tpu.memory_space<hbm>>
          %dma_start3A_723 = tpu.memref_squeeze %dma_start3A_722 : memref<1x8x4096xf32, #tpu.memory_space<hbm>> -> memref<8x4096xf32, #tpu.memory_space<hbm>>
          tpu.enqueue_dma source(%dma_start3A_723 : memref<8x4096xf32, #tpu.memory_space<hbm>>) target(%arg4 : memref<8x4096xf32, #tpu.memory_space<vmem>>) target_semaphore(%arg7 : memref<!tpu.dma_semaphore, #tpu.memory_space<semaphore_mem>>)
        } else {
        }
        %parallel_loop3A_543 = arith.constant 0 : i32
        %parallel_loop3A_544 = arith.constant 256 : i32
        %parallel_loop3A_545 = arith.constant 1 : i32
        scf.for %parallel_loop3A_618 = %parallel_loop3A_543 to %parallel_loop3A_544 step %parallel_loop3A_545  : i32 {
          %parallel_loop3A_619 = arith.constant 16 : i32
          %parallel_loop3A_620 = arith.muli %parallel_loop3A_618, %parallel_loop3A_619 : i32
          %parallel_loop3A_621 = arith.constant 0 : i32
          %parallel_loop3A_622 = arith.addi %parallel_loop3A_621, %parallel_loop3A_620 : i32
          %parallel_loop3A_623 = arith.addi %parallel_loop3A_622, %select_n3A_317 : i32
          %parallel_loop3A_624 = arith.index_cast %parallel_loop3A_623 : i32 to index
          %parallel_loop3A_625 = tpu.vector_load %arg6[%parallel_loop3A_624] {strides = array<i32>} : memref<33024xf32, #tpu.memory_space<vmem>>, vector<16xf32>,
          %parallel_loop3A_626 = vector.shape_cast %parallel_loop3A_625 : vector<16xf32> to vector<16xf32>
          %parallel_loop3A_627 = arith.constant 16 : i32
          %parallel_loop3A_628 = arith.muli %parallel_loop3A_618, %parallel_loop3A_627 : i32
          %parallel_loop3A_629 = arith.constant 0 : i32
          %parallel_loop3A_630 = arith.index_cast %parallel_loop3A_629 : i32 to index
          %parallel_loop3A_631 = arith.index_cast %parallel_loop3A_628 : i32 to index
          %parallel_loop3A_632 = tpu.vector_load %arg5[%parallel_loop3A_630, %parallel_loop3A_631] {strides = array<i32>} : memref<8x4096xf32, #tpu.memory_space<vmem>>, vector<1x16xf32>,
          %parallel_loop3A_633 = vector.shape_cast %parallel_loop3A_632 : vector<1x16xf32> to vector<16xf32>
          %parallel_loop3A_634 = vector.shape_cast %parallel_loop3A_626 : vector<16xf32> to vector<1x16xf32>
          tpu.vector_store %arg5[%parallel_loop3A_630, %parallel_loop3A_631], %parallel_loop3A_634 {strides = array<i32>} : memref<8x4096xf32, #tpu.memory_space<vmem>>, vector<1x16xf32>,
        } {sc.loop_unroll_factor = 8 : i64, sc.parallel_access}
        %parallel_loop3A_546 = arith.constant 0 : i32
        %parallel_loop3A_547 = arith.constant 256 : i32
        %parallel_loop3A_548 = arith.constant 1 : i32
        scf.for %parallel_loop3A_618 = %parallel_loop3A_546 to %parallel_loop3A_547 step %parallel_loop3A_548  : i32 {
          %parallel_loop3A_619 = arith.constant 16 : i32
          %parallel_loop3A_620 = arith.muli %parallel_loop3A_618, %parallel_loop3A_619 : i32
          %parallel_loop3A_621 = arith.constant 4128 : i32
          %parallel_loop3A_622 = arith.addi %parallel_loop3A_621, %parallel_loop3A_620 : i32
          %parallel_loop3A_623 = arith.addi %parallel_loop3A_622, %select_n3A_317 : i32
          %parallel_loop3A_624 = arith.index_cast %parallel_loop3A_623 : i32 to index
          %parallel_loop3A_625 = tpu.vector_load %arg6[%parallel_loop3A_624] {strides = array<i32>} : memref<33024xf32, #tpu.memory_space<vmem>>, vector<16xf32>,
          %parallel_loop3A_626 = vector.shape_cast %parallel_loop3A_625 : vector<16xf32> to vector<16xf32>
          %parallel_loop3A_627 = arith.constant 16 : i32
          %parallel_loop3A_628 = arith.muli %parallel_loop3A_618, %parallel_loop3A_627 : i32
          %parallel_loop3A_629 = arith.constant 1 : i32
          %parallel_loop3A_630 = arith.index_cast %parallel_loop3A_629 : i32 to index
          %parallel_loop3A_631 = arith.index_cast %parallel_loop3A_628 : i32 to index
          %parallel_loop3A_632 = tpu.vector_load %arg5[%parallel_loop3A_630, %parallel_loop3A_631] {strides = array<i32>} : memref<8x4096xf32, #tpu.memory_space<vmem>>, vector<1x16xf32>,
          %parallel_loop3A_633 = vector.shape_cast %parallel_loop3A_632 : vector<1x16xf32> to vector<16xf32>
          %parallel_loop3A_634 = vector.shape_cast %parallel_loop3A_626 : vector<16xf32> to vector<1x16xf32>
          tpu.vector_store %arg5[%parallel_loop3A_630, %parallel_loop3A_631], %parallel_loop3A_634 {strides = array<i32>} : memref<8x4096xf32, #tpu.memory_space<vmem>>, vector<1x16xf32>,
        } {sc.loop_unroll_factor = 8 : i64, sc.parallel_access}
        %parallel_loop3A_549 = arith.constant 0 : i32
        %parallel_loop3A_550 = arith.constant 256 : i32
        %parallel_loop3A_551 = arith.constant 1 : i32
        scf.for %parallel_loop3A_618 = %parallel_loop3A_549 to %parallel_loop3A_550 step %parallel_loop3A_551  : i32 {
          %parallel_loop3A_619 = arith.constant 16 : i32
          %parallel_loop3A_620 = arith.muli %parallel_loop3A_618, %parallel_loop3A_619 : i32
          %parallel_loop3A_621 = arith.constant 8256 : i32
          %parallel_loop3A_622 = arith.addi %parallel_loop3A_621, %parallel_loop3A_620 : i32
          %parallel_loop3A_623 = arith.addi %parallel_loop3A_622, %select_n3A_317 : i32
          %parallel_loop3A_624 = arith.index_cast %parallel_loop3A_623 : i32 to index
          %parallel_loop3A_625 = tpu.vector_load %arg6[%parallel_loop3A_624] {strides = array<i32>} : memref<33024xf32, #tpu.memory_space<vmem>>, vector<16xf32>,
          %parallel_loop3A_626 = vector.shape_cast %parallel_loop3A_625 : vector<16xf32> to vector<16xf32>
          %parallel_loop3A_627 = arith.constant 16 : i32
          %parallel_loop3A_628 = arith.muli %parallel_loop3A_618, %parallel_loop3A_627 : i32
          %parallel_loop3A_629 = arith.constant 2 : i32
          %parallel_loop3A_630 = arith.index_cast %parallel_loop3A_629 : i32 to index
          %parallel_loop3A_631 = arith.index_cast %parallel_loop3A_628 : i32 to index
          %parallel_loop3A_632 = tpu.vector_load %arg5[%parallel_loop3A_630, %parallel_loop3A_631] {strides = array<i32>} : memref<8x4096xf32, #tpu.memory_space<vmem>>, vector<1x16xf32>,
          %parallel_loop3A_633 = vector.shape_cast %parallel_loop3A_632 : vector<1x16xf32> to vector<16xf32>
          %parallel_loop3A_634 = vector.shape_cast %parallel_loop3A_626 : vector<16xf32> to vector<1x16xf32>
          tpu.vector_store %arg5[%parallel_loop3A_630, %parallel_loop3A_631], %parallel_loop3A_634 {strides = array<i32>} : memref<8x4096xf32, #tpu.memory_space<vmem>>, vector<1x16xf32>,
        } {sc.loop_unroll_factor = 8 : i64, sc.parallel_access}
        %parallel_loop3A_552 = arith.constant 0 : i32
        %parallel_loop3A_553 = arith.constant 256 : i32
        %parallel_loop3A_554 = arith.constant 1 : i32
        scf.for %parallel_loop3A_618 = %parallel_loop3A_552 to %parallel_loop3A_553 step %parallel_loop3A_554  : i32 {
          %parallel_loop3A_619 = arith.constant 16 : i32
          %parallel_loop3A_620 = arith.muli %parallel_loop3A_618, %parallel_loop3A_619 : i32
          %parallel_loop3A_621 = arith.constant 12384 : i32
          %parallel_loop3A_622 = arith.addi %parallel_loop3A_621, %parallel_loop3A_620 : i32
          %parallel_loop3A_623 = arith.addi %parallel_loop3A_622, %select_n3A_317 : i32
          %parallel_loop3A_624 = arith.index_cast %parallel_loop3A_623 : i32 to index
          %parallel_loop3A_625 = tpu.vector_load %arg6[%parallel_loop3A_624] {strides = array<i32>} : memref<33024xf32, #tpu.memory_space<vmem>>, vector<16xf32>,
          %parallel_loop3A_626 = vector.shape_cast %parallel_loop3A_625 : vector<16xf32> to vector<16xf32>
          %parallel_loop3A_627 = arith.constant 16 : i32
          %parallel_loop3A_628 = arith.muli %parallel_loop3A_618, %parallel_loop3A_627 : i32
          %parallel_loop3A_629 = arith.constant 3 : i32
          %parallel_loop3A_630 = arith.index_cast %parallel_loop3A_629 : i32 to index
          %parallel_loop3A_631 = arith.index_cast %parallel_loop3A_628 : i32 to index
          %parallel_loop3A_632 = tpu.vector_load %arg5[%parallel_loop3A_630, %parallel_loop3A_631] {strides = array<i32>} : memref<8x4096xf32, #tpu.memory_space<vmem>>, vector<1x16xf32>,
          %parallel_loop3A_633 = vector.shape_cast %parallel_loop3A_632 : vector<1x16xf32> to vector<16xf32>
          %parallel_loop3A_634 = vector.shape_cast %parallel_loop3A_626 : vector<16xf32> to vector<1x16xf32>
          tpu.vector_store %arg5[%parallel_loop3A_630, %parallel_loop3A_631], %parallel_loop3A_634 {strides = array<i32>} : memref<8x4096xf32, #tpu.memory_space<vmem>>, vector<1x16xf32>,
        } {sc.loop_unroll_factor = 8 : i64, sc.parallel_access}
        %parallel_loop3A_555 = arith.constant 0 : i32
        %parallel_loop3A_556 = arith.constant 256 : i32
        %parallel_loop3A_557 = arith.constant 1 : i32
        scf.for %parallel_loop3A_618 = %parallel_loop3A_555 to %parallel_loop3A_556 step %parallel_loop3A_557  : i32 {
          %parallel_loop3A_619 = arith.constant 16 : i32
          %parallel_loop3A_620 = arith.muli %parallel_loop3A_618, %parallel_loop3A_619 : i32
          %parallel_loop3A_621 = arith.constant 16512 : i32
          %parallel_loop3A_622 = arith.addi %parallel_loop3A_621, %parallel_loop3A_620 : i32
          %parallel_loop3A_623 = arith.addi %parallel_loop3A_622, %select_n3A_317 : i32
          %parallel_loop3A_624 = arith.index_cast %parallel_loop3A_623 : i32 to index
          %parallel_loop3A_625 = tpu.vector_load %arg6[%parallel_loop3A_624] {strides = array<i32>} : memref<33024xf32, #tpu.memory_space<vmem>>, vector<16xf32>,
          %parallel_loop3A_626 = vector.shape_cast %parallel_loop3A_625 : vector<16xf32> to vector<16xf32>
          %parallel_loop3A_627 = arith.constant 16 : i32
          %parallel_loop3A_628 = arith.muli %parallel_loop3A_618, %parallel_loop3A_627 : i32
          %parallel_loop3A_629 = arith.constant 4 : i32
          %parallel_loop3A_630 = arith.index_cast %parallel_loop3A_629 : i32 to index
          %parallel_loop3A_631 = arith.index_cast %parallel_loop3A_628 : i32 to index
          %parallel_loop3A_632 = tpu.vector_load %arg5[%parallel_loop3A_630, %parallel_loop3A_631] {strides = array<i32>} : memref<8x4096xf32, #tpu.memory_space<vmem>>, vector<1x16xf32>,
          %parallel_loop3A_633 = vector.shape_cast %parallel_loop3A_632 : vector<1x16xf32> to vector<16xf32>
          %parallel_loop3A_634 = vector.shape_cast %parallel_loop3A_626 : vector<16xf32> to vector<1x16xf32>
          tpu.vector_store %arg5[%parallel_loop3A_630, %parallel_loop3A_631], %parallel_loop3A_634 {strides = array<i32>} : memref<8x4096xf32, #tpu.memory_space<vmem>>, vector<1x16xf32>,
        } {sc.loop_unroll_factor = 8 : i64, sc.parallel_access}
        %parallel_loop3A_558 = arith.constant 0 : i32
        %parallel_loop3A_559 = arith.constant 256 : i32
        %parallel_loop3A_560 = arith.constant 1 : i32
        scf.for %parallel_loop3A_618 = %parallel_loop3A_558 to %parallel_loop3A_559 step %parallel_loop3A_560  : i32 {
          %parallel_loop3A_619 = arith.constant 16 : i32
          %parallel_loop3A_620 = arith.muli %parallel_loop3A_618, %parallel_loop3A_619 : i32
          %parallel_loop3A_621 = arith.constant 20640 : i32
          %parallel_loop3A_622 = arith.addi %parallel_loop3A_621, %parallel_loop3A_620 : i32
          %parallel_loop3A_623 = arith.addi %parallel_loop3A_622, %select_n3A_317 : i32
          %parallel_loop3A_624 = arith.index_cast %parallel_loop3A_623 : i32 to index
          %parallel_loop3A_625 = tpu.vector_load %arg6[%parallel_loop3A_624] {strides = array<i32>} : memref<33024xf32, #tpu.memory_space<vmem>>, vector<16xf32>,
          %parallel_loop3A_626 = vector.shape_cast %parallel_loop3A_625 : vector<16xf32> to vector<16xf32>
          %parallel_loop3A_627 = arith.constant 16 : i32
          %parallel_loop3A_628 = arith.muli %parallel_loop3A_618, %parallel_loop3A_627 : i32
          %parallel_loop3A_629 = arith.constant 5 : i32
          %parallel_loop3A_630 = arith.index_cast %parallel_loop3A_629 : i32 to index
          %parallel_loop3A_631 = arith.index_cast %parallel_loop3A_628 : i32 to index
          %parallel_loop3A_632 = tpu.vector_load %arg5[%parallel_loop3A_630, %parallel_loop3A_631] {strides = array<i32>} : memref<8x4096xf32, #tpu.memory_space<vmem>>, vector<1x16xf32>,
          %parallel_loop3A_633 = vector.shape_cast %parallel_loop3A_632 : vector<1x16xf32> to vector<16xf32>
          %parallel_loop3A_634 = vector.shape_cast %parallel_loop3A_626 : vector<16xf32> to vector<1x16xf32>
          tpu.vector_store %arg5[%parallel_loop3A_630, %parallel_loop3A_631], %parallel_loop3A_634 {strides = array<i32>} : memref<8x4096xf32, #tpu.memory_space<vmem>>, vector<1x16xf32>,
        } {sc.loop_unroll_factor = 8 : i64, sc.parallel_access}
        %parallel_loop3A_561 = arith.constant 0 : i32
        %parallel_loop3A_562 = arith.constant 256 : i32
        %parallel_loop3A_563 = arith.constant 1 : i32
        scf.for %parallel_loop3A_618 = %parallel_loop3A_561 to %parallel_loop3A_562 step %parallel_loop3A_563  : i32 {
          %parallel_loop3A_619 = arith.constant 16 : i32
          %parallel_loop3A_620 = arith.muli %parallel_loop3A_618, %parallel_loop3A_619 : i32
          %parallel_loop3A_621 = arith.constant 24768 : i32
          %parallel_loop3A_622 = arith.addi %parallel_loop3A_621, %parallel_loop3A_620 : i32
          %parallel_loop3A_623 = arith.addi %parallel_loop3A_622, %select_n3A_317 : i32
          %parallel_loop3A_624 = arith.index_cast %parallel_loop3A_623 : i32 to index
          %parallel_loop3A_625 = tpu.vector_load %arg6[%parallel_loop3A_624] {strides = array<i32>} : memref<33024xf32, #tpu.memory_space<vmem>>, vector<16xf32>,
          %parallel_loop3A_626 = vector.shape_cast %parallel_loop3A_625 : vector<16xf32> to vector<16xf32>
          %parallel_loop3A_627 = arith.constant 16 : i32
          %parallel_loop3A_628 = arith.muli %parallel_loop3A_618, %parallel_loop3A_627 : i32
          %parallel_loop3A_629 = arith.constant 6 : i32
          %parallel_loop3A_630 = arith.index_cast %parallel_loop3A_629 : i32 to index
          %parallel_loop3A_631 = arith.index_cast %parallel_loop3A_628 : i32 to index
          %parallel_loop3A_632 = tpu.vector_load %arg5[%parallel_loop3A_630, %parallel_loop3A_631] {strides = array<i32>} : memref<8x4096xf32, #tpu.memory_space<vmem>>, vector<1x16xf32>,
          %parallel_loop3A_633 = vector.shape_cast %parallel_loop3A_632 : vector<1x16xf32> to vector<16xf32>
          %parallel_loop3A_634 = vector.shape_cast %parallel_loop3A_626 : vector<16xf32> to vector<1x16xf32>
          tpu.vector_store %arg5[%parallel_loop3A_630, %parallel_loop3A_631], %parallel_loop3A_634 {strides = array<i32>} : memref<8x4096xf32, #tpu.memory_space<vmem>>, vector<1x16xf32>,
        } {sc.loop_unroll_factor = 8 : i64, sc.parallel_access}
        %parallel_loop3A_564 = arith.constant 0 : i32
        %parallel_loop3A_565 = arith.constant 256 : i32
        %parallel_loop3A_566 = arith.constant 1 : i32
        scf.for %parallel_loop3A_618 = %parallel_loop3A_564 to %parallel_loop3A_565 step %parallel_loop3A_566  : i32 {
          %parallel_loop3A_619 = arith.constant 16 : i32
          %parallel_loop3A_620 = arith.muli %parallel_loop3A_618, %parallel_loop3A_619 : i32
          %parallel_loop3A_621 = arith.constant 28896 : i32
          %parallel_loop3A_622 = arith.addi %parallel_loop3A_621, %parallel_loop3A_620 : i32
          %parallel_loop3A_623 = arith.addi %parallel_loop3A_622, %select_n3A_317 : i32
          %parallel_loop3A_624 = arith.index_cast %parallel_loop3A_623 : i32 to index
          %parallel_loop3A_625 = tpu.vector_load %arg6[%parallel_loop3A_624] {strides = array<i32>} : memref<33024xf32, #tpu.memory_space<vmem>>, vector<16xf32>,
          %parallel_loop3A_626 = vector.shape_cast %parallel_loop3A_625 : vector<16xf32> to vector<16xf32>
          %parallel_loop3A_627 = arith.constant 16 : i32
          %parallel_loop3A_628 = arith.muli %parallel_loop3A_618, %parallel_loop3A_627 : i32
          %parallel_loop3A_629 = arith.constant 7 : i32
          %parallel_loop3A_630 = arith.index_cast %parallel_loop3A_629 : i32 to index
          %parallel_loop3A_631 = arith.index_cast %parallel_loop3A_628 : i32 to index
          %parallel_loop3A_632 = tpu.vector_load %arg5[%parallel_loop3A_630, %parallel_loop3A_631] {strides = array<i32>} : memref<8x4096xf32, #tpu.memory_space<vmem>>, vector<1x16xf32>,
          %parallel_loop3A_633 = vector.shape_cast %parallel_loop3A_632 : vector<1x16xf32> to vector<16xf32>
          %parallel_loop3A_634 = vector.shape_cast %parallel_loop3A_626 : vector<16xf32> to vector<1x16xf32>
          tpu.vector_store %arg5[%parallel_loop3A_630, %parallel_loop3A_631], %parallel_loop3A_634 {strides = array<i32>} : memref<8x4096xf32, #tpu.memory_space<vmem>>, vector<1x16xf32>,
        } {sc.loop_unroll_factor = 8 : i64, sc.parallel_access}
        %mul3A_567 = arith.constant 8 : i32
        %mul3A_568 = arith.muli %add3A, %mul3A_567 : i32
        %add3A_569 = arith.addi %mul3A_568, %scan3A_201 : i32
        %jit3A_570 = arith.constant 16 : i32
        %div3A_571 = arith.divsi %add3A_569, %jit3A_570 : i32
        %sign3A_572 = arith.constant 0 : i32
        %sign3A_573 = arith.cmpi sgt, %add3A_569, %sign3A_572 : i32
        %sign3A_574 = arith.extui %sign3A_573 : i1 to i32
        %sign3A_575 = arith.constant 0 : i32
        %sign3A_576 = arith.cmpi slt, %add3A_569, %sign3A_575 : i32
        %sign3A_577 = arith.extui %sign3A_576 : i1 to i32
        %sign3A_578 = arith.subi %sign3A_574, %sign3A_577 : i32
        %sign3A_579 = arith.constant 0 : i32
        %sign3A_580 = arith.cmpi sgt, %jit3A_570, %sign3A_579 : i32
        %sign3A_581 = arith.extui %sign3A_580 : i1 to i32
        %sign3A_582 = arith.constant 0 : i32
        %sign3A_583 = arith.cmpi slt, %jit3A_570, %sign3A_582 : i32
        %sign3A_584 = arith.extui %sign3A_583 : i1 to i32
        %sign3A_585 = arith.subi %sign3A_581, %sign3A_584 : i32
        %ne3A_586 = arith.cmpi ne, %sign3A_578, %sign3A_585 : i32
        %rem3A_587 = arith.remsi %add3A_569, %jit3A_570 : i32
        %ne3A_588 = arith.constant 0 : i32
        %ne3A_589 = arith.cmpi ne, %rem3A_587, %ne3A_588 : i32
        %and3A_590 = arith.andi %ne3A_586, %ne3A_589 : i1
        %sub3A_591 = arith.constant 1 : i32
        %sub3A_592 = arith.subi %div3A_571, %sub3A_591 : i32
        %select_n3A_593 = arith.select %and3A_590, %sub3A_592, %div3A_571 : i32
        %jit3A_594 = arith.constant 16 : i32
        %eq3A_595 = arith.constant 0 : i32
        %eq3A_596 = arith.cmpi eq, %jit3A_594, %eq3A_595 : i32
        %jit3A_597 = arith.constant 1 : i32
        %select_n3A_598 = arith.select %eq3A_596, %jit3A_597, %jit3A_594 : i32
        %rem3A_599 = arith.remsi %add3A_569, %select_n3A_598 : i32
        %ne3A_600 = arith.constant 0 : i32
        %ne3A_601 = arith.cmpi ne, %rem3A_599, %ne3A_600 : i32
        %lt3A_602 = arith.constant 0 : i32
        %lt3A_603 = arith.cmpi slt, %rem3A_599, %lt3A_602 : i32
        %lt3A_604 = arith.constant 0 : i32
        %lt3A_605 = arith.cmpi slt, %select_n3A_598, %lt3A_604 : i32
        %ne3A_606 = arith.xori %lt3A_603, %lt3A_605 : i1
        %and3A_607 = arith.andi %ne3A_606, %ne3A_601 : i1
        %add3A_608 = arith.addi %rem3A_599, %select_n3A_598 : i32
        %select_n3A_609 = arith.select %and3A_607, %add3A_608, %rem3A_599 : i32
        %mul3A_610 = arith.constant 8 : i32
        %mul3A_611 = arith.muli %select_n3A_609, %mul3A_610 : i32
        %dma_start3A_612 = arith.constant 0 : i32
        %dma_start3A_613 = tpu.memref_slice %arg3[%select_n3A_593, %mul3A_611, %dma_start3A_612] : memref<16x128x4096xf32, #tpu.memory_space<hbm>> -> memref<1x8x4096xf32, #tpu.memory_space<hbm>>
        %dma_start3A_614 = tpu.memref_squeeze %dma_start3A_613 : memref<1x8x4096xf32, #tpu.memory_space<hbm>> -> memref<8x4096xf32, #tpu.memory_space<hbm>>
        %dma_start3A_615 = arith.constant 0 : i32
        %dma_start3A_616 = tpu.memref_slice %arg3[%select_n3A_593, %mul3A_611, %dma_start3A_615] : memref<16x128x4096xf32, #tpu.memory_space<hbm>> -> memref<1x8x4096xf32, #tpu.memory_space<hbm>>
        %dma_start3A_617 = tpu.memref_squeeze %dma_start3A_616 : memref<1x8x4096xf32, #tpu.memory_space<hbm>> -> memref<8x4096xf32, #tpu.memory_space<hbm>>
        tpu.enqueue_dma source(%arg5 : memref<8x4096xf32, #tpu.memory_space<vmem>>) target(%dma_start3A_617 : memref<8x4096xf32, #tpu.memory_space<hbm>>) target_semaphore(%arg10 : memref<!tpu.dma_semaphore, #tpu.memory_space<semaphore_mem>>)
      } else {
      }
    }
    %scan3A_97 = arith.constant 8 : i32
    %mul3A_98 = arith.constant 8 : i32
    %mul3A_99 = arith.muli %add3A, %mul3A_98 : i32
    %add3A_100 = arith.constant 6 : i32
    %add3A_101 = arith.addi %mul3A_99, %add3A_100 : i32
    %jit3A_102 = arith.constant 16 : i32
    %div3A_103 = arith.divsi %add3A_101, %jit3A_102 : i32
    %sign3A_104 = arith.constant 0 : i32
    %sign3A_105 = arith.cmpi sgt, %add3A_101, %sign3A_104 : i32
    %sign3A_106 = arith.extui %sign3A_105 : i1 to i32
    %sign3A_107 = arith.constant 0 : i32
    %sign3A_108 = arith.cmpi slt, %add3A_101, %sign3A_107 : i32
    %sign3A_109 = arith.extui %sign3A_108 : i1 to i32
    %sign3A_110 = arith.subi %sign3A_106, %sign3A_109 : i32
    %sign3A_111 = arith.constant 0 : i32
    %sign3A_112 = arith.cmpi sgt, %jit3A_102, %sign3A_111 : i32
    %sign3A_113 = arith.extui %sign3A_112 : i1 to i32
    %sign3A_114 = arith.constant 0 : i32
    %sign3A_115 = arith.cmpi slt, %jit3A_102, %sign3A_114 : i32
    %sign3A_116 = arith.extui %sign3A_115 : i1 to i32
    %sign3A_117 = arith.subi %sign3A_113, %sign3A_116 : i32
    %ne3A_118 = arith.cmpi ne, %sign3A_110, %sign3A_117 : i32
    %rem3A_119 = arith.remsi %add3A_101, %jit3A_102 : i32
    %ne3A_120 = arith.constant 0 : i32
    %ne3A_121 = arith.cmpi ne, %rem3A_119, %ne3A_120 : i32
    %and3A_122 = arith.andi %ne3A_118, %ne3A_121 : i1
    %sub3A_123 = arith.constant 1 : i32
    %sub3A_124 = arith.subi %div3A_103, %sub3A_123 : i32
    %select_n3A_125 = arith.select %and3A_122, %sub3A_124, %div3A_103 : i32
    %jit3A_126 = arith.constant 16 : i32
    %eq3A_127 = arith.constant 0 : i32
    %eq3A_128 = arith.cmpi eq, %jit3A_126, %eq3A_127 : i32
    %jit3A_129 = arith.constant 1 : i32
    %select_n3A_130 = arith.select %eq3A_128, %jit3A_129, %jit3A_126 : i32
    %rem3A_131 = arith.remsi %add3A_101, %select_n3A_130 : i32
    %ne3A_132 = arith.constant 0 : i32
    %ne3A_133 = arith.cmpi ne, %rem3A_131, %ne3A_132 : i32
    %lt3A_134 = arith.constant 0 : i32
    %lt3A_135 = arith.cmpi slt, %rem3A_131, %lt3A_134 : i32
    %lt3A_136 = arith.constant 0 : i32
    %lt3A_137 = arith.cmpi slt, %select_n3A_130, %lt3A_136 : i32
    %ne3A_138 = arith.xori %lt3A_135, %lt3A_137 : i1
    %and3A_139 = arith.andi %ne3A_138, %ne3A_133 : i1
    %add3A_140 = arith.addi %rem3A_131, %select_n3A_130 : i32
    %select_n3A_141 = arith.select %and3A_139, %add3A_140, %rem3A_131 : i32
    %mul3A_142 = arith.constant 8 : i32
    %mul3A_143 = arith.muli %select_n3A_141, %mul3A_142 : i32
    %dma_wait3A = arith.constant 0 : i32
    %dma_wait3A_144 = tpu.memref_slice %arg3[%select_n3A_125, %mul3A_143, %dma_wait3A] : memref<16x128x4096xf32, #tpu.memory_space<hbm>> -> memref<1x8x4096xf32, #tpu.memory_space<hbm>>
    %dma_wait3A_145 = tpu.memref_squeeze %dma_wait3A_144 : memref<1x8x4096xf32, #tpu.memory_space<hbm>> -> memref<8x4096xf32, #tpu.memory_space<hbm>>
    %dma_wait3A_146 = arith.constant 0 : i32
    %dma_wait3A_147 = tpu.memref_slice %arg3[%select_n3A_125, %mul3A_143, %dma_wait3A_146] : memref<16x128x4096xf32, #tpu.memory_space<hbm>> -> memref<1x8x4096xf32, #tpu.memory_space<hbm>>
    %dma_wait3A_148 = tpu.memref_squeeze %dma_wait3A_147 : memref<1x8x4096xf32, #tpu.memory_space<hbm>> -> memref<8x4096xf32, #tpu.memory_space<hbm>>
    tpu.wait_dma2 semaphore(%arg9 : memref<!tpu.dma_semaphore, #tpu.memory_space<semaphore_mem>>) src(%arg4 : memref<8x4096xf32, #tpu.memory_space<vmem>>) dst(%dma_wait3A_148 : memref<8x4096xf32, #tpu.memory_space<hbm>>)
    %mul3A_149 = arith.constant 8 : i32
    %mul3A_150 = arith.muli %add3A, %mul3A_149 : i32
    %add3A_151 = arith.constant 7 : i32
    %add3A_152 = arith.addi %mul3A_150, %add3A_151 : i32
    %jit3A_153 = arith.constant 16 : i32
    %div3A_154 = arith.divsi %add3A_152, %jit3A_153 : i32
    %sign3A_155 = arith.constant 0 : i32
    %sign3A_156 = arith.cmpi sgt, %add3A_152, %sign3A_155 : i32
    %sign3A_157 = arith.extui %sign3A_156 : i1 to i32
    %sign3A_158 = arith.constant 0 : i32
    %sign3A_159 = arith.cmpi slt, %add3A_152, %sign3A_158 : i32
    %sign3A_160 = arith.extui %sign3A_159 : i1 to i32
    %sign3A_161 = arith.subi %sign3A_157, %sign3A_160 : i32
    %sign3A_162 = arith.constant 0 : i32
    %sign3A_163 = arith.cmpi sgt, %jit3A_153, %sign3A_162 : i32
    %sign3A_164 = arith.extui %sign3A_163 : i1 to i32
    %sign3A_165 = arith.constant 0 : i32
    %sign3A_166 = arith.cmpi slt, %jit3A_153, %sign3A_165 : i32
    %sign3A_167 = arith.extui %sign3A_166 : i1 to i32
    %sign3A_168 = arith.subi %sign3A_164, %sign3A_167 : i32
    %ne3A_169 = arith.cmpi ne, %sign3A_161, %sign3A_168 : i32
    %rem3A_170 = arith.remsi %add3A_152, %jit3A_153 : i32
    %ne3A_171 = arith.constant 0 : i32
    %ne3A_172 = arith.cmpi ne, %rem3A_170, %ne3A_171 : i32
    %and3A_173 = arith.andi %ne3A_169, %ne3A_172 : i1
    %sub3A_174 = arith.constant 1 : i32
    %sub3A_175 = arith.subi %div3A_154, %sub3A_174 : i32
    %select_n3A_176 = arith.select %and3A_173, %sub3A_175, %div3A_154 : i32
    %jit3A_177 = arith.constant 16 : i32
    %eq3A_178 = arith.constant 0 : i32
    %eq3A_179 = arith.cmpi eq, %jit3A_177, %eq3A_178 : i32
    %jit3A_180 = arith.constant 1 : i32
    %select_n3A_181 = arith.select %eq3A_179, %jit3A_180, %jit3A_177 : i32
    %rem3A_182 = arith.remsi %add3A_152, %select_n3A_181 : i32
    %ne3A_183 = arith.constant 0 : i32
    %ne3A_184 = arith.cmpi ne, %rem3A_182, %ne3A_183 : i32
    %lt3A_185 = arith.constant 0 : i32
    %lt3A_186 = arith.cmpi slt, %rem3A_182, %lt3A_185 : i32
    %lt3A_187 = arith.constant 0 : i32
    %lt3A_188 = arith.cmpi slt, %select_n3A_181, %lt3A_187 : i32
    %ne3A_189 = arith.xori %lt3A_186, %lt3A_188 : i1
    %and3A_190 = arith.andi %ne3A_189, %ne3A_184 : i1
    %add3A_191 = arith.addi %rem3A_182, %select_n3A_181 : i32
    %select_n3A_192 = arith.select %and3A_190, %add3A_191, %rem3A_182 : i32
    %mul3A_193 = arith.constant 8 : i32
    %mul3A_194 = arith.muli %select_n3A_192, %mul3A_193 : i32
    %dma_wait3A_195 = arith.constant 0 : i32
    %dma_wait3A_196 = tpu.memref_slice %arg3[%select_n3A_176, %mul3A_194, %dma_wait3A_195] : memref<16x128x4096xf32, #tpu.memory_space<hbm>> -> memref<1x8x4096xf32, #tpu.memory_space<hbm>>
    %dma_wait3A_197 = tpu.memref_squeeze %dma_wait3A_196 : memref<1x8x4096xf32, #tpu.memory_space<hbm>> -> memref<8x4096xf32, #tpu.memory_space<hbm>>
    %dma_wait3A_198 = arith.constant 0 : i32
    %dma_wait3A_199 = tpu.memref_slice %arg3[%select_n3A_176, %mul3A_194, %dma_wait3A_198] : memref<16x128x4096xf32, #tpu.memory_space<hbm>> -> memref<1x8x4096xf32, #tpu.memory_space<hbm>>
    %dma_wait3A_200 = tpu.memref_squeeze %dma_wait3A_199 : memref<1x8x4096xf32, #tpu.memory_space<hbm>> -> memref<8x4096xf32, #tpu.memory_space<hbm>>
    tpu.wait_dma2 semaphore(%arg10 : memref<!tpu.dma_semaphore, #tpu.memory_space<semaphore_mem>>) src(%arg5 : memref<8x4096xf32, #tpu.memory_space<vmem>>) dst(%dma_wait3A_200 : memref<8x4096xf32, #tpu.memory_space<hbm>>)
    return
  }
}

module attributes {stable_mosaic.version = 14 : i64} {
  func.func @_tc_roll_body(%arg0: i32, %arg1: memref<1x128x4096xf32, #tpu.memory_space<vmem>>, %arg2: memref<1x128x4096xf32, #tpu.memory_space<vmem>>) attributes {dimension_semantics = [#tpu.dimension_semantics<arbitrary>], iteration_bounds = array<i64: 48>, scalar_prefetch = 0 : i64, scratch_operands = 0 : i64, tpu.core_type = #tpu.core_type<tc>, window_params = [{transform_indices = @transform_0, window_bounds = array<i64: 1, 128, 4096>}, {transform_indices = @transform_1, window_bounds = array<i64: 1, 128, 4096>}]} {
    %jit3A = arith.constant 1 : i32
    %div3A = arith.divsi %arg0, %jit3A : i32
    %sign3A = arith.constant 0 : i32
    %sign3A_0 = arith.cmpi sgt, %arg0, %sign3A : i32
    %sign3A_1 = arith.extui %sign3A_0 : i1 to i32
    %sign3A_2 = arith.constant 0 : i32
    %sign3A_3 = arith.cmpi slt, %arg0, %sign3A_2 : i32
    %sign3A_4 = arith.extui %sign3A_3 : i1 to i32
    %sign3A_5 = arith.subi %sign3A_1, %sign3A_4 : i32
    %sign3A_6 = arith.constant 0 : i32
    %sign3A_7 = arith.cmpi sgt, %jit3A, %sign3A_6 : i32
    %sign3A_8 = arith.extui %sign3A_7 : i1 to i32
    %sign3A_9 = arith.constant 0 : i32
    %sign3A_10 = arith.cmpi slt, %jit3A, %sign3A_9 : i32
    %sign3A_11 = arith.extui %sign3A_10 : i1 to i32
    %sign3A_12 = arith.subi %sign3A_8, %sign3A_11 : i32
    %ne3A = arith.cmpi ne, %sign3A_5, %sign3A_12 : i32
    %rem3A = arith.remsi %arg0, %jit3A : i32
    %ne3A_13 = arith.constant 0 : i32
    %ne3A_14 = arith.cmpi ne, %rem3A, %ne3A_13 : i32
    %and3A = arith.andi %ne3A, %ne3A_14 : i1
    %sub3A = arith.constant 1 : i32
    %sub3A_15 = arith.subi %div3A, %sub3A : i32
    %select_n3A = arith.select %and3A, %sub3A_15, %div3A : i32
    %add3A = arith.constant 16 : i32
    %add3A_16 = arith.addi %select_n3A, %add3A : i32
    %eq3A = arith.constant 17 : i32
    %eq3A_17 = arith.cmpi eq, %add3A_16, %eq3A : i32
    %jit3A_18 = arith.constant 2 : i32
    %jit3A_19 = arith.constant 1 : i32
    %select_n3A_20 = arith.select %eq3A_17, %jit3A_18, %jit3A_19 : i32
    %eq3A_21 = arith.constant 18 : i32
    %eq3A_22 = arith.cmpi eq, %add3A_16, %eq3A_21 : i32
    %jit3A_23 = arith.constant -2 : i32
    %select_n3A_24 = arith.select %eq3A_22, %jit3A_23, %select_n3A_20 : i32
    %eq3A_25 = arith.constant 19 : i32
    %eq3A_26 = arith.cmpi eq, %add3A_16, %eq3A_25 : i32
    %jit3A_27 = arith.constant 2 : i32
    %select_n3A_28 = arith.select %eq3A_26, %jit3A_27, %select_n3A_24 : i32
    %eq3A_29 = arith.constant 20 : i32
    %eq3A_30 = arith.cmpi eq, %add3A_16, %eq3A_29 : i32
    %jit3A_31 = arith.constant 0 : i32
    %select_n3A_32 = arith.select %eq3A_30, %jit3A_31, %select_n3A_28 : i32
    %eq3A_33 = arith.constant 21 : i32
    %eq3A_34 = arith.cmpi eq, %add3A_16, %eq3A_33 : i32
    %jit3A_35 = arith.constant 1 : i32
    %select_n3A_36 = arith.select %eq3A_34, %jit3A_35, %select_n3A_32 : i32
    %eq3A_37 = arith.constant 22 : i32
    %eq3A_38 = arith.cmpi eq, %add3A_16, %eq3A_37 : i32
    %jit3A_39 = arith.constant 1 : i32
    %select_n3A_40 = arith.select %eq3A_38, %jit3A_39, %select_n3A_36 : i32
    %eq3A_41 = arith.constant 23 : i32
    %eq3A_42 = arith.cmpi eq, %add3A_16, %eq3A_41 : i32
    %jit3A_43 = arith.constant 0 : i32
    %select_n3A_44 = arith.select %eq3A_42, %jit3A_43, %select_n3A_40 : i32
    %eq3A_45 = arith.constant 24 : i32
    %eq3A_46 = arith.cmpi eq, %add3A_16, %eq3A_45 : i32
    %jit3A_47 = arith.constant 2 : i32
    %select_n3A_48 = arith.select %eq3A_46, %jit3A_47, %select_n3A_44 : i32
    %eq3A_49 = arith.constant 25 : i32
    %eq3A_50 = arith.cmpi eq, %add3A_16, %eq3A_49 : i32
    %jit3A_51 = arith.constant -1 : i32
    %select_n3A_52 = arith.select %eq3A_50, %jit3A_51, %select_n3A_48 : i32
    %eq3A_53 = arith.constant 26 : i32
    %eq3A_54 = arith.cmpi eq, %add3A_16, %eq3A_53 : i32
    %jit3A_55 = arith.constant 0 : i32
    %select_n3A_56 = arith.select %eq3A_54, %jit3A_55, %select_n3A_52 : i32
    %eq3A_57 = arith.constant 27 : i32
    %eq3A_58 = arith.cmpi eq, %add3A_16, %eq3A_57 : i32
    %jit3A_59 = arith.constant -1 : i32
    %select_n3A_60 = arith.select %eq3A_58, %jit3A_59, %select_n3A_56 : i32
    %eq3A_61 = arith.constant 28 : i32
    %eq3A_62 = arith.cmpi eq, %add3A_16, %eq3A_61 : i32
    %jit3A_63 = arith.constant 0 : i32
    %select_n3A_64 = arith.select %eq3A_62, %jit3A_63, %select_n3A_60 : i32
    %eq3A_65 = arith.constant 29 : i32
    %eq3A_66 = arith.cmpi eq, %add3A_16, %eq3A_65 : i32
    %jit3A_67 = arith.constant 2 : i32
    %select_n3A_68 = arith.select %eq3A_66, %jit3A_67, %select_n3A_64 : i32
    %eq3A_69 = arith.constant 30 : i32
    %eq3A_70 = arith.cmpi eq, %add3A_16, %eq3A_69 : i32
    %jit3A_71 = arith.constant 2 : i32
    %select_n3A_72 = arith.select %eq3A_70, %jit3A_71, %select_n3A_68 : i32
    %eq3A_73 = arith.constant 31 : i32
    %eq3A_74 = arith.cmpi eq, %add3A_16, %eq3A_73 : i32
    %jit3A_75 = arith.constant 0 : i32
    %select_n3A_76 = arith.select %eq3A_74, %jit3A_75, %select_n3A_72 : i32
    %eq3A_77 = arith.constant 32 : i32
    %eq3A_78 = arith.cmpi eq, %add3A_16, %eq3A_77 : i32
    %jit3A_79 = arith.constant 0 : i32
    %select_n3A_80 = arith.select %eq3A_78, %jit3A_79, %select_n3A_76 : i32
    %eq3A_81 = arith.constant 33 : i32
    %eq3A_82 = arith.cmpi eq, %add3A_16, %eq3A_81 : i32
    %jit3A_83 = arith.constant 1 : i32
    %select_n3A_84 = arith.select %eq3A_82, %jit3A_83, %select_n3A_80 : i32
    %eq3A_85 = arith.constant 34 : i32
    %eq3A_86 = arith.cmpi eq, %add3A_16, %eq3A_85 : i32
    %jit3A_87 = arith.constant -1 : i32
    %select_n3A_88 = arith.select %eq3A_86, %jit3A_87, %select_n3A_84 : i32
    %eq3A_89 = arith.constant 35 : i32
    %eq3A_90 = arith.cmpi eq, %add3A_16, %eq3A_89 : i32
    %jit3A_91 = arith.constant 2 : i32
    %select_n3A_92 = arith.select %eq3A_90, %jit3A_91, %select_n3A_88 : i32
    %eq3A_93 = arith.constant 36 : i32
    %eq3A_94 = arith.cmpi eq, %add3A_16, %eq3A_93 : i32
    %jit3A_95 = arith.constant 0 : i32
    %select_n3A_96 = arith.select %eq3A_94, %jit3A_95, %select_n3A_92 : i32
    %eq3A_97 = arith.constant 37 : i32
    %eq3A_98 = arith.cmpi eq, %add3A_16, %eq3A_97 : i32
    %jit3A_99 = arith.constant 2 : i32
    %select_n3A_100 = arith.select %eq3A_98, %jit3A_99, %select_n3A_96 : i32
    %eq3A_101 = arith.constant 38 : i32
    %eq3A_102 = arith.cmpi eq, %add3A_16, %eq3A_101 : i32
    %jit3A_103 = arith.constant 1 : i32
    %select_n3A_104 = arith.select %eq3A_102, %jit3A_103, %select_n3A_100 : i32
    %eq3A_105 = arith.constant 39 : i32
    %eq3A_106 = arith.cmpi eq, %add3A_16, %eq3A_105 : i32
    %jit3A_107 = arith.constant 1 : i32
    %select_n3A_108 = arith.select %eq3A_106, %jit3A_107, %select_n3A_104 : i32
    %eq3A_109 = arith.constant 40 : i32
    %eq3A_110 = arith.cmpi eq, %add3A_16, %eq3A_109 : i32
    %jit3A_111 = arith.constant 2 : i32
    %select_n3A_112 = arith.select %eq3A_110, %jit3A_111, %select_n3A_108 : i32
    %eq3A_113 = arith.constant 41 : i32
    %eq3A_114 = arith.cmpi eq, %add3A_16, %eq3A_113 : i32
    %jit3A_115 = arith.constant -1 : i32
    %select_n3A_116 = arith.select %eq3A_114, %jit3A_115, %select_n3A_112 : i32
    %eq3A_117 = arith.constant 42 : i32
    %eq3A_118 = arith.cmpi eq, %add3A_16, %eq3A_117 : i32
    %jit3A_119 = arith.constant -2 : i32
    %select_n3A_120 = arith.select %eq3A_118, %jit3A_119, %select_n3A_116 : i32
    %eq3A_121 = arith.constant 43 : i32
    %eq3A_122 = arith.cmpi eq, %add3A_16, %eq3A_121 : i32
    %jit3A_123 = arith.constant 2 : i32
    %select_n3A_124 = arith.select %eq3A_122, %jit3A_123, %select_n3A_120 : i32
    %eq3A_125 = arith.constant 44 : i32
    %eq3A_126 = arith.cmpi eq, %add3A_16, %eq3A_125 : i32
    %jit3A_127 = arith.constant -2 : i32
    %select_n3A_128 = arith.select %eq3A_126, %jit3A_127, %select_n3A_124 : i32
    %eq3A_129 = arith.constant 45 : i32
    %eq3A_130 = arith.cmpi eq, %add3A_16, %eq3A_129 : i32
    %jit3A_131 = arith.constant 0 : i32
    %select_n3A_132 = arith.select %eq3A_130, %jit3A_131, %select_n3A_128 : i32
    %eq3A_133 = arith.constant 46 : i32
    %eq3A_134 = arith.cmpi eq, %add3A_16, %eq3A_133 : i32
    %jit3A_135 = arith.constant -1 : i32
    %select_n3A_136 = arith.select %eq3A_134, %jit3A_135, %select_n3A_132 : i32
    %eq3A_137 = arith.constant 47 : i32
    %eq3A_138 = arith.cmpi eq, %add3A_16, %eq3A_137 : i32
    %jit3A_139 = arith.constant 2 : i32
    %select_n3A_140 = arith.select %eq3A_138, %jit3A_139, %select_n3A_136 : i32
    %eq3A_141 = arith.constant 48 : i32
    %eq3A_142 = arith.cmpi eq, %add3A_16, %eq3A_141 : i32
    %jit3A_143 = arith.constant 0 : i32
    %select_n3A_144 = arith.select %eq3A_142, %jit3A_143, %select_n3A_140 : i32
    %eq3A_145 = arith.constant 49 : i32
    %eq3A_146 = arith.cmpi eq, %add3A_16, %eq3A_145 : i32
    %jit3A_147 = arith.constant 1 : i32
    %select_n3A_148 = arith.select %eq3A_146, %jit3A_147, %select_n3A_144 : i32
    %eq3A_149 = arith.constant 50 : i32
    %eq3A_150 = arith.cmpi eq, %add3A_16, %eq3A_149 : i32
    %jit3A_151 = arith.constant 1 : i32
    %select_n3A_152 = arith.select %eq3A_150, %jit3A_151, %select_n3A_148 : i32
    %eq3A_153 = arith.constant 51 : i32
    %eq3A_154 = arith.cmpi eq, %add3A_16, %eq3A_153 : i32
    %jit3A_155 = arith.constant -2 : i32
    %select_n3A_156 = arith.select %eq3A_154, %jit3A_155, %select_n3A_152 : i32
    %eq3A_157 = arith.constant 52 : i32
    %eq3A_158 = arith.cmpi eq, %add3A_16, %eq3A_157 : i32
    %jit3A_159 = arith.constant 0 : i32
    %select_n3A_160 = arith.select %eq3A_158, %jit3A_159, %select_n3A_156 : i32
    %eq3A_161 = arith.constant 53 : i32
    %eq3A_162 = arith.cmpi eq, %add3A_16, %eq3A_161 : i32
    %jit3A_163 = arith.constant 1 : i32
    %select_n3A_164 = arith.select %eq3A_162, %jit3A_163, %select_n3A_160 : i32
    %eq3A_165 = arith.constant 54 : i32
    %eq3A_166 = arith.cmpi eq, %add3A_16, %eq3A_165 : i32
    %jit3A_167 = arith.constant 2 : i32
    %select_n3A_168 = arith.select %eq3A_166, %jit3A_167, %select_n3A_164 : i32
    %eq3A_169 = arith.constant 55 : i32
    %eq3A_170 = arith.cmpi eq, %add3A_16, %eq3A_169 : i32
    %jit3A_171 = arith.constant 2 : i32
    %select_n3A_172 = arith.select %eq3A_170, %jit3A_171, %select_n3A_168 : i32
    %eq3A_173 = arith.constant 56 : i32
    %eq3A_174 = arith.cmpi eq, %add3A_16, %eq3A_173 : i32
    %jit3A_175 = arith.constant -1 : i32
    %select_n3A_176 = arith.select %eq3A_174, %jit3A_175, %select_n3A_172 : i32
    %eq3A_177 = arith.constant 57 : i32
    %eq3A_178 = arith.cmpi eq, %add3A_16, %eq3A_177 : i32
    %jit3A_179 = arith.constant -2 : i32
    %select_n3A_180 = arith.select %eq3A_178, %jit3A_179, %select_n3A_176 : i32
    %eq3A_181 = arith.constant 58 : i32
    %eq3A_182 = arith.cmpi eq, %add3A_16, %eq3A_181 : i32
    %jit3A_183 = arith.constant 0 : i32
    %select_n3A_184 = arith.select %eq3A_182, %jit3A_183, %select_n3A_180 : i32
    %eq3A_185 = arith.constant 59 : i32
    %eq3A_186 = arith.cmpi eq, %add3A_16, %eq3A_185 : i32
    %jit3A_187 = arith.constant -1 : i32
    %select_n3A_188 = arith.select %eq3A_186, %jit3A_187, %select_n3A_184 : i32
    %eq3A_189 = arith.constant 60 : i32
    %eq3A_190 = arith.cmpi eq, %add3A_16, %eq3A_189 : i32
    %jit3A_191 = arith.constant -2 : i32
    %select_n3A_192 = arith.select %eq3A_190, %jit3A_191, %select_n3A_188 : i32
    %eq3A_193 = arith.constant 61 : i32
    %eq3A_194 = arith.cmpi eq, %add3A_16, %eq3A_193 : i32
    %jit3A_195 = arith.constant -2 : i32
    %select_n3A_196 = arith.select %eq3A_194, %jit3A_195, %select_n3A_192 : i32
    %eq3A_197 = arith.constant 62 : i32
    %eq3A_198 = arith.cmpi eq, %add3A_16, %eq3A_197 : i32
    %jit3A_199 = arith.constant 2 : i32
    %select_n3A_200 = arith.select %eq3A_198, %jit3A_199, %select_n3A_196 : i32
    %eq3A_201 = arith.constant 63 : i32
    %eq3A_202 = arith.cmpi eq, %add3A_16, %eq3A_201 : i32
    %jit3A_203 = arith.constant -2 : i32
    %select_n3A_204 = arith.select %eq3A_202, %jit3A_203, %select_n3A_200 : i32
    %get3A = arith.constant 0 : index
    %get3A_205 = arith.constant 0 : index
    %get3A_206 = arith.constant 0 : index
    %get3A_207 = vector.load %arg1[%get3A, %get3A_205, %get3A_206] : memref<1x128x4096xf32, #tpu.memory_space<vmem>>, vector<1x128x4096xf32>
    %get3A_208 = vector.shape_cast %get3A_207 : vector<1x128x4096xf32> to vector<128x4096xf32>
    %roll3A = tpu.dynamic_rotate %get3A_208 by %select_n3A_204 dim 1 : vector<128x4096xf32>, i32 -> vector<128x4096xf32>
    %swap3A = arith.constant 0 : index
    %swap3A_209 = arith.constant 0 : index
    %swap3A_210 = arith.constant 0 : index
    %swap3A_211 = vector.load %arg2[%swap3A, %swap3A_209, %swap3A_210] : memref<1x128x4096xf32, #tpu.memory_space<vmem>>, vector<1x128x4096xf32>
    %swap3A_212 = vector.shape_cast %swap3A_211 : vector<1x128x4096xf32> to vector<128x4096xf32>
    %swap3A_213 = vector.shape_cast %roll3A : vector<128x4096xf32> to vector<1x128x4096xf32>
    tpu.vector_store %arg2[%swap3A, %swap3A_209, %swap3A_210], %swap3A_213 {strides = array<i32>} : memref<1x128x4096xf32, #tpu.memory_space<vmem>>, vector<1x128x4096xf32>,
    return
  }
  func.func @transform_0(%arg0: i32) -> (i32, i32, i32) {
    %jit3A = arith.constant 1 : i32
    %div3A = arith.divsi %arg0, %jit3A : i32
    %sign3A = arith.constant 0 : i32
    %sign3A_0 = arith.cmpi sgt, %arg0, %sign3A : i32
    %sign3A_1 = arith.extui %sign3A_0 : i1 to i32
    %sign3A_2 = arith.constant 0 : i32
    %sign3A_3 = arith.cmpi slt, %arg0, %sign3A_2 : i32
    %sign3A_4 = arith.extui %sign3A_3 : i1 to i32
    %sign3A_5 = arith.subi %sign3A_1, %sign3A_4 : i32
    %sign3A_6 = arith.constant 0 : i32
    %sign3A_7 = arith.cmpi sgt, %jit3A, %sign3A_6 : i32
    %sign3A_8 = arith.extui %sign3A_7 : i1 to i32
    %sign3A_9 = arith.constant 0 : i32
    %sign3A_10 = arith.cmpi slt, %jit3A, %sign3A_9 : i32
    %sign3A_11 = arith.extui %sign3A_10 : i1 to i32
    %sign3A_12 = arith.subi %sign3A_8, %sign3A_11 : i32
    %ne3A = arith.cmpi ne, %sign3A_5, %sign3A_12 : i32
    %rem3A = arith.remsi %arg0, %jit3A : i32
    %ne3A_13 = arith.constant 0 : i32
    %ne3A_14 = arith.cmpi ne, %rem3A, %ne3A_13 : i32
    %and3A = arith.andi %ne3A, %ne3A_14 : i1
    %sub3A = arith.constant 1 : i32
    %sub3A_15 = arith.subi %div3A, %sub3A : i32
    %select_n3A = arith.select %and3A, %sub3A_15, %div3A : i32
    %add3A = arith.constant 16 : i32
    %add3A_16 = arith.addi %select_n3A, %add3A : i32
    %jit3A_17 = arith.constant 1 : i32
    %eq3A = arith.constant 0 : i32
    %eq3A_18 = arith.cmpi eq, %jit3A_17, %eq3A : i32
    %jit3A_19 = arith.constant 1 : i32
    %select_n3A_20 = arith.select %eq3A_18, %jit3A_19, %jit3A_17 : i32
    %rem3A_21 = arith.remsi %arg0, %select_n3A_20 : i32
    %ne3A_22 = arith.constant 0 : i32
    %ne3A_23 = arith.cmpi ne, %rem3A_21, %ne3A_22 : i32
    %lt3A = arith.constant 0 : i32
    %lt3A_24 = arith.cmpi slt, %rem3A_21, %lt3A : i32
    %lt3A_25 = arith.constant 0 : i32
    %lt3A_26 = arith.cmpi slt, %select_n3A_20, %lt3A_25 : i32
    %ne3A_27 = arith.xori %lt3A_24, %lt3A_26 : i1
    %and3A_28 = arith.andi %ne3A_27, %ne3A_23 : i1
    %add3A_29 = arith.addi %rem3A_21, %select_n3A_20 : i32
    %select_n3A_30 = arith.select %and3A_28, %add3A_29, %rem3A_21 : i32
    %c0_i32 = arith.constant 0 : i32
    %c0_i32_31 = arith.constant 0 : i32
    return %add3A_16, %select_n3A_30, %c0_i32 : i32, i32, i32
  }
  func.func @transform_1(%arg0: i32) -> (i32, i32, i32) {
    %jit3A = arith.constant 1 : i32
    %div3A = arith.divsi %arg0, %jit3A : i32
    %sign3A = arith.constant 0 : i32
    %sign3A_0 = arith.cmpi sgt, %arg0, %sign3A : i32
    %sign3A_1 = arith.extui %sign3A_0 : i1 to i32
    %sign3A_2 = arith.constant 0 : i32
    %sign3A_3 = arith.cmpi slt, %arg0, %sign3A_2 : i32
    %sign3A_4 = arith.extui %sign3A_3 : i1 to i32
    %sign3A_5 = arith.subi %sign3A_1, %sign3A_4 : i32
    %sign3A_6 = arith.constant 0 : i32
    %sign3A_7 = arith.cmpi sgt, %jit3A, %sign3A_6 : i32
    %sign3A_8 = arith.extui %sign3A_7 : i1 to i32
    %sign3A_9 = arith.constant 0 : i32
    %sign3A_10 = arith.cmpi slt, %jit3A, %sign3A_9 : i32
    %sign3A_11 = arith.extui %sign3A_10 : i1 to i32
    %sign3A_12 = arith.subi %sign3A_8, %sign3A_11 : i32
    %ne3A = arith.cmpi ne, %sign3A_5, %sign3A_12 : i32
    %rem3A = arith.remsi %arg0, %jit3A : i32
    %ne3A_13 = arith.constant 0 : i32
    %ne3A_14 = arith.cmpi ne, %rem3A, %ne3A_13 : i32
    %and3A = arith.andi %ne3A, %ne3A_14 : i1
    %sub3A = arith.constant 1 : i32
    %sub3A_15 = arith.subi %div3A, %sub3A : i32
    %select_n3A = arith.select %and3A, %sub3A_15, %div3A : i32
    %add3A = arith.constant 16 : i32
    %add3A_16 = arith.addi %select_n3A, %add3A : i32
    %jit3A_17 = arith.constant 1 : i32
    %eq3A = arith.constant 0 : i32
    %eq3A_18 = arith.cmpi eq, %jit3A_17, %eq3A : i32
    %jit3A_19 = arith.constant 1 : i32
    %select_n3A_20 = arith.select %eq3A_18, %jit3A_19, %jit3A_17 : i32
    %rem3A_21 = arith.remsi %arg0, %select_n3A_20 : i32
    %ne3A_22 = arith.constant 0 : i32
    %ne3A_23 = arith.cmpi ne, %rem3A_21, %ne3A_22 : i32
    %lt3A = arith.constant 0 : i32
    %lt3A_24 = arith.cmpi slt, %rem3A_21, %lt3A : i32
    %lt3A_25 = arith.constant 0 : i32
    %lt3A_26 = arith.cmpi slt, %select_n3A_20, %lt3A_25 : i32
    %ne3A_27 = arith.xori %lt3A_24, %lt3A_26 : i1
    %and3A_28 = arith.andi %ne3A_27, %ne3A_23 : i1
    %add3A_29 = arith.addi %rem3A_21, %select_n3A_20 : i32
    %select_n3A_30 = arith.select %and3A_28, %add3A_29, %rem3A_21 : i32
    %c0_i32 = arith.constant 0 : i32
    %c0_i32_31 = arith.constant 0 : i32
    return %add3A_16, %select_n3A_30, %c0_i32 : i32, i32, i32
  }
}

</mosaic_0001>

<sc_bundles>
// kernel: kernel.4.cloned.1.call-start
scs
__scs_entry_jumppad:
0x0: {  	(pc) =	sbr.rel $0x88, $3  }
0x1: {  	(tag) =	ssettag $0x0;
	lr =	simm.s32 $0x1  }
0x2: {  	[smem:$0x3FA0] =	sst lr;
	_ =	strace $0xD0000000  }
0x3: {  	_ = 	snop  }
0x4: {  	_ = 	snop  }
0x5: {  	_ = 	snop  }
0x6: {  	_ = 	snop  }
0x7: {  	_ = 	snop  }
__scs_overlays_trampoline_lowered:
0x8: {  	[smem:$0x3FAF] =	sst s0  }
0x9: {  	[smem:$0x3FB0] =	sst s1  }
0xa: {  	[smem:$0x3FB1] =	sst s2  }
0xb: {  	[smem:$0x3FB2] =	sst s3  }
0xc: {  	[smem:$0x3FB3] =	sst s4  }
0xd: {  	[smem:$0x3FB4] =	sst s5  }
0xe: {  	[smem:$0x3FB5] =	sst s6  }
0xf: {  	[smem:$0x3FB6] =	sst s7  }
0x10: {  	[smem:$0x3FB7] =	sst s8  }
0x11: {  	[smem:$0x3FB8] =	sst s9;
	s0 =	simm.s32 @!p0 $0x0  }
0x12: {  	s1 =	sld [smem:$0x3F9E];
	s0 =	simm.s32 @p0 $0x1  }
0x13: {  	[smem:$0x3FB9] =	sst s0;
	s0 =	simm.s32 @!p1 $0x0  }
0x14: {  	s2 =	sld [smem:$0x3F9D];
	s0 =	simm.s32 @p1 $0x1  }
0x15: {  	[smem:$0x3FBA] =	sst s0;
	s0 =	simm.s32 @!p2 $0x0  }
0x16: {  	s3 =	sld [smem:$0x3FDB];
	s0 =	simm.s32 @p2 $0x1  }
0x17: {  	s4 =	simm.s32 $0x1BF5;
	[smem:$0x3FBC] =	sst s0  }
0x18: {  	s0 =	sld [smem:$0x3F9F];
	_ =	swait.ge [sflag:s4], $0x0  }
0x19: {  	s7 =	sld [smem:$0x3FA0]  }
0x1a: {  	s8 =	sadd.s32 $0xFFFFE003, lr  }
0x1b: {  	s9 =	sadd.s32 $0xFFFFFEF7, lr;
	s5 =	simm.s32 $0xFFFFFFFF;
	p2 =	slt.u32 s8, $0xFFFFF086  }
0x1c: {  	p1 =	slt.u32 s9, $0xF7A;
	s5 =	simm.s32 @!p2 $0x0  }
0x1d: {  	s5 =	simm.s32 @p1 $0x1;
	p0 =	seq.s32 s7, s2  }
0x1e: {  	s7 =	smul.u32 @!p0 $0xF7A, s2;
	p2 =	seq.s32 @!p0 s5, $0x0  }
0x1f: {  	s9 =	smul.u32 $0xF7A, s1;
	s8 =	simm.s32 @!p0 $0x1BF5;
	p2 =	por !p2, p0  }
0x20: {  	[sflag:s8] =	ssyncset.s32 @!p0 $0xFFFFF086;
	s6 =	sadd.s32 @!p0 s3, s7;
	s7 =	simm.s32 @!p0 $0x108  }
0x21: {  	s3 =	sadd.s32 s3, s9;
	s6 =	sadd.s32 @!p0 $0x88, s6;
	s7 =	simm.s32 @p2 $0x1082  }
0x22: {  	[simem:s7], [sflag:s8] =	dma.local @!p0 [hbm:s6], $0xF7A  }
0x23: {  	s9 =	sor.u32 $0xD0000000, s2;
	s6 =	simm.s32 $0x108;
	_ =	swait.ge @!p0 [sflag:s8], $0x0  }
0x24: {  	s3 =	sadd.s32 $0x88, s3;
	s6 =	simm.s32 @!p1 $0x1082;
	[sflag:s4] =	ssyncset.s32 $0xFFFFF086  }
0x25: {  	[simem:s6], [sflag:s4] =	dma.local [hbm:s3], $0xF7A  }
0x26: {  	[smem:$0x3FA0] =	sst s1;
	(tag) =	ssettag s2;
	_ =	strace s9  }
0x27: {  	s1 =	sld [smem:$0x3FB0]  }
0x28: {  	s2 =	sld [smem:$0x3FB1]  }
0x29: {  	s4 =	sld [smem:$0x3FB3]  }
0x2a: {  	p0 =	seq.s32 s5, $0x0;
	s5 =	sld [smem:$0x3FB4]  }
0x2b: {  	s6 =	sld [smem:$0x3FB5]  }
0x2c: {  	s7 =	sld [smem:$0x3FB6]  }
0x2d: {  	s3 =	simm.s32 $0x108;
	s8 =	sld [smem:$0x3FB7]  }
0x2e: {  	s3 =	simm.s32 @!p0 $0x1082;
	s9 =	sld [smem:$0x3FB8]  }
0x2f: {  	lr =	sadd.s32 s0, s3;
	s0 =	sld [smem:$0x3FAF]  }
0x30: {  	s3 =	sld [smem:$0x3FB2]  }
0x31: {  	[smem:$0x3FBB] =	sst s10  }
0x32: {  	s10 =	sld [smem:$0x3FB9];
	_ =	sdelay $0x3  }
0x33: {  	p0 =	seq.s32 s10, $0x1;
	s10 =	sld [smem:$0x3FBB];
	_ =	sdelay $0x3  }
0x34: {  	[smem:$0x3FBB] =	sst s10  }
0x35: {  	s10 =	sld [smem:$0x3FBA];
	_ =	sdelay $0x3  }
0x36: {  	p1 =	seq.s32 s10, $0x1;
	s10 =	sld [smem:$0x3FBB];
	_ =	sdelay $0x3  }
0x37: {  	[smem:$0x3FBB] =	sst s10  }
0x38: {  	s10 =	sld [smem:$0x3FBC]  }
0x39: {  	_ = 	snop;
	(pc) =	sbr.ind lr, $3  }
0x3a: {  	_ = 	snop  }
0x3b: {  	_ = 	snop  }
0x3c: {  	p2 =	seq.s32 s10, $0x1;
	s10 =	sld [smem:$0x3FBB]  }
0x3d: {  	_ =	shalt  }
0x3e: {  	_ =	shalt  }
0x3f: {  	_ =	shalt  }
0x40: {  	_ =	shalt  }
0x41: {  	_ =	shalt  }
0x42: {  	_ =	shalt  }
0x43: {  	_ =	shalt  }
0x44: {  	_ =	shalt  }
0x45: {  	_ =	shalt  }
0x46: {  	_ =	shalt  }
0x47: {  	_ =	shalt  }
0x48: {  	_ =	shalt  }
0x49: {  	_ =	shalt  }
0x4a: {  	_ =	shalt  }
0x4b: {  	_ =	shalt  }
0x4c: {  	_ =	shalt  }
0x4d: {  	_ =	shalt  }
0x4e: {  	_ =	shalt  }
0x4f: {  	_ =	shalt  }
0x50: {  	_ =	shalt  }
0x51: {  	_ =	shalt  }
0x52: {  	_ =	shalt  }
0x53: {  	_ =	shalt  }
0x54: {  	_ =	shalt  }
0x55: {  	_ =	shalt  }
0x56: {  	_ =	shalt  }
0x57: {  	_ =	shalt  }
0x58: {  	_ =	shalt  }
0x59: {  	_ =	shalt  }
0x5a: {  	_ =	shalt  }
0x5b: {  	_ =	shalt  }
0x5c: {  	_ =	shalt  }
0x5d: {  	_ =	shalt  }
0x5e: {  	_ =	shalt  }
0x5f: {  	_ =	shalt  }
0x60: {  	_ =	shalt  }
0x61: {  	_ =	shalt  }
0x62: {  	_ =	shalt  }
0x63: {  	_ =	shalt  }
0x64: {  	_ =	shalt  }
0x65: {  	_ =	shalt  }
0x66: {  	_ =	shalt  }
0x67: {  	_ =	shalt  }
0x68: {  	_ =	shalt  }
0x69: {  	_ =	shalt  }
0x6a: {  	_ =	shalt  }
0x6b: {  	_ =	shalt  }
0x6c: {  	_ =	shalt  }
0x6d: {  	_ =	shalt  }
0x6e: {  	_ =	shalt  }
0x6f: {  	_ =	shalt  }
0x70: {  	_ =	shalt  }
0x71: {  	_ =	shalt  }
0x72: {  	_ =	shalt  }
0x73: {  	_ =	shalt  }
0x74: {  	_ =	shalt  }
0x75: {  	_ =	shalt  }
0x76: {  	_ =	shalt  }
0x77: {  	_ =	shalt  }
0x78: {  	_ =	shalt  }
0x79: {  	_ =	shalt  }
0x7a: {  	_ =	shalt  }
0x7b: {  	_ =	shalt  }
0x7c: {  	_ =	shalt  }
0x7d: {  	_ =	shalt  }
0x7e: {  	_ =	shalt  }
0x7f: {  	_ =	shalt  }
0x80: {  	_ =	shalt  }
0x81: {  	_ =	shalt  }
0x82: {  	_ =	shalt  }
0x83: {  	_ =	shalt  }
0x84: {  	_ =	shalt  }
0x85: {  	_ =	shalt  }
0x86: {  	_ =	shalt  }
0x87: {  	_ =	shalt  }
.Lfunc_end0:
.L_simem_size_0:
called_computation_lowered:
.L_overlay_start_0:
0x88: {  	s2 =	sld [smem:$0x3FD9]  }
0x89: {  	s3 =	sld [smem:$0x3FFE];
	_ =	sdelay $0x1  }
0x8a: {  	s1 =	srdreg.scid  }
0x8b: {  	s0 =	sand.u32 $0x1, s1  }
0x8c: {  	s17 =	sshll.u32 s0, $0xA;
	s2 =	sadd.s32 s3, s2  }
0x8d: {  	s2 =	sadd.s32 s2, s17  }
0x8e: {  	[smem:$0x3FC7] =	sst s2  }
0x8f: {  	_ = 	snop  }
0x90: {  	s2 =	sld [smem:$0x3FC9];
	(tm) =	ssettm $0x1  }
0x91: {  	s18 =	sld [smem:$0x3FFB];
	_ =	sdelay $0x3  }
0x92: {  	_ =	strace s18  }
0x93: {  	s3 =	sld [smem:$0x3FFC];
	_ =	sdelay $0x3  }
0x94: {  	_ =	strace s3  }
0x95: {  	s3 =	sld [smem:$0x3FFD];
	_ =	sdelay $0x3  }
0x96: {  	_ =	strace s3  }
0x97: {  	_ =	strace $0x8FFFFFFF  }
0x98: {  	s19 =	sld [smem:$0x3FDB];
	_ =	sdelay $0x1  }
0x99: {  	s4 =	simm.s32 $_scs_section_size  }
0x9a: {  	s5 =	simm.s32 $_size__tile_overlayer_lowered;
	s6 =	simm.s32 $_tile_overlayer_lowered  }
0x9b: {  	s22 =	simm.s32 $0x1BFF;
	s21 =	sshll.u32 s6, $0x1;
	s3 =	sadd.s32 s4, s19  }
0x9c: {  	s7 =	simm.s32 $0x0;
	s20 =	sshll.u32 s5, $0x1;
	s5 =	sadd.s32 s21, s3  }
0x9d: {  	[timem:s7], [sflag:s22] =	dma.local [hbm:s5], s20  }
0x9e: {  	_ =	swait.ge [sflag:s22], s20  }
0x9f: {  	s4 =	ssub.s32 $0x0, s20;
	[sflag:s22] =	ssyncset.done $0x0  }
0xa0: {  	[sflag:s22] =	ssyncadd.s32 s4;
	_ =	sdelay $0x1  }
0xa1: {  	s23 =	simm.s32 $0x1B8B  }
0xa2: {  	_ =	swait.ge [sflag:s23], $0x1  }
0xa3: {  	[sflag:s23] =	ssyncset.done $0x0  }
0xa4: {  	s25 =	simm.s32 $0x1B8E;
	s24 =	sld [smem:$0x3FFE];
	[sflag:s23] =	ssyncadd.s32 $0xFFFFFFFF  }
0xa5: {  	s26 =	simm.s32 $execute0_lowered;
	[smem:$0x3FD2] =	sst s25  }
0xa6: {  	s5 =	sshll.u32 s26, $0x1;
	_ =	strace $0x80000046;
	[dreg:$0x1] =	wrdreg $0xFFFFFFFF  }
0xa7: {  	s28 =	simm.s32 $_size_execute0_lowered;
	s3 =	sadd.s32 s3, s5;
	[dreg:$0x0] =	wrdreg $0x0  }
0xa8: {  	s5 =	sshll.u32 s28, $0x1;
	[dreg:$0x2] =	wrdreg s3  }
0xa9: {  	[dreg:$0x3] =	wrdreg s5  }
0xaa: {  	[dreg:$0x4] =	wrdreg $0xC0  }
0xab: {  	_ =	task [dreg:s7], $0x5FFFF  }
0xac: {  	[dreg:$0x1] =	wrdreg $0xFFFFFFFF  }
0xad: {  	[dreg:$0x0] =	wrdreg $0x60  }
0xae: {  	[dreg:$0x2] =	wrdreg s2  }
0xaf: {  	[dreg:$0x3] =	wrdreg s24  }
0xb0: {  	[dreg:$0x4] =	wrdreg $0x9  }
0xb1: {  	_ =	task.clear_ibuf [dreg:s7], $0x5FFFF;
	_ =	strace $0x90000046  }
0xb2: {  	s29 =	simm.s32 $0x9;
	_ =	strace $0x80000048  }
0xb3: {  	_ =	swait.ge [sflag:s29], $0x1  }
0xb4: {  	[sflag:s29] =	ssyncadd.s32 $0xFFFFFFFF  }
0xb5: {  	_ =	strace $0x90000048  }
0xb6: {  	_ =	sfence  }
0xb7: {  	s30 =	sld [smem:$0x0];
	_ =	sdelay $0x2  }
0xb8: {  	s31 =	sshll.u32 s1, $0xD;
	s1 =	sshrl.u32 s1, $0x2  }
0xb9: {  	s3 =	sand.u32 $0x4000, s31;
	s1 =	sadd.s32 s1, s30  }
0xba: {  	s0 =	sor.u32 s3, s0;
	s1 =	sshll.u32 s1, $0x11  }
0xbb: {  	s0 =	sor.u32 s1, s0  }
0xbc: {  	s0 =	sadd.s32 $0x8F2B, s0  }
0xbd: {  	[sflag:s0] =	ssyncadd.remote.s32 $0x1  }
0xbe: {  	_ =	sfence.sel $0xFFFF  }
0xbf: {  	[dreg:$0x0] =	wrdreg $0xFFFFFFFF;
	(pc) =	sbr.abs _section_cstart, $3  }
0xc0: {  	[dreg:$0x1] =	wrdreg $0xFFFFFFFF  }
0xc1: {  	_ =	task.clear_ibuf [dreg:s7], $0x2FFFF;
	_ =	strace $0x9FFFFFFF  }
0xc2: {  	(tm) =	ssettm $0x7FFFFFFF  }
0xc3: {  	_ =	shalt  }
tec
execute0_lowered:
.L_overlay_start_1:
0x0: {  	(tag) =	ssettag $0x1  }
0x1: {  	s1 =	rddreg [dreg:$0x0]  }
0x2: {  	s6 =	rddreg [dreg:$0x1]  }
0x3: {  	s0 =	rddreg [dreg:$0x2];
	s4 =	srdreg.scid  }
0x4: {  	s3 =	simm.s32 $0x0;
	s2 =	stileid.u32;
	s21 =	simm.s32 $0x2  }
0x5: {  	s22 =	simm.s32 $0x3;
	s23 =	simm.s32 $0x4;
	s7 =	sand.u32 $0x1, s4  }
0x6: {  	[smem:$0x7FF] =	sst s3;
	s5 =	sshll.u32 s2, $0x4;
	s9 =	sshll.u32 s2, $0x10  }
0x7: {  	s24 =	sand.u32 $0xE, s2;
	s4 =	sshll.u32 s7, $0x3;
	_ =	strace $0x80000047  }
0x8: {  	s8 =	ssub.s32 $0x2, s7;
	p1 =	seq.s32 s7, $0x1;
	s11 =	sadd.s32 s9, s6  }
0x9: {  	s6 =	simm.s32 $0x1;
	s13 =	sshll.u32 s7, $0x12;
	s7 =	sshll.u32 s7, $0xF  }
0xa: {  	s5 =	sor.u32 s4, s5;
	s10 =	sshrl.u32 s8, $0x1;
	s25 =	sadd.s32 s7, s1  }
0xb: {  	p0 =	seq.s32 s5, $0x0;
	s12 =	ssub.s32 s8, s10;
	s8 =	simm.s32 $0x11  }
0xc: {  	s10 =	simm.s32 $0x1;
	p0 =	por !p0, !p1;
	p1 =	seq.s32 s2, $0x2  }
0xd: {  	s9 =	sadd.s32 s9, s25;
	s8 =	simm.s32 @!p1 $0xE;
	p1 =	seq.s32 s24, $0x6  }
0xe: {  	p0 =	por !p0, !p0;
	s8 =	simm.s32 @p1 $0x10;
	p1 =	seq.s32 s2, $0x9  }
0xf: {  	s10 =	simm.s32 @!p0 $0x0;
	p0 =	seq.s32 s2, $0xA;
	s8 =	simm.s32 @p1 $0x11  }
0x10: {  	s24 =	simm.s32 $0x0;
	s8 =	simm.s32 @p0 $0x10;
	p0 =	seq.s32 s2, $0xB  }
0x11: {  	s10 =	ssub.s32 s2, s10;
	s8 =	simm.s32 @p0 $0xE;
	p0 =	seq.s32 s2, $0xC  }
0x12: {  	s10 =	sshll.u32 s10, $0x13;
	s8 =	simm.s32 @p0 $0x12;
	p0 =	seq.s32 s2, $0xD  }
0x13: {  	s10 =	sor.u32 s13, s10;
	s8 =	simm.s32 @p0 $0x11;
	p0 =	seq.s32 s2, $0xE  }
0x14: {  	s10 =	sshrl.u32 s10, $0x3;
	s8 =	simm.s32 @p0 $0x10;
	p0 =	seq.s32 s2, $0xF  }
0x15: {  	s7 =	sadd.s32 s1, s10;
	s10 =	sor.u32 $0x1, s5;
	s8 =	simm.s32 @p0 $0x12  }
0x16: {  	s17 =	sshll.u32 s8, $0x2;
	s8 =	sadd.s32 $0x1000, s9;
	s9 =	sadd.s32 $0x400, s11  }
0x17: {  	s11 =	smax.u32 s12, $0x1;
	s26 =	sadd.s32 $0x100, s17;
	s14 =	sadd.s32 $0x4240, s17  }
0x18: {  	s30 =	sadd.s32 $0x82C0, s17;
	s15 =	sadd.s32 $0xC340, s17;
	s16 =	sadd.s32 $0x103C0, s17  }
0x19: {  	s18 =	sadd.s32 $0x14440, s17;
	s19 =	sadd.s32 $0x184C0, s17;
	s20 =	sadd.s32 $0x1C540, s17  }
0x1a: {  	s28 =	sshra.s32 s26, $0x2;
	s29 =	sshra.s32 s14, $0x2;
	s14 =	sshra.s32 s30, $0x2  }
.Ltmp0:
0x1b: {  	s15 =	sshra.s32 s15, $0x2;
	s16 =	sshra.s32 s16, $0x2;
	(pc) =	sbr.rel .LBB2_1-.Ltmp0, $4  }
0x1c: {  	s18 =	sshra.s32 s18, $0x2;
	s19 =	sshra.s32 s19, $0x2;
	s31 =	sshra.s32 s20, $0x2  }
0x1d: {  	s20 =	simm.s32 $0x8000;
	s12 =	sadd.s32 $0x10000, s28;
	s13 =	sadd.s32 $0x10000, s29  }
0x1e: {  	s14 =	sadd.s32 $0x10000, s14;
	s15 =	sadd.s32 $0x10000, s15;
	s16 =	sadd.s32 $0x10000, s16  }
0x1f: {  	s17 =	sadd.s32 $0x10000, s18;
	s18 =	sadd.s32 $0x10000, s19;
	s19 =	sadd.s32 $0x10000, s31  }
.LBB2_70:
0x20: {  	s24 =	sadd.s32 $0x1, s24  }
0x21: {  	_ =	swait.ge [sflag:s22], $0x8000;
	p0 =	sne.s32 s24, s11  }
.Ltmp1:
0x22: {  	[sflag:s22] =	ssyncset.done $0x0;
	(pc) =	sbr.rel @!p0 .LBB2_71-.Ltmp1, $4  }
0x23: {  	[sflag:s22] =	ssyncadd.s32 $0xFFFF8000  }
0x24: {  	_ =	swait.ge [sflag:s23], $0x8000  }
0x25: {  	[sflag:s23] =	ssyncset.done $0x0  }
0x26: {  	[sflag:s23] =	ssyncadd.s32 $0xFFFF8000  }
.LBB2_1:
.Ltmp2:
0x27: {  	(pc) =	sbr.rel .LBB2_2-.Ltmp2, $4  }
0x28: {  	_ = 	snop  }
0x29: {  	[tilespmem:s3], [sflag:$0x1] =	stream.linear.gather [hbm4b:s7+s3], $0x8000, $0x38;
	[tilespmem:$0x18100] =	vst v63  }
0x2a: {  	s25 =	simm.s32 $0x0  }
0x2b: {  	[tilespmem:s20], [sflag:$0x2] =	stream.linear.gather [hbm4b:s8+s3], $0x8000, $0x38;
	[tilespmem:$0x18100] =	vst v63  }
.LBB2_35:
0x2c: {  	[tilespmem:s28+$0xFFFFFFC0] =	vst v1  }
0x2d: {  	[tilespmem:s28+$0xFFFFFFD0] =	vst v0  }
0x2e: {  	[tilespmem:s28+$0xFFFFFFE0] =	vst v2  }
0x2f: {  	[tilespmem:s28+$0xFFFFFFF0] =	vst v4;
	s26 =	sshll.u32 s26, $0xC  }
0x30: {  	[tilespmem:s28+$0xFFFFFF90] =	vst v3;
	s26 =	sadd.s32 s26, s9  }
0x31: {  	[hbm4b:s26+s3] =	stream.linear.scatter [tilespmem:s3], [sflag:$0x3], $0x8000, $0x38;
	[tilespmem:$0x18100] =	vst v63  }
.LBB2_69:
0x32: {  	s25 =	sadd.s32 $0x1, s25  }
0x33: {  	p0 =	sne.s32 s25, $0x8  }
.Ltmp3:
0x34: {  	_ = 	snop;
	(pc) =	sbr.rel @!p0 .LBB2_70-.Ltmp3, $1  }
0x35: {  	_ =	sdelay $0x3  }
.LBB2_2:
0x36: {  	s26 =	sand.u32 $0x1, s25  }
0x37: {  	p0 =	seq.s32 s26, $0x1  }
.Ltmp4:
0x38: {  	_ = 	snop;
	(pc) =	sbr.rel @!p0 .LBB2_3-.Ltmp4, $1  }
0x39: {  	_ =	sdelay $0x3  }
0x3a: {  	_ =	swait.ge [sflag:s21], $0x8000  }
0x3b: {  	[sflag:s21] =	ssyncset.done $0x0  }
0x3c: {  	s29 =	simm.s32 $0x8040;
	[sflag:s21] =	ssyncadd.s32 $0xFFFF8000  }
0x3d: {  	v3 =	vld [tilespmem:s29+$0x30]  }
0x3e: {  	v4 =	vld [tilespmem:s29+$0xFFFFFFD0]  }
0x3f: {  	v5 =	vld [tilespmem:s29+$0xFFFFFFE0]  }
0x40: {  	v0 =	vld [tilespmem:s29+$0xFFFFFFF0]  }
0x41: {  	s26 =	simm.s32 $0x10040;
	v1 =	vld [tilespmem:s29+$0x0]  }
0x42: {  	v2 =	vld [tilespmem:s29+$0x10];
	[tilespmem:s26+$0x40] =	vst v3  }
0x43: {  	[tilespmem:s26+$0xFFFFFFE0] =	vst v4;
	v3 =	vld [tilespmem:s29+$0x20]  }
0x44: {  	s28 =	simm.s32 $0x0;
	v4 =	vld [tilespmem:s29+$0xFFFFFFC0];
	[tilespmem:s26+$0xFFFFFFF0] =	vst v5;
	s29 =	simm.s32 $0x8440  }
.LBB2_37:
0x45: {  	v5 =	vld [tilespmem:s29+$0x30];
	s28 =	sadd.s32 $0x8, s28;
	[tilespmem:s26+$0x0] =	vst v0  }
0x46: {  	v6 =	vld [tilespmem:s29+$0xFFFFFFD0];
	p0 =	slt.u32 s28, $0xF8;
	[tilespmem:s26+$0x10] =	vst v1  }
0x47: {  	v7 =	vld [tilespmem:s29+$0xFFFFFFE0];
	[tilespmem:s26+$0x20] =	vst v2  }
.Ltmp5:
0x48: {  	v0 =	vld [tilespmem:s29+$0xFFFFFFF0];
	[tilespmem:s26+$0x30] =	vst v3;
	(pc) =	sbr.rel @p0 .LBB2_37-.Ltmp5, $4  }
0x49: {  	v1 =	vld [tilespmem:s29+$0x0];
	[tilespmem:s26+$0xFFFFFFD0] =	vst v4;
	s26 =	sadd.s32 $0x80, s26  }
0x4a: {  	v2 =	vld [tilespmem:s29+$0x10];
	[tilespmem:s26+$0x40] =	vst v5  }
0x4b: {  	[tilespmem:s26+$0xFFFFFFE0] =	vst v6;
	v3 =	vld [tilespmem:s29+$0x20]  }
0x4c: {  	v4 =	vld [tilespmem:s29+$0xFFFFFFC0];
	[tilespmem:s26+$0xFFFFFFF0] =	vst v7;
	s29 =	sadd.s32 $0x400, s29  }
0x4d: {  	[tilespmem:s26+$0x0] =	vst v0  }
0x4e: {  	[tilespmem:s26+$0x10] =	vst v1  }
0x4f: {  	[tilespmem:s26+$0x20] =	vst v2  }
0x50: {  	[tilespmem:s26+$0x30] =	vst v3  }
0x51: {  	[tilespmem:s26+$0xFFFFFFD0] =	vst v4  }
0x52: {  	v0 =	vld [tilespmem:$0xFC70]  }
0x53: {  	v1 =	vld [tilespmem:$0x8000];
	_ =	sdelay $0x3  }
0x54: {  	[tilespmem:$0x10000] =	vst v0  }
0x55: {  	s29 =	simm.s32 $0x80F0;
	[tilespmem:$0x11010] =	vst v1  }
0x56: {  	v3 =	vld [tilespmem:s29+$0x0]  }
0x57: {  	v4 =	vld [tilespmem:s29+$0xFFFFFFA0]  }
0x58: {  	v5 =	vld [tilespmem:s29+$0xFFFFFFB0]  }
0x59: {  	v0 =	vld [tilespmem:s29+$0xFFFFFFC0]  }
0x5a: {  	s26 =	simm.s32 $0x110A0;
	v1 =	vld [tilespmem:s29+$0xFFFFFFD0]  }
0x5b: {  	v2 =	vld [tilespmem:s29+$0xFFFFFFE0];
	[tilespmem:s26+$0x0] =	vst v3  }
0x5c: {  	[tilespmem:s26+$0xFFFFFFA0] =	vst v4;
	v3 =	vld [tilespmem:s29+$0xFFFFFFF0]  }
0x5d: {  	s28 =	simm.s32 $0x0;
	v4 =	vld [tilespmem:s29+$0xFFFFFF90];
	[tilespmem:s26+$0xFFFFFFB0] =	vst v5;
	s29 =	simm.s32 $0x84F0  }
.LBB2_39:
0x5e: {  	v5 =	vld [tilespmem:s29+$0x0];
	s28 =	sadd.s32 $0x8, s28;
	[tilespmem:s26+$0xFFFFFFC0] =	vst v0  }
0x5f: {  	v6 =	vld [tilespmem:s29+$0xFFFFFFA0];
	p0 =	slt.u32 s28, $0xF8;
	[tilespmem:s26+$0xFFFFFFD0] =	vst v1  }
0x60: {  	v7 =	vld [tilespmem:s29+$0xFFFFFFB0];
	[tilespmem:s26+$0xFFFFFFE0] =	vst v2  }
.Ltmp6:
0x61: {  	v0 =	vld [tilespmem:s29+$0xFFFFFFC0];
	[tilespmem:s26+$0xFFFFFFF0] =	vst v3;
	(pc) =	sbr.rel @p0 .LBB2_39-.Ltmp6, $4  }
0x62: {  	v1 =	vld [tilespmem:s29+$0xFFFFFFD0];
	[tilespmem:s26+$0xFFFFFF90] =	vst v4;
	s26 =	sadd.s32 $0x80, s26  }
0x63: {  	v2 =	vld [tilespmem:s29+$0xFFFFFFE0];
	[tilespmem:s26+$0x0] =	vst v5  }
0x64: {  	[tilespmem:s26+$0xFFFFFFA0] =	vst v6;
	v3 =	vld [tilespmem:s29+$0xFFFFFFF0]  }
0x65: {  	v4 =	vld [tilespmem:s29+$0xFFFFFF90];
	[tilespmem:s26+$0xFFFFFFB0] =	vst v7;
	s29 =	sadd.s32 $0x400, s29  }
0x66: {  	[tilespmem:s26+$0xFFFFFFC0] =	vst v0  }
0x67: {  	[tilespmem:s26+$0xFFFFFFD0] =	vst v1  }
0x68: {  	[tilespmem:s26+$0xFFFFFFE0] =	vst v2  }
0x69: {  	[tilespmem:s26+$0xFFFFFFF0] =	vst v3  }
0x6a: {  	[tilespmem:s26+$0xFFFFFF90] =	vst v4  }
0x6b: {  	v0 =	vld [tilespmem:$0xFCF0]  }
0x6c: {  	v1 =	vld [tilespmem:$0x8080];
	_ =	sdelay $0x3  }
0x6d: {  	[tilespmem:$0x11020] =	vst v0  }
0x6e: {  	s29 =	simm.s32 $0x8170;
	[tilespmem:$0x12030] =	vst v1  }
0x6f: {  	v3 =	vld [tilespmem:s29+$0x0]  }
0x70: {  	v4 =	vld [tilespmem:s29+$0xFFFFFFA0]  }
0x71: {  	v5 =	vld [tilespmem:s29+$0xFFFFFFB0]  }
0x72: {  	v0 =	vld [tilespmem:s29+$0xFFFFFFC0]  }
0x73: {  	s26 =	simm.s32 $0x120C0;
	v1 =	vld [tilespmem:s29+$0xFFFFFFD0]  }
0x74: {  	v2 =	vld [tilespmem:s29+$0xFFFFFFE0];
	[tilespmem:s26+$0x0] =	vst v3  }
0x75: {  	[tilespmem:s26+$0xFFFFFFA0] =	vst v4;
	v3 =	vld [tilespmem:s29+$0xFFFFFFF0]  }
0x76: {  	s28 =	simm.s32 $0x0;
	v4 =	vld [tilespmem:s29+$0xFFFFFF90];
	[tilespmem:s26+$0xFFFFFFB0] =	vst v5;
	s29 =	simm.s32 $0x8570  }
.LBB2_41:
0x77: {  	v5 =	vld [tilespmem:s29+$0x0];
	s28 =	sadd.s32 $0x8, s28;
	[tilespmem:s26+$0xFFFFFFC0] =	vst v0  }
0x78: {  	v6 =	vld [tilespmem:s29+$0xFFFFFFA0];
	p0 =	slt.u32 s28, $0xF8;
	[tilespmem:s26+$0xFFFFFFD0] =	vst v1  }
0x79: {  	v7 =	vld [tilespmem:s29+$0xFFFFFFB0];
	[tilespmem:s26+$0xFFFFFFE0] =	vst v2  }
.Ltmp7:
0x7a: {  	v0 =	vld [tilespmem:s29+$0xFFFFFFC0];
	[tilespmem:s26+$0xFFFFFFF0] =	vst v3;
	(pc) =	sbr.rel @p0 .LBB2_41-.Ltmp7, $4  }
0x7b: {  	v1 =	vld [tilespmem:s29+$0xFFFFFFD0];
	[tilespmem:s26+$0xFFFFFF90] =	vst v4;
	s26 =	sadd.s32 $0x80, s26  }
0x7c: {  	v2 =	vld [tilespmem:s29+$0xFFFFFFE0];
	[tilespmem:s26+$0x0] =	vst v5  }
0x7d: {  	[tilespmem:s26+$0xFFFFFFA0] =	vst v6;
	v3 =	vld [tilespmem:s29+$0xFFFFFFF0]  }
0x7e: {  	v4 =	vld [tilespmem:s29+$0xFFFFFF90];
	[tilespmem:s26+$0xFFFFFFB0] =	vst v7;
	s29 =	sadd.s32 $0x400, s29  }
0x7f: {  	[tilespmem:s26+$0xFFFFFFC0] =	vst v0  }
0x80: {  	[tilespmem:s26+$0xFFFFFFD0] =	vst v1  }
0x81: {  	[tilespmem:s26+$0xFFFFFFE0] =	vst v2  }
0x82: {  	[tilespmem:s26+$0xFFFFFFF0] =	vst v3  }
0x83: {  	[tilespmem:s26+$0xFFFFFF90] =	vst v4  }
0x84: {  	v0 =	vld [tilespmem:$0xFD70]  }
0x85: {  	v1 =	vld [tilespmem:$0x8100];
	_ =	sdelay $0x3  }
0x86: {  	[tilespmem:$0x12040] =	vst v0  }
0x87: {  	s29 =	simm.s32 $0x81F0;
	[tilespmem:$0x13050] =	vst v1  }
0x88: {  	v3 =	vld [tilespmem:s29+$0x0]  }
0x89: {  	v4 =	vld [tilespmem:s29+$0xFFFFFFA0]  }
0x8a: {  	v5 =	vld [tilespmem:s29+$0xFFFFFFB0]  }
0x8b: {  	v0 =	vld [tilespmem:s29+$0xFFFFFFC0]  }
0x8c: {  	s26 =	simm.s32 $0x130E0;
	v1 =	vld [tilespmem:s29+$0xFFFFFFD0]  }
0x8d: {  	v2 =	vld [tilespmem:s29+$0xFFFFFFE0];
	[tilespmem:s26+$0x0] =	vst v3  }
0x8e: {  	[tilespmem:s26+$0xFFFFFFA0] =	vst v4;
	v3 =	vld [tilespmem:s29+$0xFFFFFFF0]  }
0x8f: {  	s28 =	simm.s32 $0x0;
	v4 =	vld [tilespmem:s29+$0xFFFFFF90];
	[tilespmem:s26+$0xFFFFFFB0] =	vst v5;
	s29 =	simm.s32 $0x85F0  }
.LBB2_43:
0x90: {  	v5 =	vld [tilespmem:s29+$0x0];
	s28 =	sadd.s32 $0x8, s28;
	[tilespmem:s26+$0xFFFFFFC0] =	vst v0  }
0x91: {  	v6 =	vld [tilespmem:s29+$0xFFFFFFA0];
	p0 =	slt.u32 s28, $0xF8;
	[tilespmem:s26+$0xFFFFFFD0] =	vst v1  }
0x92: {  	v7 =	vld [tilespmem:s29+$0xFFFFFFB0];
	[tilespmem:s26+$0xFFFFFFE0] =	vst v2  }
.Ltmp8:
0x93: {  	v0 =	vld [tilespmem:s29+$0xFFFFFFC0];
	[tilespmem:s26+$0xFFFFFFF0] =	vst v3;
	(pc) =	sbr.rel @p0 .LBB2_43-.Ltmp8, $4  }
0x94: {  	v1 =	vld [tilespmem:s29+$0xFFFFFFD0];
	[tilespmem:s26+$0xFFFFFF90] =	vst v4;
	s26 =	sadd.s32 $0x80, s26  }
0x95: {  	v2 =	vld [tilespmem:s29+$0xFFFFFFE0];
	[tilespmem:s26+$0x0] =	vst v5  }
0x96: {  	[tilespmem:s26+$0xFFFFFFA0] =	vst v6;
	v3 =	vld [tilespmem:s29+$0xFFFFFFF0]  }
0x97: {  	v4 =	vld [tilespmem:s29+$0xFFFFFF90];
	[tilespmem:s26+$0xFFFFFFB0] =	vst v7;
	s29 =	sadd.s32 $0x400, s29  }
0x98: {  	[tilespmem:s26+$0xFFFFFFC0] =	vst v0  }
0x99: {  	[tilespmem:s26+$0xFFFFFFD0] =	vst v1  }
0x9a: {  	[tilespmem:s26+$0xFFFFFFE0] =	vst v2  }
0x9b: {  	[tilespmem:s26+$0xFFFFFFF0] =	vst v3  }
0x9c: {  	[tilespmem:s26+$0xFFFFFF90] =	vst v4  }
0x9d: {  	v0 =	vld [tilespmem:$0xFDF0]  }
0x9e: {  	v1 =	vld [tilespmem:$0x8180];
	_ =	sdelay $0x3  }
0x9f: {  	[tilespmem:$0x13060] =	vst v0  }
0xa0: {  	s29 =	simm.s32 $0x8270;
	[tilespmem:$0x14070] =	vst v1  }
0xa1: {  	v3 =	vld [tilespmem:s29+$0x0]  }
0xa2: {  	v4 =	vld [tilespmem:s29+$0xFFFFFFA0]  }
0xa3: {  	v5 =	vld [tilespmem:s29+$0xFFFFFFB0]  }
0xa4: {  	v0 =	vld [tilespmem:s29+$0xFFFFFFC0]  }
0xa5: {  	s26 =	simm.s32 $0x14100;
	v1 =	vld [tilespmem:s29+$0xFFFFFFD0]  }
0xa6: {  	v2 =	vld [tilespmem:s29+$0xFFFFFFE0];
	[tilespmem:s26+$0x0] =	vst v3  }
0xa7: {  	[tilespmem:s26+$0xFFFFFFA0] =	vst v4;
	v3 =	vld [tilespmem:s29+$0xFFFFFFF0]  }
0xa8: {  	s28 =	simm.s32 $0x0;
	v4 =	vld [tilespmem:s29+$0xFFFFFF90];
	[tilespmem:s26+$0xFFFFFFB0] =	vst v5;
	s29 =	simm.s32 $0x8670  }
.LBB2_45:
0xa9: {  	v5 =	vld [tilespmem:s29+$0x0];
	s28 =	sadd.s32 $0x8, s28;
	[tilespmem:s26+$0xFFFFFFC0] =	vst v0  }
0xaa: {  	v6 =	vld [tilespmem:s29+$0xFFFFFFA0];
	p0 =	slt.u32 s28, $0xF8;
	[tilespmem:s26+$0xFFFFFFD0] =	vst v1  }
0xab: {  	v7 =	vld [tilespmem:s29+$0xFFFFFFB0];
	[tilespmem:s26+$0xFFFFFFE0] =	vst v2  }
.Ltmp9:
0xac: {  	v0 =	vld [tilespmem:s29+$0xFFFFFFC0];
	[tilespmem:s26+$0xFFFFFFF0] =	vst v3;
	(pc) =	sbr.rel @p0 .LBB2_45-.Ltmp9, $4  }
0xad: {  	v1 =	vld [tilespmem:s29+$0xFFFFFFD0];
	[tilespmem:s26+$0xFFFFFF90] =	vst v4;
	s26 =	sadd.s32 $0x80, s26  }
0xae: {  	v2 =	vld [tilespmem:s29+$0xFFFFFFE0];
	[tilespmem:s26+$0x0] =	vst v5  }
0xaf: {  	[tilespmem:s26+$0xFFFFFFA0] =	vst v6;
	v3 =	vld [tilespmem:s29+$0xFFFFFFF0]  }
0xb0: {  	v4 =	vld [tilespmem:s29+$0xFFFFFF90];
	[tilespmem:s26+$0xFFFFFFB0] =	vst v7;
	s29 =	sadd.s32 $0x400, s29  }
0xb1: {  	[tilespmem:s26+$0xFFFFFFC0] =	vst v0  }
0xb2: {  	[tilespmem:s26+$0xFFFFFFD0] =	vst v1  }
0xb3: {  	[tilespmem:s26+$0xFFFFFFE0] =	vst v2  }
0xb4: {  	[tilespmem:s26+$0xFFFFFFF0] =	vst v3  }
0xb5: {  	[tilespmem:s26+$0xFFFFFF90] =	vst v4  }
0xb6: {  	v0 =	vld [tilespmem:$0xFE70]  }
0xb7: {  	v1 =	vld [tilespmem:$0x8200];
	_ =	sdelay $0x3  }
0xb8: {  	[tilespmem:$0x14080] =	vst v0  }
0xb9: {  	s29 =	simm.s32 $0x82F0;
	[tilespmem:$0x15090] =	vst v1  }
0xba: {  	v3 =	vld [tilespmem:s29+$0x0]  }
0xbb: {  	v4 =	vld [tilespmem:s29+$0xFFFFFFA0]  }
0xbc: {  	v5 =	vld [tilespmem:s29+$0xFFFFFFB0]  }
0xbd: {  	v0 =	vld [tilespmem:s29+$0xFFFFFFC0]  }
0xbe: {  	s26 =	simm.s32 $0x15120;
	v1 =	vld [tilespmem:s29+$0xFFFFFFD0]  }
0xbf: {  	v2 =	vld [tilespmem:s29+$0xFFFFFFE0];
	[tilespmem:s26+$0x0] =	vst v3  }
0xc0: {  	[tilespmem:s26+$0xFFFFFFA0] =	vst v4;
	v3 =	vld [tilespmem:s29+$0xFFFFFFF0]  }
0xc1: {  	s28 =	simm.s32 $0x0;
	v4 =	vld [tilespmem:s29+$0xFFFFFF90];
	[tilespmem:s26+$0xFFFFFFB0] =	vst v5;
	s29 =	simm.s32 $0x86F0  }
.LBB2_47:
0xc2: {  	v5 =	vld [tilespmem:s29+$0x0];
	s28 =	sadd.s32 $0x8, s28;
	[tilespmem:s26+$0xFFFFFFC0] =	vst v0  }
0xc3: {  	v6 =	vld [tilespmem:s29+$0xFFFFFFA0];
	p0 =	slt.u32 s28, $0xF8;
	[tilespmem:s26+$0xFFFFFFD0] =	vst v1  }
0xc4: {  	v7 =	vld [tilespmem:s29+$0xFFFFFFB0];
	[tilespmem:s26+$0xFFFFFFE0] =	vst v2  }
.Ltmp10:
0xc5: {  	v0 =	vld [tilespmem:s29+$0xFFFFFFC0];
	[tilespmem:s26+$0xFFFFFFF0] =	vst v3;
	(pc) =	sbr.rel @p0 .LBB2_47-.Ltmp10, $4  }
0xc6: {  	v1 =	vld [tilespmem:s29+$0xFFFFFFD0];
	[tilespmem:s26+$0xFFFFFF90] =	vst v4;
	s26 =	sadd.s32 $0x80, s26  }
0xc7: {  	v2 =	vld [tilespmem:s29+$0xFFFFFFE0];
	[tilespmem:s26+$0x0] =	vst v5  }
0xc8: {  	[tilespmem:s26+$0xFFFFFFA0] =	vst v6;
	v3 =	vld [tilespmem:s29+$0xFFFFFFF0]  }
0xc9: {  	v4 =	vld [tilespmem:s29+$0xFFFFFF90];
	[tilespmem:s26+$0xFFFFFFB0] =	vst v7;
	s29 =	sadd.s32 $0x400, s29  }
0xca: {  	[tilespmem:s26+$0xFFFFFFC0] =	vst v0  }
0xcb: {  	[tilespmem:s26+$0xFFFFFFD0] =	vst v1  }
0xcc: {  	[tilespmem:s26+$0xFFFFFFE0] =	vst v2  }
0xcd: {  	[tilespmem:s26+$0xFFFFFFF0] =	vst v3  }
0xce: {  	[tilespmem:s26+$0xFFFFFF90] =	vst v4  }
0xcf: {  	v0 =	vld [tilespmem:$0xFEF0]  }
0xd0: {  	v1 =	vld [tilespmem:$0x8280];
	_ =	sdelay $0x3  }
0xd1: {  	[tilespmem:$0x150A0] =	vst v0  }
0xd2: {  	s29 =	simm.s32 $0x8370;
	[tilespmem:$0x160B0] =	vst v1  }
0xd3: {  	v3 =	vld [tilespmem:s29+$0x0]  }
0xd4: {  	v4 =	vld [tilespmem:s29+$0xFFFFFFA0]  }
0xd5: {  	v5 =	vld [tilespmem:s29+$0xFFFFFFB0]  }
0xd6: {  	v0 =	vld [tilespmem:s29+$0xFFFFFFC0]  }
0xd7: {  	s26 =	simm.s32 $0x16140;
	v1 =	vld [tilespmem:s29+$0xFFFFFFD0]  }
0xd8: {  	v2 =	vld [tilespmem:s29+$0xFFFFFFE0];
	[tilespmem:s26+$0x0] =	vst v3  }
0xd9: {  	[tilespmem:s26+$0xFFFFFFA0] =	vst v4;
	v3 =	vld [tilespmem:s29+$0xFFFFFFF0]  }
0xda: {  	s28 =	simm.s32 $0x0;
	v4 =	vld [tilespmem:s29+$0xFFFFFF90];
	[tilespmem:s26+$0xFFFFFFB0] =	vst v5;
	s29 =	simm.s32 $0x8770  }
.LBB2_49:
0xdb: {  	v5 =	vld [tilespmem:s29+$0x0];
	s28 =	sadd.s32 $0x8, s28;
	[tilespmem:s26+$0xFFFFFFC0] =	vst v0  }
0xdc: {  	v6 =	vld [tilespmem:s29+$0xFFFFFFA0];
	p0 =	slt.u32 s28, $0xF8;
	[tilespmem:s26+$0xFFFFFFD0] =	vst v1  }
0xdd: {  	v7 =	vld [tilespmem:s29+$0xFFFFFFB0];
	[tilespmem:s26+$0xFFFFFFE0] =	vst v2  }
.Ltmp11:
0xde: {  	v0 =	vld [tilespmem:s29+$0xFFFFFFC0];
	[tilespmem:s26+$0xFFFFFFF0] =	vst v3;
	(pc) =	sbr.rel @p0 .LBB2_49-.Ltmp11, $4  }
0xdf: {  	v1 =	vld [tilespmem:s29+$0xFFFFFFD0];
	[tilespmem:s26+$0xFFFFFF90] =	vst v4;
	s26 =	sadd.s32 $0x80, s26  }
0xe0: {  	v2 =	vld [tilespmem:s29+$0xFFFFFFE0];
	[tilespmem:s26+$0x0] =	vst v5  }
0xe1: {  	[tilespmem:s26+$0xFFFFFFA0] =	vst v6;
	v3 =	vld [tilespmem:s29+$0xFFFFFFF0]  }
0xe2: {  	v4 =	vld [tilespmem:s29+$0xFFFFFF90];
	[tilespmem:s26+$0xFFFFFFB0] =	vst v7;
	s29 =	sadd.s32 $0x400, s29  }
0xe3: {  	[tilespmem:s26+$0xFFFFFFC0] =	vst v0  }
0xe4: {  	[tilespmem:s26+$0xFFFFFFD0] =	vst v1  }
0xe5: {  	[tilespmem:s26+$0xFFFFFFE0] =	vst v2  }
0xe6: {  	[tilespmem:s26+$0xFFFFFFF0] =	vst v3  }
0xe7: {  	[tilespmem:s26+$0xFFFFFF90] =	vst v4  }
0xe8: {  	v0 =	vld [tilespmem:$0xFF70]  }
0xe9: {  	v1 =	vld [tilespmem:$0x8300];
	_ =	sdelay $0x3  }
0xea: {  	[tilespmem:$0x160C0] =	vst v0  }
0xeb: {  	s29 =	simm.s32 $0x83F0;
	[tilespmem:$0x170D0] =	vst v1  }
0xec: {  	v3 =	vld [tilespmem:s29+$0x0]  }
0xed: {  	v4 =	vld [tilespmem:s29+$0xFFFFFFA0]  }
0xee: {  	v5 =	vld [tilespmem:s29+$0xFFFFFFB0]  }
0xef: {  	v0 =	vld [tilespmem:s29+$0xFFFFFFC0]  }
0xf0: {  	s26 =	simm.s32 $0x17160;
	v1 =	vld [tilespmem:s29+$0xFFFFFFD0]  }
0xf1: {  	v2 =	vld [tilespmem:s29+$0xFFFFFFE0];
	[tilespmem:s26+$0x0] =	vst v3  }
0xf2: {  	[tilespmem:s26+$0xFFFFFFA0] =	vst v4;
	v3 =	vld [tilespmem:s29+$0xFFFFFFF0]  }
0xf3: {  	s28 =	simm.s32 $0x0;
	v4 =	vld [tilespmem:s29+$0xFFFFFF90];
	[tilespmem:s26+$0xFFFFFFB0] =	vst v5;
	s29 =	simm.s32 $0x87F0  }
.LBB2_51:
0xf4: {  	v5 =	vld [tilespmem:s29+$0x0];
	s28 =	sadd.s32 $0x8, s28;
	[tilespmem:s26+$0xFFFFFFC0] =	vst v0  }
0xf5: {  	v6 =	vld [tilespmem:s29+$0xFFFFFFA0];
	p0 =	slt.u32 s28, $0xF8;
	[tilespmem:s26+$0xFFFFFFD0] =	vst v1  }
0xf6: {  	v7 =	vld [tilespmem:s29+$0xFFFFFFB0];
	[tilespmem:s26+$0xFFFFFFE0] =	vst v2  }
.Ltmp12:
0xf7: {  	v0 =	vld [tilespmem:s29+$0xFFFFFFC0];
	[tilespmem:s26+$0xFFFFFFF0] =	vst v3;
	(pc) =	sbr.rel @p0 .LBB2_51-.Ltmp12, $4  }
0xf8: {  	v1 =	vld [tilespmem:s29+$0xFFFFFFD0];
	[tilespmem:s26+$0xFFFFFF90] =	vst v4;
	s26 =	sadd.s32 $0x80, s26  }
0xf9: {  	v2 =	vld [tilespmem:s29+$0xFFFFFFE0];
	[tilespmem:s26+$0x0] =	vst v5  }
0xfa: {  	[tilespmem:s26+$0xFFFFFFA0] =	vst v6;
	v3 =	vld [tilespmem:s29+$0xFFFFFFF0]  }
0xfb: {  	v4 =	vld [tilespmem:s29+$0xFFFFFF90];
	[tilespmem:s26+$0xFFFFFFB0] =	vst v7;
	s29 =	sadd.s32 $0x400, s29  }
0xfc: {  	[tilespmem:s26+$0xFFFFFFC0] =	vst v0  }
0xfd: {  	[tilespmem:s26+$0xFFFFFFD0] =	vst v1  }
0xfe: {  	[tilespmem:s26+$0xFFFFFFE0] =	vst v2  }
0xff: {  	[tilespmem:s26+$0xFFFFFFF0] =	vst v3  }
0x100: {  	[tilespmem:s26+$0xFFFFFF90] =	vst v4  }
0x101: {  	v0 =	vld [tilespmem:$0xFFF0]  }
0x102: {  	v1 =	vld [tilespmem:$0x8380];
	_ =	sdelay $0x3  }
0x103: {  	p0 =	seq.s32 s25, $0x7;
	[tilespmem:$0x170E0] =	vst v0  }
0x104: {  	s26 =	simm.s32 @!p0 $0x3;
	[tilespmem:$0x180F0] =	vst v1  }
0x105: {  	s28 =	sadd.s32 @!p0 s25, s10;
	_ =	swait.ge @!p0 [sflag:s26], $0x8000  }
0x106: {  	s28 =	sshll.u32 @!p0 s28, $0xC;
	[sflag:s26] =	ssyncset.done @!p0 $0x0  }
0x107: {  	[sflag:s26] =	ssyncadd.s32 @!p0 $0xFFFF8000;
	s26 =	sadd.s32 @!p0 s1, s28;
	s28 =	simm.s32 @!p0 $0x0  }
0x108: {  	[tilespmem:s28], [sflag:$0x1] =	stream.linear.gather @!p0 [hbm4b:s26+s28], $0x8000, $0x38;
	[tilespmem:$0x18100] =	vst v63  }
0x109: {  	v3 =	vld [tilespmem:s12+$0x30]  }
0x10a: {  	v4 =	vld [tilespmem:s12+$0xFFFFFFD0]  }
0x10b: {  	v5 =	vld [tilespmem:s12+$0xFFFFFFE0]  }
0x10c: {  	v0 =	vld [tilespmem:s12+$0xFFFFFFF0]  }
0x10d: {  	s29 =	simm.s32 $0x8040;
	v1 =	vld [tilespmem:s12+$0x0]  }
0x10e: {  	v2 =	vld [tilespmem:s12+$0x10];
	[tilespmem:s29+$0x30] =	vst v3  }
0x10f: {  	[tilespmem:s29+$0xFFFFFFD0] =	vst v4;
	v3 =	vld [tilespmem:s12+$0x20]  }
0x110: {  	s30 =	simm.s32 $0x0;
	s31 =	sadd.s32 $0x80, s12;
	s26 =	sadd.s32 s4, s25;
	v4 =	vld [tilespmem:s12+$0xFFFFFFC0];
	[tilespmem:s29+$0xFFFFFFE0] =	vst v5  }
.LBB2_53:
0x111: {  	v5 =	vld [tilespmem:s31+$0x30];
	s30 =	sadd.s32 $0x8, s30;
	[tilespmem:s29+$0xFFFFFFF0] =	vst v0  }
0x112: {  	v6 =	vld [tilespmem:s31+$0xFFFFFFD0];
	p0 =	slt.u32 s30, $0xF8;
	[tilespmem:s29+$0x0] =	vst v1  }
0x113: {  	v7 =	vld [tilespmem:s31+$0xFFFFFFE0];
	[tilespmem:s29+$0x10] =	vst v2  }
.Ltmp13:
0x114: {  	v0 =	vld [tilespmem:s31+$0xFFFFFFF0];
	[tilespmem:s29+$0x20] =	vst v3;
	(pc) =	sbr.rel @p0 .LBB2_53-.Ltmp13, $4  }
0x115: {  	v1 =	vld [tilespmem:s31+$0x0];
	[tilespmem:s29+$0xFFFFFFC0] =	vst v4;
	s29 =	sadd.s32 $0x400, s29  }
0x116: {  	s28 =	simm.s32 $0x80F0;
	v2 =	vld [tilespmem:s31+$0x10];
	[tilespmem:s29+$0x30] =	vst v5  }
0x117: {  	[tilespmem:s29+$0xFFFFFFD0] =	vst v6;
	v3 =	vld [tilespmem:s31+$0x20]  }
0x118: {  	v4 =	vld [tilespmem:s31+$0xFFFFFFC0];
	[tilespmem:s29+$0xFFFFFFE0] =	vst v7;
	s31 =	sadd.s32 $0x80, s31  }
0x119: {  	[tilespmem:s29+$0xFFFFFFF0] =	vst v0  }
0x11a: {  	[tilespmem:s29+$0x0] =	vst v1  }
0x11b: {  	[tilespmem:s29+$0x10] =	vst v2  }
0x11c: {  	[tilespmem:s29+$0x20] =	vst v3  }
0x11d: {  	[tilespmem:s29+$0xFFFFFFC0] =	vst v4  }
0x11e: {  	v3 =	vld [tilespmem:s13+$0x0]  }
0x11f: {  	v4 =	vld [tilespmem:s13+$0xFFFFFFA0]  }
0x120: {  	v5 =	vld [tilespmem:s13+$0xFFFFFFB0]  }
0x121: {  	v1 =	vld [tilespmem:s13+$0xFFFFFFC0]  }
0x122: {  	v0 =	vld [tilespmem:s13+$0xFFFFFFD0]  }
0x123: {  	v2 =	vld [tilespmem:s13+$0xFFFFFFE0];
	[tilespmem:s28+$0x0] =	vst v3  }
0x124: {  	[tilespmem:s28+$0xFFFFFFA0] =	vst v4;
	v3 =	vld [tilespmem:s13+$0xFFFFFFF0]  }
0x125: {  	s30 =	simm.s32 $0x0;
	s31 =	sadd.s32 $0x80, s13;
	v4 =	vld [tilespmem:s13+$0xFFFFFF90];
	[tilespmem:s28+$0xFFFFFFB0] =	vst v5  }
.LBB2_55:
0x126: {  	v5 =	vld [tilespmem:s31+$0x0];
	s30 =	sadd.s32 $0x8, s30;
	[tilespmem:s28+$0xFFFFFFC0] =	vst v1  }
0x127: {  	v6 =	vld [tilespmem:s31+$0xFFFFFFA0];
	p0 =	slt.u32 s30, $0xF8;
	[tilespmem:s28+$0xFFFFFFD0] =	vst v0  }
0x128: {  	v7 =	vld [tilespmem:s31+$0xFFFFFFB0];
	[tilespmem:s28+$0xFFFFFFE0] =	vst v2  }
.Ltmp14:
0x129: {  	v1 =	vld [tilespmem:s31+$0xFFFFFFC0];
	[tilespmem:s28+$0xFFFFFFF0] =	vst v3;
	(pc) =	sbr.rel @p0 .LBB2_55-.Ltmp14, $4  }
0x12a: {  	v0 =	vld [tilespmem:s31+$0xFFFFFFD0];
	[tilespmem:s28+$0xFFFFFF90] =	vst v4;
	s28 =	sadd.s32 $0x400, s28  }
0x12b: {  	s29 =	simm.s32 $0x8170;
	v2 =	vld [tilespmem:s31+$0xFFFFFFE0];
	[tilespmem:s28+$0x0] =	vst v5  }
0x12c: {  	[tilespmem:s28+$0xFFFFFFA0] =	vst v6;
	v3 =	vld [tilespmem:s31+$0xFFFFFFF0]  }
0x12d: {  	v4 =	vld [tilespmem:s31+$0xFFFFFF90];
	[tilespmem:s28+$0xFFFFFFB0] =	vst v7;
	s31 =	sadd.s32 $0x80, s31  }
0x12e: {  	[tilespmem:s28+$0xFFFFFFC0] =	vst v1  }
0x12f: {  	[tilespmem:s28+$0xFFFFFFD0] =	vst v0  }
0x130: {  	[tilespmem:s28+$0xFFFFFFE0] =	vst v2  }
0x131: {  	[tilespmem:s28+$0xFFFFFFF0] =	vst v3  }
0x132: {  	[tilespmem:s28+$0xFFFFFF90] =	vst v4  }
0x133: {  	v3 =	vld [tilespmem:s14+$0x0]  }
0x134: {  	v4 =	vld [tilespmem:s14+$0xFFFFFFA0]  }
0x135: {  	v5 =	vld [tilespmem:s14+$0xFFFFFFB0]  }
0x136: {  	v1 =	vld [tilespmem:s14+$0xFFFFFFC0]  }
0x137: {  	v0 =	vld [tilespmem:s14+$0xFFFFFFD0]  }
0x138: {  	v2 =	vld [tilespmem:s14+$0xFFFFFFE0];
	[tilespmem:s29+$0x0] =	vst v3  }
0x139: {  	[tilespmem:s29+$0xFFFFFFA0] =	vst v4;
	v3 =	vld [tilespmem:s14+$0xFFFFFFF0]  }
0x13a: {  	s30 =	simm.s32 $0x0;
	s31 =	sadd.s32 $0x80, s14;
	v4 =	vld [tilespmem:s14+$0xFFFFFF90];
	[tilespmem:s29+$0xFFFFFFB0] =	vst v5  }
.LBB2_57:
0x13b: {  	v5 =	vld [tilespmem:s31+$0x0];
	s30 =	sadd.s32 $0x8, s30;
	[tilespmem:s29+$0xFFFFFFC0] =	vst v1  }
0x13c: {  	v6 =	vld [tilespmem:s31+$0xFFFFFFA0];
	p0 =	slt.u32 s30, $0xF8;
	[tilespmem:s29+$0xFFFFFFD0] =	vst v0  }
0x13d: {  	v7 =	vld [tilespmem:s31+$0xFFFFFFB0];
	[tilespmem:s29+$0xFFFFFFE0] =	vst v2  }
.Ltmp15:
0x13e: {  	v1 =	vld [tilespmem:s31+$0xFFFFFFC0];
	[tilespmem:s29+$0xFFFFFFF0] =	vst v3;
	(pc) =	sbr.rel @p0 .LBB2_57-.Ltmp15, $4  }
0x13f: {  	v0 =	vld [tilespmem:s31+$0xFFFFFFD0];
	[tilespmem:s29+$0xFFFFFF90] =	vst v4;
	s29 =	sadd.s32 $0x400, s29  }
0x140: {  	s28 =	simm.s32 $0x81F0;
	v2 =	vld [tilespmem:s31+$0xFFFFFFE0];
	[tilespmem:s29+$0x0] =	vst v5  }
0x141: {  	[tilespmem:s29+$0xFFFFFFA0] =	vst v6;
	v3 =	vld [tilespmem:s31+$0xFFFFFFF0]  }
0x142: {  	v4 =	vld [tilespmem:s31+$0xFFFFFF90];
	[tilespmem:s29+$0xFFFFFFB0] =	vst v7;
	s31 =	sadd.s32 $0x80, s31  }
0x143: {  	[tilespmem:s29+$0xFFFFFFC0] =	vst v1  }
0x144: {  	[tilespmem:s29+$0xFFFFFFD0] =	vst v0  }
0x145: {  	[tilespmem:s29+$0xFFFFFFE0] =	vst v2  }
0x146: {  	[tilespmem:s29+$0xFFFFFFF0] =	vst v3  }
0x147: {  	[tilespmem:s29+$0xFFFFFF90] =	vst v4  }
0x148: {  	v3 =	vld [tilespmem:s15+$0x0]  }
0x149: {  	v4 =	vld [tilespmem:s15+$0xFFFFFFA0]  }
0x14a: {  	v5 =	vld [tilespmem:s15+$0xFFFFFFB0]  }
0x14b: {  	v1 =	vld [tilespmem:s15+$0xFFFFFFC0]  }
0x14c: {  	v0 =	vld [tilespmem:s15+$0xFFFFFFD0]  }
0x14d: {  	v2 =	vld [tilespmem:s15+$0xFFFFFFE0];
	[tilespmem:s28+$0x0] =	vst v3  }
0x14e: {  	[tilespmem:s28+$0xFFFFFFA0] =	vst v4;
	v3 =	vld [tilespmem:s15+$0xFFFFFFF0]  }
0x14f: {  	s30 =	simm.s32 $0x0;
	s31 =	sadd.s32 $0x80, s15;
	v4 =	vld [tilespmem:s15+$0xFFFFFF90];
	[tilespmem:s28+$0xFFFFFFB0] =	vst v5  }
.LBB2_59:
0x150: {  	v5 =	vld [tilespmem:s31+$0x0];
	s30 =	sadd.s32 $0x8, s30;
	[tilespmem:s28+$0xFFFFFFC0] =	vst v1  }
0x151: {  	v6 =	vld [tilespmem:s31+$0xFFFFFFA0];
	p0 =	slt.u32 s30, $0xF8;
	[tilespmem:s28+$0xFFFFFFD0] =	vst v0  }
0x152: {  	v7 =	vld [tilespmem:s31+$0xFFFFFFB0];
	[tilespmem:s28+$0xFFFFFFE0] =	vst v2  }
.Ltmp16:
0x153: {  	v1 =	vld [tilespmem:s31+$0xFFFFFFC0];
	[tilespmem:s28+$0xFFFFFFF0] =	vst v3;
	(pc) =	sbr.rel @p0 .LBB2_59-.Ltmp16, $4  }
0x154: {  	v0 =	vld [tilespmem:s31+$0xFFFFFFD0];
	[tilespmem:s28+$0xFFFFFF90] =	vst v4;
	s28 =	sadd.s32 $0x400, s28  }
0x155: {  	s29 =	simm.s32 $0x8270;
	v2 =	vld [tilespmem:s31+$0xFFFFFFE0];
	[tilespmem:s28+$0x0] =	vst v5  }
0x156: {  	[tilespmem:s28+$0xFFFFFFA0] =	vst v6;
	v3 =	vld [tilespmem:s31+$0xFFFFFFF0]  }
0x157: {  	v4 =	vld [tilespmem:s31+$0xFFFFFF90];
	[tilespmem:s28+$0xFFFFFFB0] =	vst v7;
	s31 =	sadd.s32 $0x80, s31  }
0x158: {  	[tilespmem:s28+$0xFFFFFFC0] =	vst v1  }
0x159: {  	[tilespmem:s28+$0xFFFFFFD0] =	vst v0  }
0x15a: {  	[tilespmem:s28+$0xFFFFFFE0] =	vst v2  }
0x15b: {  	[tilespmem:s28+$0xFFFFFFF0] =	vst v3  }
0x15c: {  	[tilespmem:s28+$0xFFFFFF90] =	vst v4  }
0x15d: {  	v3 =	vld [tilespmem:s16+$0x0]  }
0x15e: {  	v4 =	vld [tilespmem:s16+$0xFFFFFFA0]  }
0x15f: {  	v5 =	vld [tilespmem:s16+$0xFFFFFFB0]  }
0x160: {  	v1 =	vld [tilespmem:s16+$0xFFFFFFC0]  }
0x161: {  	v0 =	vld [tilespmem:s16+$0xFFFFFFD0]  }
0x162: {  	v2 =	vld [tilespmem:s16+$0xFFFFFFE0];
	[tilespmem:s29+$0x0] =	vst v3  }
0x163: {  	[tilespmem:s29+$0xFFFFFFA0] =	vst v4;
	v3 =	vld [tilespmem:s16+$0xFFFFFFF0]  }
0x164: {  	s30 =	simm.s32 $0x0;
	s31 =	sadd.s32 $0x80, s16;
	v4 =	vld [tilespmem:s16+$0xFFFFFF90];
	[tilespmem:s29+$0xFFFFFFB0] =	vst v5  }
.LBB2_61:
0x165: {  	v5 =	vld [tilespmem:s31+$0x0];
	s30 =	sadd.s32 $0x8, s30;
	[tilespmem:s29+$0xFFFFFFC0] =	vst v1  }
0x166: {  	v6 =	vld [tilespmem:s31+$0xFFFFFFA0];
	p0 =	slt.u32 s30, $0xF8;
	[tilespmem:s29+$0xFFFFFFD0] =	vst v0  }
0x167: {  	v7 =	vld [tilespmem:s31+$0xFFFFFFB0];
	[tilespmem:s29+$0xFFFFFFE0] =	vst v2  }
.Ltmp17:
0x168: {  	v1 =	vld [tilespmem:s31+$0xFFFFFFC0];
	[tilespmem:s29+$0xFFFFFFF0] =	vst v3;
	(pc) =	sbr.rel @p0 .LBB2_61-.Ltmp17, $4  }
0x169: {  	v0 =	vld [tilespmem:s31+$0xFFFFFFD0];
	[tilespmem:s29+$0xFFFFFF90] =	vst v4;
	s29 =	sadd.s32 $0x400, s29  }
0x16a: {  	s28 =	simm.s32 $0x82F0;
	v2 =	vld [tilespmem:s31+$0xFFFFFFE0];
	[tilespmem:s29+$0x0] =	vst v5  }
0x16b: {  	[tilespmem:s29+$0xFFFFFFA0] =	vst v6;
	v3 =	vld [tilespmem:s31+$0xFFFFFFF0]  }
0x16c: {  	v4 =	vld [tilespmem:s31+$0xFFFFFF90];
	[tilespmem:s29+$0xFFFFFFB0] =	vst v7;
	s31 =	sadd.s32 $0x80, s31  }
0x16d: {  	[tilespmem:s29+$0xFFFFFFC0] =	vst v1  }
0x16e: {  	[tilespmem:s29+$0xFFFFFFD0] =	vst v0  }
0x16f: {  	[tilespmem:s29+$0xFFFFFFE0] =	vst v2  }
0x170: {  	[tilespmem:s29+$0xFFFFFFF0] =	vst v3  }
0x171: {  	[tilespmem:s29+$0xFFFFFF90] =	vst v4  }
0x172: {  	v3 =	vld [tilespmem:s17+$0x0]  }
0x173: {  	v4 =	vld [tilespmem:s17+$0xFFFFFFA0]  }
0x174: {  	v5 =	vld [tilespmem:s17+$0xFFFFFFB0]  }
0x175: {  	v1 =	vld [tilespmem:s17+$0xFFFFFFC0]  }
0x176: {  	v0 =	vld [tilespmem:s17+$0xFFFFFFD0]  }
0x177: {  	v2 =	vld [tilespmem:s17+$0xFFFFFFE0];
	[tilespmem:s28+$0x0] =	vst v3  }
0x178: {  	[tilespmem:s28+$0xFFFFFFA0] =	vst v4;
	v3 =	vld [tilespmem:s17+$0xFFFFFFF0]  }
0x179: {  	s30 =	simm.s32 $0x0;
	s31 =	sadd.s32 $0x80, s17;
	v4 =	vld [tilespmem:s17+$0xFFFFFF90];
	[tilespmem:s28+$0xFFFFFFB0] =	vst v5  }
.LBB2_63:
0x17a: {  	v5 =	vld [tilespmem:s31+$0x0];
	s30 =	sadd.s32 $0x8, s30;
	[tilespmem:s28+$0xFFFFFFC0] =	vst v1  }
0x17b: {  	v6 =	vld [tilespmem:s31+$0xFFFFFFA0];
	p0 =	slt.u32 s30, $0xF8;
	[tilespmem:s28+$0xFFFFFFD0] =	vst v0  }
0x17c: {  	v7 =	vld [tilespmem:s31+$0xFFFFFFB0];
	[tilespmem:s28+$0xFFFFFFE0] =	vst v2  }
.Ltmp18:
0x17d: {  	v1 =	vld [tilespmem:s31+$0xFFFFFFC0];
	[tilespmem:s28+$0xFFFFFFF0] =	vst v3;
	(pc) =	sbr.rel @p0 .LBB2_63-.Ltmp18, $4  }
0x17e: {  	v0 =	vld [tilespmem:s31+$0xFFFFFFD0];
	[tilespmem:s28+$0xFFFFFF90] =	vst v4;
	s28 =	sadd.s32 $0x400, s28  }
0x17f: {  	s29 =	simm.s32 $0x8370;
	v2 =	vld [tilespmem:s31+$0xFFFFFFE0];
	[tilespmem:s28+$0x0] =	vst v5  }
0x180: {  	[tilespmem:s28+$0xFFFFFFA0] =	vst v6;
	v3 =	vld [tilespmem:s31+$0xFFFFFFF0]  }
0x181: {  	v4 =	vld [tilespmem:s31+$0xFFFFFF90];
	[tilespmem:s28+$0xFFFFFFB0] =	vst v7;
	s31 =	sadd.s32 $0x80, s31  }
0x182: {  	[tilespmem:s28+$0xFFFFFFC0] =	vst v1  }
0x183: {  	[tilespmem:s28+$0xFFFFFFD0] =	vst v0  }
0x184: {  	[tilespmem:s28+$0xFFFFFFE0] =	vst v2  }
0x185: {  	[tilespmem:s28+$0xFFFFFFF0] =	vst v3  }
0x186: {  	[tilespmem:s28+$0xFFFFFF90] =	vst v4  }
0x187: {  	v3 =	vld [tilespmem:s18+$0x0]  }
0x188: {  	v4 =	vld [tilespmem:s18+$0xFFFFFFA0]  }
0x189: {  	v5 =	vld [tilespmem:s18+$0xFFFFFFB0]  }
0x18a: {  	v1 =	vld [tilespmem:s18+$0xFFFFFFC0]  }
0x18b: {  	v0 =	vld [tilespmem:s18+$0xFFFFFFD0]  }
0x18c: {  	v2 =	vld [tilespmem:s18+$0xFFFFFFE0];
	[tilespmem:s29+$0x0] =	vst v3  }
0x18d: {  	[tilespmem:s29+$0xFFFFFFA0] =	vst v4;
	v3 =	vld [tilespmem:s18+$0xFFFFFFF0]  }
0x18e: {  	s30 =	simm.s32 $0x0;
	s31 =	sadd.s32 $0x80, s18;
	v4 =	vld [tilespmem:s18+$0xFFFFFF90];
	[tilespmem:s29+$0xFFFFFFB0] =	vst v5  }
.LBB2_65:
0x18f: {  	v5 =	vld [tilespmem:s31+$0x0];
	s30 =	sadd.s32 $0x8, s30;
	[tilespmem:s29+$0xFFFFFFC0] =	vst v1  }
0x190: {  	v6 =	vld [tilespmem:s31+$0xFFFFFFA0];
	p0 =	slt.u32 s30, $0xF8;
	[tilespmem:s29+$0xFFFFFFD0] =	vst v0  }
0x191: {  	v7 =	vld [tilespmem:s31+$0xFFFFFFB0];
	[tilespmem:s29+$0xFFFFFFE0] =	vst v2  }
.Ltmp19:
0x192: {  	v1 =	vld [tilespmem:s31+$0xFFFFFFC0];
	[tilespmem:s29+$0xFFFFFFF0] =	vst v3;
	(pc) =	sbr.rel @p0 .LBB2_65-.Ltmp19, $4  }
0x193: {  	v0 =	vld [tilespmem:s31+$0xFFFFFFD0];
	[tilespmem:s29+$0xFFFFFF90] =	vst v4;
	s29 =	sadd.s32 $0x400, s29  }
0x194: {  	s28 =	simm.s32 $0x83F0;
	v2 =	vld [tilespmem:s31+$0xFFFFFFE0];
	[tilespmem:s29+$0x0] =	vst v5  }
0x195: {  	[tilespmem:s29+$0xFFFFFFA0] =	vst v6;
	v3 =	vld [tilespmem:s31+$0xFFFFFFF0]  }
0x196: {  	v4 =	vld [tilespmem:s31+$0xFFFFFF90];
	[tilespmem:s29+$0xFFFFFFB0] =	vst v7;
	s31 =	sadd.s32 $0x80, s31  }
0x197: {  	[tilespmem:s29+$0xFFFFFFC0] =	vst v1  }
0x198: {  	[tilespmem:s29+$0xFFFFFFD0] =	vst v0  }
0x199: {  	[tilespmem:s29+$0xFFFFFFE0] =	vst v2  }
0x19a: {  	[tilespmem:s29+$0xFFFFFFF0] =	vst v3  }
0x19b: {  	[tilespmem:s29+$0xFFFFFF90] =	vst v4  }
0x19c: {  	v3 =	vld [tilespmem:s19+$0x0]  }
0x19d: {  	v4 =	vld [tilespmem:s19+$0xFFFFFFA0]  }
0x19e: {  	v5 =	vld [tilespmem:s19+$0xFFFFFFB0]  }
0x19f: {  	v1 =	vld [tilespmem:s19+$0xFFFFFFC0]  }
0x1a0: {  	v0 =	vld [tilespmem:s19+$0xFFFFFFD0]  }
0x1a1: {  	v2 =	vld [tilespmem:s19+$0xFFFFFFE0];
	[tilespmem:s28+$0x0] =	vst v3  }
0x1a2: {  	[tilespmem:s28+$0xFFFFFFA0] =	vst v4;
	v4 =	vld [tilespmem:s19+$0xFFFFFFF0]  }
0x1a3: {  	s30 =	sadd.s32 $0x80, s19;
	s29 =	simm.s32 $0x0;
	v3 =	vld [tilespmem:s19+$0xFFFFFF90];
	[tilespmem:s28+$0xFFFFFFB0] =	vst v5  }
.LBB2_67:
0x1a4: {  	v5 =	vld [tilespmem:s30+$0x0];
	s29 =	sadd.s32 $0x8, s29;
	[tilespmem:s28+$0xFFFFFFC0] =	vst v1  }
0x1a5: {  	v6 =	vld [tilespmem:s30+$0xFFFFFFA0];
	p0 =	slt.u32 s29, $0xF8;
	[tilespmem:s28+$0xFFFFFFD0] =	vst v0  }
0x1a6: {  	v7 =	vld [tilespmem:s30+$0xFFFFFFB0];
	[tilespmem:s28+$0xFFFFFFE0] =	vst v2  }
.Ltmp20:
0x1a7: {  	v1 =	vld [tilespmem:s30+$0xFFFFFFC0];
	[tilespmem:s28+$0xFFFFFFF0] =	vst v4;
	(pc) =	sbr.rel @p0 .LBB2_67-.Ltmp20, $4  }
0x1a8: {  	v0 =	vld [tilespmem:s30+$0xFFFFFFD0];
	[tilespmem:s28+$0xFFFFFF90] =	vst v3;
	s28 =	sadd.s32 $0x400, s28  }
0x1a9: {  	v2 =	vld [tilespmem:s30+$0xFFFFFFE0];
	[tilespmem:s28+$0x0] =	vst v5  }
0x1aa: {  	[tilespmem:s28+$0xFFFFFFA0] =	vst v6;
	v4 =	vld [tilespmem:s30+$0xFFFFFFF0]  }
0x1ab: {  	v3 =	vld [tilespmem:s30+$0xFFFFFF90];
	[tilespmem:s28+$0xFFFFFFB0] =	vst v7;
	s30 =	sadd.s32 $0x80, s30  }
0x1ac: {  	[tilespmem:s28+$0xFFFFFFC0] =	vst v1  }
.Ltmp21:
0x1ad: {  	[tilespmem:s28+$0xFFFFFFD0] =	vst v0;
	(pc) =	sbr.rel .LBB2_69-.Ltmp21, $4  }
0x1ae: {  	[tilespmem:s28+$0xFFFFFFE0] =	vst v2  }
0x1af: {  	s26 =	sshll.u32 s26, $0xC;
	[tilespmem:s28+$0xFFFFFFF0] =	vst v4  }
0x1b0: {  	s26 =	sadd.s32 s26, s9;
	[tilespmem:s28+$0xFFFFFF90] =	vst v3  }
0x1b1: {  	[hbm4b:s26+s3] =	stream.linear.scatter [tilespmem:s20], [sflag:$0x4], $0x8000, $0x38;
	[tilespmem:$0x18100] =	vst v63  }
.LBB2_3:
0x1b2: {  	_ =	swait.ge [sflag:s6], $0x8000  }
0x1b3: {  	[sflag:s6] =	ssyncset.done $0x0  }
0x1b4: {  	s29 =	simm.s32 $0x40;
	[sflag:s6] =	ssyncadd.s32 $0xFFFF8000  }
0x1b5: {  	v3 =	vld [tilespmem:s29+$0x30]  }
0x1b6: {  	v4 =	vld [tilespmem:s29+$0xFFFFFFD0]  }
0x1b7: {  	v5 =	vld [tilespmem:s29+$0xFFFFFFE0]  }
0x1b8: {  	v0 =	vld [tilespmem:s29+$0xFFFFFFF0]  }
0x1b9: {  	s26 =	simm.s32 $0x10040;
	v1 =	vld [tilespmem:s29+$0x0]  }
0x1ba: {  	v2 =	vld [tilespmem:s29+$0x10];
	[tilespmem:s26+$0x40] =	vst v3  }
0x1bb: {  	[tilespmem:s26+$0xFFFFFFE0] =	vst v4;
	v3 =	vld [tilespmem:s29+$0x20]  }
0x1bc: {  	s28 =	simm.s32 $0x0;
	v4 =	vld [tilespmem:s29+$0xFFFFFFC0];
	[tilespmem:s26+$0xFFFFFFF0] =	vst v5;
	s29 =	simm.s32 $0x440  }
.LBB2_4:
0x1bd: {  	v5 =	vld [tilespmem:s29+$0x30];
	s28 =	sadd.s32 $0x8, s28;
	[tilespmem:s26+$0x0] =	vst v0  }
0x1be: {  	v6 =	vld [tilespmem:s29+$0xFFFFFFD0];
	p0 =	slt.u32 s28, $0xF8;
	[tilespmem:s26+$0x10] =	vst v1  }
0x1bf: {  	v7 =	vld [tilespmem:s29+$0xFFFFFFE0];
	[tilespmem:s26+$0x20] =	vst v2  }
.Ltmp22:
0x1c0: {  	v0 =	vld [tilespmem:s29+$0xFFFFFFF0];
	[tilespmem:s26+$0x30] =	vst v3;
	(pc) =	sbr.rel @p0 .LBB2_4-.Ltmp22, $4  }
0x1c1: {  	v1 =	vld [tilespmem:s29+$0x0];
	[tilespmem:s26+$0xFFFFFFD0] =	vst v4;
	s26 =	sadd.s32 $0x80, s26  }
0x1c2: {  	v2 =	vld [tilespmem:s29+$0x10];
	[tilespmem:s26+$0x40] =	vst v5  }
0x1c3: {  	[tilespmem:s26+$0xFFFFFFE0] =	vst v6;
	v3 =	vld [tilespmem:s29+$0x20]  }
0x1c4: {  	v4 =	vld [tilespmem:s29+$0xFFFFFFC0];
	[tilespmem:s26+$0xFFFFFFF0] =	vst v7;
	s29 =	sadd.s32 $0x400, s29  }
0x1c5: {  	[tilespmem:s26+$0x0] =	vst v0  }
0x1c6: {  	[tilespmem:s26+$0x10] =	vst v1  }
0x1c7: {  	[tilespmem:s26+$0x20] =	vst v2  }
0x1c8: {  	[tilespmem:s26+$0x30] =	vst v3  }
0x1c9: {  	[tilespmem:s26+$0xFFFFFFD0] =	vst v4  }
0x1ca: {  	v0 =	vld [tilespmem:$0x7C70]  }
0x1cb: {  	v1 =	vld [tilespmem:$0x0];
	_ =	sdelay $0x3  }
0x1cc: {  	[tilespmem:$0x10000] =	vst v0  }
0x1cd: {  	s29 =	simm.s32 $0xF0;
	[tilespmem:$0x11010] =	vst v1  }
0x1ce: {  	v3 =	vld [tilespmem:s29+$0x0]  }
0x1cf: {  	v4 =	vld [tilespmem:s29+$0xFFFFFFA0]  }
0x1d0: {  	v5 =	vld [tilespmem:s29+$0xFFFFFFB0]  }
0x1d1: {  	v0 =	vld [tilespmem:s29+$0xFFFFFFC0]  }
0x1d2: {  	s26 =	simm.s32 $0x110A0;
	v1 =	vld [tilespmem:s29+$0xFFFFFFD0]  }
0x1d3: {  	v2 =	vld [tilespmem:s29+$0xFFFFFFE0];
	[tilespmem:s26+$0x0] =	vst v3  }
0x1d4: {  	[tilespmem:s26+$0xFFFFFFA0] =	vst v4;
	v3 =	vld [tilespmem:s29+$0xFFFFFFF0]  }
0x1d5: {  	s28 =	simm.s32 $0x0;
	v4 =	vld [tilespmem:s29+$0xFFFFFF90];
	[tilespmem:s26+$0xFFFFFFB0] =	vst v5;
	s29 =	simm.s32 $0x4F0  }
.LBB2_6:
0x1d6: {  	v5 =	vld [tilespmem:s29+$0x0];
	s28 =	sadd.s32 $0x8, s28;
	[tilespmem:s26+$0xFFFFFFC0] =	vst v0  }
0x1d7: {  	v6 =	vld [tilespmem:s29+$0xFFFFFFA0];
	p0 =	slt.u32 s28, $0xF8;
	[tilespmem:s26+$0xFFFFFFD0] =	vst v1  }
0x1d8: {  	v7 =	vld [tilespmem:s29+$0xFFFFFFB0];
	[tilespmem:s26+$0xFFFFFFE0] =	vst v2  }
.Ltmp23:
0x1d9: {  	v0 =	vld [tilespmem:s29+$0xFFFFFFC0];
	[tilespmem:s26+$0xFFFFFFF0] =	vst v3;
	(pc) =	sbr.rel @p0 .LBB2_6-.Ltmp23, $4  }
0x1da: {  	v1 =	vld [tilespmem:s29+$0xFFFFFFD0];
	[tilespmem:s26+$0xFFFFFF90] =	vst v4;
	s26 =	sadd.s32 $0x80, s26  }
0x1db: {  	v2 =	vld [tilespmem:s29+$0xFFFFFFE0];
	[tilespmem:s26+$0x0] =	vst v5  }
0x1dc: {  	[tilespmem:s26+$0xFFFFFFA0] =	vst v6;
	v3 =	vld [tilespmem:s29+$0xFFFFFFF0]  }
0x1dd: {  	v4 =	vld [tilespmem:s29+$0xFFFFFF90];
	[tilespmem:s26+$0xFFFFFFB0] =	vst v7;
	s29 =	sadd.s32 $0x400, s29  }
0x1de: {  	[tilespmem:s26+$0xFFFFFFC0] =	vst v0  }
0x1df: {  	[tilespmem:s26+$0xFFFFFFD0] =	vst v1  }
0x1e0: {  	[tilespmem:s26+$0xFFFFFFE0] =	vst v2  }
0x1e1: {  	[tilespmem:s26+$0xFFFFFFF0] =	vst v3  }
0x1e2: {  	[tilespmem:s26+$0xFFFFFF90] =	vst v4  }
0x1e3: {  	v0 =	vld [tilespmem:$0x7CF0]  }
0x1e4: {  	v1 =	vld [tilespmem:$0x80];
	_ =	sdelay $0x3  }
0x1e5: {  	[tilespmem:$0x11020] =	vst v0  }
0x1e6: {  	s29 =	simm.s32 $0x170;
	[tilespmem:$0x12030] =	vst v1  }
0x1e7: {  	v3 =	vld [tilespmem:s29+$0x0]  }
0x1e8: {  	v4 =	vld [tilespmem:s29+$0xFFFFFFA0]  }
0x1e9: {  	v5 =	vld [tilespmem:s29+$0xFFFFFFB0]  }
0x1ea: {  	v0 =	vld [tilespmem:s29+$0xFFFFFFC0]  }
0x1eb: {  	s26 =	simm.s32 $0x120C0;
	v1 =	vld [tilespmem:s29+$0xFFFFFFD0]  }
0x1ec: {  	v2 =	vld [tilespmem:s29+$0xFFFFFFE0];
	[tilespmem:s26+$0x0] =	vst v3  }
0x1ed: {  	[tilespmem:s26+$0xFFFFFFA0] =	vst v4;
	v3 =	vld [tilespmem:s29+$0xFFFFFFF0]  }
0x1ee: {  	s28 =	simm.s32 $0x0;
	v4 =	vld [tilespmem:s29+$0xFFFFFF90];
	[tilespmem:s26+$0xFFFFFFB0] =	vst v5;
	s29 =	simm.s32 $0x570  }
.LBB2_8:
0x1ef: {  	v5 =	vld [tilespmem:s29+$0x0];
	s28 =	sadd.s32 $0x8, s28;
	[tilespmem:s26+$0xFFFFFFC0] =	vst v0  }
0x1f0: {  	v6 =	vld [tilespmem:s29+$0xFFFFFFA0];
	p0 =	slt.u32 s28, $0xF8;
	[tilespmem:s26+$0xFFFFFFD0] =	vst v1  }
0x1f1: {  	v7 =	vld [tilespmem:s29+$0xFFFFFFB0];
	[tilespmem:s26+$0xFFFFFFE0] =	vst v2  }
.Ltmp24:
0x1f2: {  	v0 =	vld [tilespmem:s29+$0xFFFFFFC0];
	[tilespmem:s26+$0xFFFFFFF0] =	vst v3;
	(pc) =	sbr.rel @p0 .LBB2_8-.Ltmp24, $4  }
0x1f3: {  	v1 =	vld [tilespmem:s29+$0xFFFFFFD0];
	[tilespmem:s26+$0xFFFFFF90] =	vst v4;
	s26 =	sadd.s32 $0x80, s26  }
0x1f4: {  	v2 =	vld [tilespmem:s29+$0xFFFFFFE0];
	[tilespmem:s26+$0x0] =	vst v5  }
0x1f5: {  	[tilespmem:s26+$0xFFFFFFA0] =	vst v6;
	v3 =	vld [tilespmem:s29+$0xFFFFFFF0]  }
0x1f6: {  	v4 =	vld [tilespmem:s29+$0xFFFFFF90];
	[tilespmem:s26+$0xFFFFFFB0] =	vst v7;
	s29 =	sadd.s32 $0x400, s29  }
0x1f7: {  	[tilespmem:s26+$0xFFFFFFC0] =	vst v0  }
0x1f8: {  	[tilespmem:s26+$0xFFFFFFD0] =	vst v1  }
0x1f9: {  	[tilespmem:s26+$0xFFFFFFE0] =	vst v2  }
0x1fa: {  	[tilespmem:s26+$0xFFFFFFF0] =	vst v3  }
0x1fb: {  	[tilespmem:s26+$0xFFFFFF90] =	vst v4  }
0x1fc: {  	v0 =	vld [tilespmem:$0x7D70]  }
0x1fd: {  	v1 =	vld [tilespmem:$0x100];
	_ =	sdelay $0x3  }
0x1fe: {  	[tilespmem:$0x12040] =	vst v0  }
0x1ff: {  	s29 =	simm.s32 $0x1F0;
	[tilespmem:$0x13050] =	vst v1  }
0x200: {  	v3 =	vld [tilespmem:s29+$0x0]  }
0x201: {  	v4 =	vld [tilespmem:s29+$0xFFFFFFA0]  }
0x202: {  	v5 =	vld [tilespmem:s29+$0xFFFFFFB0]  }
0x203: {  	v0 =	vld [tilespmem:s29+$0xFFFFFFC0]  }
0x204: {  	s26 =	simm.s32 $0x130E0;
	v1 =	vld [tilespmem:s29+$0xFFFFFFD0]  }
0x205: {  	v2 =	vld [tilespmem:s29+$0xFFFFFFE0];
	[tilespmem:s26+$0x0] =	vst v3  }
0x206: {  	[tilespmem:s26+$0xFFFFFFA0] =	vst v4;
	v3 =	vld [tilespmem:s29+$0xFFFFFFF0]  }
0x207: {  	s28 =	simm.s32 $0x0;
	v4 =	vld [tilespmem:s29+$0xFFFFFF90];
	[tilespmem:s26+$0xFFFFFFB0] =	vst v5;
	s29 =	simm.s32 $0x5F0  }
.LBB2_10:
0x208: {  	v5 =	vld [tilespmem:s29+$0x0];
	s28 =	sadd.s32 $0x8, s28;
	[tilespmem:s26+$0xFFFFFFC0] =	vst v0  }
0x209: {  	v6 =	vld [tilespmem:s29+$0xFFFFFFA0];
	p0 =	slt.u32 s28, $0xF8;
	[tilespmem:s26+$0xFFFFFFD0] =	vst v1  }
0x20a: {  	v7 =	vld [tilespmem:s29+$0xFFFFFFB0];
	[tilespmem:s26+$0xFFFFFFE0] =	vst v2  }
.Ltmp25:
0x20b: {  	v0 =	vld [tilespmem:s29+$0xFFFFFFC0];
	[tilespmem:s26+$0xFFFFFFF0] =	vst v3;
	(pc) =	sbr.rel @p0 .LBB2_10-.Ltmp25, $4  }
0x20c: {  	v1 =	vld [tilespmem:s29+$0xFFFFFFD0];
	[tilespmem:s26+$0xFFFFFF90] =	vst v4;
	s26 =	sadd.s32 $0x80, s26  }
0x20d: {  	v2 =	vld [tilespmem:s29+$0xFFFFFFE0];
	[tilespmem:s26+$0x0] =	vst v5  }
0x20e: {  	[tilespmem:s26+$0xFFFFFFA0] =	vst v6;
	v3 =	vld [tilespmem:s29+$0xFFFFFFF0]  }
0x20f: {  	v4 =	vld [tilespmem:s29+$0xFFFFFF90];
	[tilespmem:s26+$0xFFFFFFB0] =	vst v7;
	s29 =	sadd.s32 $0x400, s29  }
0x210: {  	[tilespmem:s26+$0xFFFFFFC0] =	vst v0  }
0x211: {  	[tilespmem:s26+$0xFFFFFFD0] =	vst v1  }
0x212: {  	[tilespmem:s26+$0xFFFFFFE0] =	vst v2  }
0x213: {  	[tilespmem:s26+$0xFFFFFFF0] =	vst v3  }
0x214: {  	[tilespmem:s26+$0xFFFFFF90] =	vst v4  }
0x215: {  	v0 =	vld [tilespmem:$0x7DF0]  }
0x216: {  	v1 =	vld [tilespmem:$0x180];
	_ =	sdelay $0x3  }
0x217: {  	[tilespmem:$0x13060] =	vst v0  }
0x218: {  	s29 =	simm.s32 $0x270;
	[tilespmem:$0x14070] =	vst v1  }
0x219: {  	v3 =	vld [tilespmem:s29+$0x0]  }
0x21a: {  	v4 =	vld [tilespmem:s29+$0xFFFFFFA0]  }
0x21b: {  	v5 =	vld [tilespmem:s29+$0xFFFFFFB0]  }
0x21c: {  	v0 =	vld [tilespmem:s29+$0xFFFFFFC0]  }
0x21d: {  	s26 =	simm.s32 $0x14100;
	v1 =	vld [tilespmem:s29+$0xFFFFFFD0]  }
0x21e: {  	v2 =	vld [tilespmem:s29+$0xFFFFFFE0];
	[tilespmem:s26+$0x0] =	vst v3  }
0x21f: {  	[tilespmem:s26+$0xFFFFFFA0] =	vst v4;
	v3 =	vld [tilespmem:s29+$0xFFFFFFF0]  }
0x220: {  	s28 =	simm.s32 $0x0;
	v4 =	vld [tilespmem:s29+$0xFFFFFF90];
	[tilespmem:s26+$0xFFFFFFB0] =	vst v5;
	s29 =	simm.s32 $0x670  }
.LBB2_12:
0x221: {  	v5 =	vld [tilespmem:s29+$0x0];
	s28 =	sadd.s32 $0x8, s28;
	[tilespmem:s26+$0xFFFFFFC0] =	vst v0  }
0x222: {  	v6 =	vld [tilespmem:s29+$0xFFFFFFA0];
	p0 =	slt.u32 s28, $0xF8;
	[tilespmem:s26+$0xFFFFFFD0] =	vst v1  }
0x223: {  	v7 =	vld [tilespmem:s29+$0xFFFFFFB0];
	[tilespmem:s26+$0xFFFFFFE0] =	vst v2  }
.Ltmp26:
0x224: {  	v0 =	vld [tilespmem:s29+$0xFFFFFFC0];
	[tilespmem:s26+$0xFFFFFFF0] =	vst v3;
	(pc) =	sbr.rel @p0 .LBB2_12-.Ltmp26, $4  }
0x225: {  	v1 =	vld [tilespmem:s29+$0xFFFFFFD0];
	[tilespmem:s26+$0xFFFFFF90] =	vst v4;
	s26 =	sadd.s32 $0x80, s26  }
0x226: {  	v2 =	vld [tilespmem:s29+$0xFFFFFFE0];
	[tilespmem:s26+$0x0] =	vst v5  }
0x227: {  	[tilespmem:s26+$0xFFFFFFA0] =	vst v6;
	v3 =	vld [tilespmem:s29+$0xFFFFFFF0]  }
0x228: {  	v4 =	vld [tilespmem:s29+$0xFFFFFF90];
	[tilespmem:s26+$0xFFFFFFB0] =	vst v7;
	s29 =	sadd.s32 $0x400, s29  }
0x229: {  	[tilespmem:s26+$0xFFFFFFC0] =	vst v0  }
0x22a: {  	[tilespmem:s26+$0xFFFFFFD0] =	vst v1  }
0x22b: {  	[tilespmem:s26+$0xFFFFFFE0] =	vst v2  }
0x22c: {  	[tilespmem:s26+$0xFFFFFFF0] =	vst v3  }
0x22d: {  	[tilespmem:s26+$0xFFFFFF90] =	vst v4  }
0x22e: {  	v0 =	vld [tilespmem:$0x7E70]  }
0x22f: {  	v1 =	vld [tilespmem:$0x200];
	_ =	sdelay $0x3  }
0x230: {  	[tilespmem:$0x14080] =	vst v0  }
0x231: {  	s29 =	simm.s32 $0x2F0;
	[tilespmem:$0x15090] =	vst v1  }
0x232: {  	v3 =	vld [tilespmem:s29+$0x0]  }
0x233: {  	v4 =	vld [tilespmem:s29+$0xFFFFFFA0]  }
0x234: {  	v5 =	vld [tilespmem:s29+$0xFFFFFFB0]  }
0x235: {  	v0 =	vld [tilespmem:s29+$0xFFFFFFC0]  }
0x236: {  	s26 =	simm.s32 $0x15120;
	v1 =	vld [tilespmem:s29+$0xFFFFFFD0]  }
0x237: {  	v2 =	vld [tilespmem:s29+$0xFFFFFFE0];
	[tilespmem:s26+$0x0] =	vst v3  }
0x238: {  	[tilespmem:s26+$0xFFFFFFA0] =	vst v4;
	v3 =	vld [tilespmem:s29+$0xFFFFFFF0]  }
0x239: {  	s28 =	simm.s32 $0x0;
	v4 =	vld [tilespmem:s29+$0xFFFFFF90];
	[tilespmem:s26+$0xFFFFFFB0] =	vst v5;
	s29 =	simm.s32 $0x6F0  }
.LBB2_14:
0x23a: {  	v5 =	vld [tilespmem:s29+$0x0];
	s28 =	sadd.s32 $0x8, s28;
	[tilespmem:s26+$0xFFFFFFC0] =	vst v0  }
0x23b: {  	v6 =	vld [tilespmem:s29+$0xFFFFFFA0];
	p0 =	slt.u32 s28, $0xF8;
	[tilespmem:s26+$0xFFFFFFD0] =	vst v1  }
0x23c: {  	v7 =	vld [tilespmem:s29+$0xFFFFFFB0];
	[tilespmem:s26+$0xFFFFFFE0] =	vst v2  }
.Ltmp27:
0x23d: {  	v0 =	vld [tilespmem:s29+$0xFFFFFFC0];
	[tilespmem:s26+$0xFFFFFFF0] =	vst v3;
	(pc) =	sbr.rel @p0 .LBB2_14-.Ltmp27, $4  }
0x23e: {  	v1 =	vld [tilespmem:s29+$0xFFFFFFD0];
	[tilespmem:s26+$0xFFFFFF90] =	vst v4;
	s26 =	sadd.s32 $0x80, s26  }
0x23f: {  	v2 =	vld [tilespmem:s29+$0xFFFFFFE0];
	[tilespmem:s26+$0x0] =	vst v5  }
0x240: {  	[tilespmem:s26+$0xFFFFFFA0] =	vst v6;
	v3 =	vld [tilespmem:s29+$0xFFFFFFF0]  }
0x241: {  	v4 =	vld [tilespmem:s29+$0xFFFFFF90];
	[tilespmem:s26+$0xFFFFFFB0] =	vst v7;
	s29 =	sadd.s32 $0x400, s29  }
0x242: {  	[tilespmem:s26+$0xFFFFFFC0] =	vst v0  }
0x243: {  	[tilespmem:s26+$0xFFFFFFD0] =	vst v1  }
0x244: {  	[tilespmem:s26+$0xFFFFFFE0] =	vst v2  }
0x245: {  	[tilespmem:s26+$0xFFFFFFF0] =	vst v3  }
0x246: {  	[tilespmem:s26+$0xFFFFFF90] =	vst v4  }
0x247: {  	v0 =	vld [tilespmem:$0x7EF0]  }
0x248: {  	v1 =	vld [tilespmem:$0x280];
	_ =	sdelay $0x3  }
0x249: {  	[tilespmem:$0x150A0] =	vst v0  }
0x24a: {  	s29 =	simm.s32 $0x370;
	[tilespmem:$0x160B0] =	vst v1  }
0x24b: {  	v3 =	vld [tilespmem:s29+$0x0]  }
0x24c: {  	v4 =	vld [tilespmem:s29+$0xFFFFFFA0]  }
0x24d: {  	v5 =	vld [tilespmem:s29+$0xFFFFFFB0]  }
0x24e: {  	v0 =	vld [tilespmem:s29+$0xFFFFFFC0]  }
0x24f: {  	s26 =	simm.s32 $0x16140;
	v1 =	vld [tilespmem:s29+$0xFFFFFFD0]  }
0x250: {  	v2 =	vld [tilespmem:s29+$0xFFFFFFE0];
	[tilespmem:s26+$0x0] =	vst v3  }
0x251: {  	[tilespmem:s26+$0xFFFFFFA0] =	vst v4;
	v3 =	vld [tilespmem:s29+$0xFFFFFFF0]  }
0x252: {  	s28 =	simm.s32 $0x0;
	v4 =	vld [tilespmem:s29+$0xFFFFFF90];
	[tilespmem:s26+$0xFFFFFFB0] =	vst v5;
	s29 =	simm.s32 $0x770  }
.LBB2_16:
0x253: {  	v5 =	vld [tilespmem:s29+$0x0];
	s28 =	sadd.s32 $0x8, s28;
	[tilespmem:s26+$0xFFFFFFC0] =	vst v0  }
0x254: {  	v6 =	vld [tilespmem:s29+$0xFFFFFFA0];
	p0 =	slt.u32 s28, $0xF8;
	[tilespmem:s26+$0xFFFFFFD0] =	vst v1  }
0x255: {  	v7 =	vld [tilespmem:s29+$0xFFFFFFB0];
	[tilespmem:s26+$0xFFFFFFE0] =	vst v2  }
.Ltmp28:
0x256: {  	v0 =	vld [tilespmem:s29+$0xFFFFFFC0];
	[tilespmem:s26+$0xFFFFFFF0] =	vst v3;
	(pc) =	sbr.rel @p0 .LBB2_16-.Ltmp28, $4  }
0x257: {  	v1 =	vld [tilespmem:s29+$0xFFFFFFD0];
	[tilespmem:s26+$0xFFFFFF90] =	vst v4;
	s26 =	sadd.s32 $0x80, s26  }
0x258: {  	v2 =	vld [tilespmem:s29+$0xFFFFFFE0];
	[tilespmem:s26+$0x0] =	vst v5  }
0x259: {  	[tilespmem:s26+$0xFFFFFFA0] =	vst v6;
	v3 =	vld [tilespmem:s29+$0xFFFFFFF0]  }
0x25a: {  	v4 =	vld [tilespmem:s29+$0xFFFFFF90];
	[tilespmem:s26+$0xFFFFFFB0] =	vst v7;
	s29 =	sadd.s32 $0x400, s29  }
0x25b: {  	[tilespmem:s26+$0xFFFFFFC0] =	vst v0  }
0x25c: {  	[tilespmem:s26+$0xFFFFFFD0] =	vst v1  }
0x25d: {  	[tilespmem:s26+$0xFFFFFFE0] =	vst v2  }
0x25e: {  	[tilespmem:s26+$0xFFFFFFF0] =	vst v3  }
0x25f: {  	[tilespmem:s26+$0xFFFFFF90] =	vst v4  }
0x260: {  	v0 =	vld [tilespmem:$0x7F70]  }
0x261: {  	v1 =	vld [tilespmem:$0x300];
	_ =	sdelay $0x3  }
0x262: {  	[tilespmem:$0x160C0] =	vst v0  }
0x263: {  	s29 =	simm.s32 $0x3F0;
	[tilespmem:$0x170D0] =	vst v1  }
0x264: {  	v3 =	vld [tilespmem:s29+$0x0]  }
0x265: {  	v4 =	vld [tilespmem:s29+$0xFFFFFFA0]  }
0x266: {  	v5 =	vld [tilespmem:s29+$0xFFFFFFB0]  }
0x267: {  	v0 =	vld [tilespmem:s29+$0xFFFFFFC0]  }
0x268: {  	s26 =	simm.s32 $0x17160;
	v1 =	vld [tilespmem:s29+$0xFFFFFFD0]  }
0x269: {  	v2 =	vld [tilespmem:s29+$0xFFFFFFE0];
	[tilespmem:s26+$0x0] =	vst v3  }
0x26a: {  	[tilespmem:s26+$0xFFFFFFA0] =	vst v4;
	v3 =	vld [tilespmem:s29+$0xFFFFFFF0]  }
0x26b: {  	s28 =	simm.s32 $0x0;
	v4 =	vld [tilespmem:s29+$0xFFFFFF90];
	[tilespmem:s26+$0xFFFFFFB0] =	vst v5;
	s29 =	simm.s32 $0x7F0  }
.LBB2_18:
0x26c: {  	v5 =	vld [tilespmem:s29+$0x0];
	s28 =	sadd.s32 $0x8, s28;
	[tilespmem:s26+$0xFFFFFFC0] =	vst v0  }
0x26d: {  	v6 =	vld [tilespmem:s29+$0xFFFFFFA0];
	p0 =	slt.u32 s28, $0xF8;
	[tilespmem:s26+$0xFFFFFFD0] =	vst v1  }
0x26e: {  	v7 =	vld [tilespmem:s29+$0xFFFFFFB0];
	[tilespmem:s26+$0xFFFFFFE0] =	vst v2  }
.Ltmp29:
0x26f: {  	v0 =	vld [tilespmem:s29+$0xFFFFFFC0];
	[tilespmem:s26+$0xFFFFFFF0] =	vst v3;
	(pc) =	sbr.rel @p0 .LBB2_18-.Ltmp29, $4  }
0x270: {  	v1 =	vld [tilespmem:s29+$0xFFFFFFD0];
	[tilespmem:s26+$0xFFFFFF90] =	vst v4;
	s26 =	sadd.s32 $0x80, s26  }
0x271: {  	v2 =	vld [tilespmem:s29+$0xFFFFFFE0];
	[tilespmem:s26+$0x0] =	vst v5  }
0x272: {  	[tilespmem:s26+$0xFFFFFFA0] =	vst v6;
	v3 =	vld [tilespmem:s29+$0xFFFFFFF0]  }
0x273: {  	v4 =	vld [tilespmem:s29+$0xFFFFFF90];
	[tilespmem:s26+$0xFFFFFFB0] =	vst v7;
	s29 =	sadd.s32 $0x400, s29  }
0x274: {  	[tilespmem:s26+$0xFFFFFFC0] =	vst v0  }
0x275: {  	[tilespmem:s26+$0xFFFFFFD0] =	vst v1  }
0x276: {  	[tilespmem:s26+$0xFFFFFFE0] =	vst v2  }
0x277: {  	[tilespmem:s26+$0xFFFFFFF0] =	vst v3  }
0x278: {  	[tilespmem:s26+$0xFFFFFF90] =	vst v4  }
0x279: {  	v0 =	vld [tilespmem:$0x7FF0]  }
0x27a: {  	v1 =	vld [tilespmem:$0x380];
	_ =	sdelay $0x1  }
0x27b: {  	p0 =	seq.s32 s25, $0x0  }
0x27c: {  	p1 =	seq.s32 @!p0 s25, $0x7  }
0x27d: {  	p0 =	por p1, p0;
	[tilespmem:$0x170E0] =	vst v0  }
0x27e: {  	s26 =	simm.s32 @!p0 $0x4;
	[tilespmem:$0x180F0] =	vst v1  }
0x27f: {  	s28 =	sadd.s32 @!p0 s25, s5;
	_ =	swait.ge @!p0 [sflag:s26], $0x8000  }
0x280: {  	s28 =	sshll.u32 @!p0 s28, $0xC;
	[sflag:s26] =	ssyncset.done @!p0 $0x0  }
0x281: {  	[sflag:s26] =	ssyncadd.s32 @!p0 $0xFFFF8000;
	s26 =	sadd.s32 @!p0 s1, s28  }
0x282: {  	s29 =	simm.s32 @!p0 $0x8000;
	s28 =	simm.s32 @!p0 $0x0;
	s26 =	sadd.s32 @!p0 $0x1000, s26  }
0x283: {  	[tilespmem:s29], [sflag:$0x2] =	stream.linear.gather @!p0 [hbm4b:s26+s28], $0x8000, $0x38;
	[tilespmem:$0x18100] =	vst v63  }
0x284: {  	v3 =	vld [tilespmem:s12+$0x30]  }
0x285: {  	v4 =	vld [tilespmem:s12+$0xFFFFFFD0]  }
0x286: {  	v5 =	vld [tilespmem:s12+$0xFFFFFFE0]  }
0x287: {  	v0 =	vld [tilespmem:s12+$0xFFFFFFF0]  }
0x288: {  	s29 =	simm.s32 $0x40;
	v1 =	vld [tilespmem:s12+$0x0]  }
0x289: {  	v2 =	vld [tilespmem:s12+$0x10];
	[tilespmem:s29+$0x30] =	vst v3  }
0x28a: {  	[tilespmem:s29+$0xFFFFFFD0] =	vst v4;
	v3 =	vld [tilespmem:s12+$0x20]  }
0x28b: {  	s30 =	simm.s32 $0x0;
	s31 =	sadd.s32 $0x80, s12;
	s26 =	sadd.s32 s4, s25;
	v4 =	vld [tilespmem:s12+$0xFFFFFFC0];
	[tilespmem:s29+$0xFFFFFFE0] =	vst v5  }
.LBB2_20:
0x28c: {  	v5 =	vld [tilespmem:s31+$0x30];
	s30 =	sadd.s32 $0x8, s30;
	[tilespmem:s29+$0xFFFFFFF0] =	vst v0  }
0x28d: {  	v6 =	vld [tilespmem:s31+$0xFFFFFFD0];
	p0 =	slt.u32 s30, $0xF8;
	[tilespmem:s29+$0x0] =	vst v1  }
0x28e: {  	v7 =	vld [tilespmem:s31+$0xFFFFFFE0];
	[tilespmem:s29+$0x10] =	vst v2  }
.Ltmp30:
0x28f: {  	v0 =	vld [tilespmem:s31+$0xFFFFFFF0];
	[tilespmem:s29+$0x20] =	vst v3;
	(pc) =	sbr.rel @p0 .LBB2_20-.Ltmp30, $4  }
0x290: {  	v1 =	vld [tilespmem:s31+$0x0];
	[tilespmem:s29+$0xFFFFFFC0] =	vst v4;
	s29 =	sadd.s32 $0x400, s29  }
0x291: {  	s28 =	simm.s32 $0xF0;
	v2 =	vld [tilespmem:s31+$0x10];
	[tilespmem:s29+$0x30] =	vst v5  }
0x292: {  	[tilespmem:s29+$0xFFFFFFD0] =	vst v6;
	v3 =	vld [tilespmem:s31+$0x20]  }
0x293: {  	v4 =	vld [tilespmem:s31+$0xFFFFFFC0];
	[tilespmem:s29+$0xFFFFFFE0] =	vst v7;
	s31 =	sadd.s32 $0x80, s31  }
0x294: {  	[tilespmem:s29+$0xFFFFFFF0] =	vst v0  }
0x295: {  	[tilespmem:s29+$0x0] =	vst v1  }
0x296: {  	[tilespmem:s29+$0x10] =	vst v2  }
0x297: {  	[tilespmem:s29+$0x20] =	vst v3  }
0x298: {  	[tilespmem:s29+$0xFFFFFFC0] =	vst v4  }
0x299: {  	v3 =	vld [tilespmem:s13+$0x0]  }
0x29a: {  	v4 =	vld [tilespmem:s13+$0xFFFFFFA0]  }
0x29b: {  	v5 =	vld [tilespmem:s13+$0xFFFFFFB0]  }
0x29c: {  	v1 =	vld [tilespmem:s13+$0xFFFFFFC0]  }
0x29d: {  	v0 =	vld [tilespmem:s13+$0xFFFFFFD0]  }
0x29e: {  	v2 =	vld [tilespmem:s13+$0xFFFFFFE0];
	[tilespmem:s28+$0x0] =	vst v3  }
0x29f: {  	[tilespmem:s28+$0xFFFFFFA0] =	vst v4;
	v3 =	vld [tilespmem:s13+$0xFFFFFFF0]  }
0x2a0: {  	s30 =	simm.s32 $0x0;
	s31 =	sadd.s32 $0x80, s13;
	v4 =	vld [tilespmem:s13+$0xFFFFFF90];
	[tilespmem:s28+$0xFFFFFFB0] =	vst v5  }
.LBB2_22:
0x2a1: {  	v5 =	vld [tilespmem:s31+$0x0];
	s30 =	sadd.s32 $0x8, s30;
	[tilespmem:s28+$0xFFFFFFC0] =	vst v1  }
0x2a2: {  	v6 =	vld [tilespmem:s31+$0xFFFFFFA0];
	p0 =	slt.u32 s30, $0xF8;
	[tilespmem:s28+$0xFFFFFFD0] =	vst v0  }
0x2a3: {  	v7 =	vld [tilespmem:s31+$0xFFFFFFB0];
	[tilespmem:s28+$0xFFFFFFE0] =	vst v2  }
.Ltmp31:
0x2a4: {  	v1 =	vld [tilespmem:s31+$0xFFFFFFC0];
	[tilespmem:s28+$0xFFFFFFF0] =	vst v3;
	(pc) =	sbr.rel @p0 .LBB2_22-.Ltmp31, $4  }
0x2a5: {  	v0 =	vld [tilespmem:s31+$0xFFFFFFD0];
	[tilespmem:s28+$0xFFFFFF90] =	vst v4;
	s28 =	sadd.s32 $0x400, s28  }
0x2a6: {  	s29 =	simm.s32 $0x170;
	v2 =	vld [tilespmem:s31+$0xFFFFFFE0];
	[tilespmem:s28+$0x0] =	vst v5  }
0x2a7: {  	[tilespmem:s28+$0xFFFFFFA0] =	vst v6;
	v3 =	vld [tilespmem:s31+$0xFFFFFFF0]  }
0x2a8: {  	v4 =	vld [tilespmem:s31+$0xFFFFFF90];
	[tilespmem:s28+$0xFFFFFFB0] =	vst v7;
	s31 =	sadd.s32 $0x80, s31  }
0x2a9: {  	[tilespmem:s28+$0xFFFFFFC0] =	vst v1  }
0x2aa: {  	[tilespmem:s28+$0xFFFFFFD0] =	vst v0  }
0x2ab: {  	[tilespmem:s28+$0xFFFFFFE0] =	vst v2  }
0x2ac: {  	[tilespmem:s28+$0xFFFFFFF0] =	vst v3  }
0x2ad: {  	[tilespmem:s28+$0xFFFFFF90] =	vst v4  }
0x2ae: {  	v3 =	vld [tilespmem:s14+$0x0]  }
0x2af: {  	v4 =	vld [tilespmem:s14+$0xFFFFFFA0]  }
0x2b0: {  	v5 =	vld [tilespmem:s14+$0xFFFFFFB0]  }
0x2b1: {  	v1 =	vld [tilespmem:s14+$0xFFFFFFC0]  }
0x2b2: {  	v0 =	vld [tilespmem:s14+$0xFFFFFFD0]  }
0x2b3: {  	v2 =	vld [tilespmem:s14+$0xFFFFFFE0];
	[tilespmem:s29+$0x0] =	vst v3  }
0x2b4: {  	[tilespmem:s29+$0xFFFFFFA0] =	vst v4;
	v3 =	vld [tilespmem:s14+$0xFFFFFFF0]  }
0x2b5: {  	s30 =	simm.s32 $0x0;
	s31 =	sadd.s32 $0x80, s14;
	v4 =	vld [tilespmem:s14+$0xFFFFFF90];
	[tilespmem:s29+$0xFFFFFFB0] =	vst v5  }
.LBB2_24:
0x2b6: {  	v5 =	vld [tilespmem:s31+$0x0];
	s30 =	sadd.s32 $0x8, s30;
	[tilespmem:s29+$0xFFFFFFC0] =	vst v1  }
0x2b7: {  	v6 =	vld [tilespmem:s31+$0xFFFFFFA0];
	p0 =	slt.u32 s30, $0xF8;
	[tilespmem:s29+$0xFFFFFFD0] =	vst v0  }
0x2b8: {  	v7 =	vld [tilespmem:s31+$0xFFFFFFB0];
	[tilespmem:s29+$0xFFFFFFE0] =	vst v2  }
.Ltmp32:
0x2b9: {  	v1 =	vld [tilespmem:s31+$0xFFFFFFC0];
	[tilespmem:s29+$0xFFFFFFF0] =	vst v3;
	(pc) =	sbr.rel @p0 .LBB2_24-.Ltmp32, $4  }
0x2ba: {  	v0 =	vld [tilespmem:s31+$0xFFFFFFD0];
	[tilespmem:s29+$0xFFFFFF90] =	vst v4;
	s29 =	sadd.s32 $0x400, s29  }
0x2bb: {  	s28 =	simm.s32 $0x1F0;
	v2 =	vld [tilespmem:s31+$0xFFFFFFE0];
	[tilespmem:s29+$0x0] =	vst v5  }
0x2bc: {  	[tilespmem:s29+$0xFFFFFFA0] =	vst v6;
	v3 =	vld [tilespmem:s31+$0xFFFFFFF0]  }
0x2bd: {  	v4 =	vld [tilespmem:s31+$0xFFFFFF90];
	[tilespmem:s29+$0xFFFFFFB0] =	vst v7;
	s31 =	sadd.s32 $0x80, s31  }
0x2be: {  	[tilespmem:s29+$0xFFFFFFC0] =	vst v1  }
0x2bf: {  	[tilespmem:s29+$0xFFFFFFD0] =	vst v0  }
0x2c0: {  	[tilespmem:s29+$0xFFFFFFE0] =	vst v2  }
0x2c1: {  	[tilespmem:s29+$0xFFFFFFF0] =	vst v3  }
0x2c2: {  	[tilespmem:s29+$0xFFFFFF90] =	vst v4  }
0x2c3: {  	v3 =	vld [tilespmem:s15+$0x0]  }
0x2c4: {  	v4 =	vld [tilespmem:s15+$0xFFFFFFA0]  }
0x2c5: {  	v5 =	vld [tilespmem:s15+$0xFFFFFFB0]  }
0x2c6: {  	v1 =	vld [tilespmem:s15+$0xFFFFFFC0]  }
0x2c7: {  	v0 =	vld [tilespmem:s15+$0xFFFFFFD0]  }
0x2c8: {  	v2 =	vld [tilespmem:s15+$0xFFFFFFE0];
	[tilespmem:s28+$0x0] =	vst v3  }
0x2c9: {  	[tilespmem:s28+$0xFFFFFFA0] =	vst v4;
	v3 =	vld [tilespmem:s15+$0xFFFFFFF0]  }
0x2ca: {  	s30 =	simm.s32 $0x0;
	s31 =	sadd.s32 $0x80, s15;
	v4 =	vld [tilespmem:s15+$0xFFFFFF90];
	[tilespmem:s28+$0xFFFFFFB0] =	vst v5  }
.LBB2_26:
0x2cb: {  	v5 =	vld [tilespmem:s31+$0x0];
	s30 =	sadd.s32 $0x8, s30;
	[tilespmem:s28+$0xFFFFFFC0] =	vst v1  }
0x2cc: {  	v6 =	vld [tilespmem:s31+$0xFFFFFFA0];
	p0 =	slt.u32 s30, $0xF8;
	[tilespmem:s28+$0xFFFFFFD0] =	vst v0  }
0x2cd: {  	v7 =	vld [tilespmem:s31+$0xFFFFFFB0];
	[tilespmem:s28+$0xFFFFFFE0] =	vst v2  }
.Ltmp33:
0x2ce: {  	v1 =	vld [tilespmem:s31+$0xFFFFFFC0];
	[tilespmem:s28+$0xFFFFFFF0] =	vst v3;
	(pc) =	sbr.rel @p0 .LBB2_26-.Ltmp33, $4  }
0x2cf: {  	v0 =	vld [tilespmem:s31+$0xFFFFFFD0];
	[tilespmem:s28+$0xFFFFFF90] =	vst v4;
	s28 =	sadd.s32 $0x400, s28  }
0x2d0: {  	s29 =	simm.s32 $0x270;
	v2 =	vld [tilespmem:s31+$0xFFFFFFE0];
	[tilespmem:s28+$0x0] =	vst v5  }
0x2d1: {  	[tilespmem:s28+$0xFFFFFFA0] =	vst v6;
	v3 =	vld [tilespmem:s31+$0xFFFFFFF0]  }
0x2d2: {  	v4 =	vld [tilespmem:s31+$0xFFFFFF90];
	[tilespmem:s28+$0xFFFFFFB0] =	vst v7;
	s31 =	sadd.s32 $0x80, s31  }
0x2d3: {  	[tilespmem:s28+$0xFFFFFFC0] =	vst v1  }
0x2d4: {  	[tilespmem:s28+$0xFFFFFFD0] =	vst v0  }
0x2d5: {  	[tilespmem:s28+$0xFFFFFFE0] =	vst v2  }
0x2d6: {  	[tilespmem:s28+$0xFFFFFFF0] =	vst v3  }
0x2d7: {  	[tilespmem:s28+$0xFFFFFF90] =	vst v4  }
0x2d8: {  	v3 =	vld [tilespmem:s16+$0x0]  }
0x2d9: {  	v4 =	vld [tilespmem:s16+$0xFFFFFFA0]  }
0x2da: {  	v5 =	vld [tilespmem:s16+$0xFFFFFFB0]  }
0x2db: {  	v1 =	vld [tilespmem:s16+$0xFFFFFFC0]  }
0x2dc: {  	v0 =	vld [tilespmem:s16+$0xFFFFFFD0]  }
0x2dd: {  	v2 =	vld [tilespmem:s16+$0xFFFFFFE0];
	[tilespmem:s29+$0x0] =	vst v3  }
0x2de: {  	[tilespmem:s29+$0xFFFFFFA0] =	vst v4;
	v3 =	vld [tilespmem:s16+$0xFFFFFFF0]  }
0x2df: {  	s30 =	simm.s32 $0x0;
	s31 =	sadd.s32 $0x80, s16;
	v4 =	vld [tilespmem:s16+$0xFFFFFF90];
	[tilespmem:s29+$0xFFFFFFB0] =	vst v5  }
.LBB2_28:
0x2e0: {  	v5 =	vld [tilespmem:s31+$0x0];
	s30 =	sadd.s32 $0x8, s30;
	[tilespmem:s29+$0xFFFFFFC0] =	vst v1  }
0x2e1: {  	v6 =	vld [tilespmem:s31+$0xFFFFFFA0];
	p0 =	slt.u32 s30, $0xF8;
	[tilespmem:s29+$0xFFFFFFD0] =	vst v0  }
0x2e2: {  	v7 =	vld [tilespmem:s31+$0xFFFFFFB0];
	[tilespmem:s29+$0xFFFFFFE0] =	vst v2  }
.Ltmp34:
0x2e3: {  	v1 =	vld [tilespmem:s31+$0xFFFFFFC0];
	[tilespmem:s29+$0xFFFFFFF0] =	vst v3;
	(pc) =	sbr.rel @p0 .LBB2_28-.Ltmp34, $4  }
0x2e4: {  	v0 =	vld [tilespmem:s31+$0xFFFFFFD0];
	[tilespmem:s29+$0xFFFFFF90] =	vst v4;
	s29 =	sadd.s32 $0x400, s29  }
0x2e5: {  	s28 =	simm.s32 $0x2F0;
	v2 =	vld [tilespmem:s31+$0xFFFFFFE0];
	[tilespmem:s29+$0x0] =	vst v5  }
0x2e6: {  	[tilespmem:s29+$0xFFFFFFA0] =	vst v6;
	v3 =	vld [tilespmem:s31+$0xFFFFFFF0]  }
0x2e7: {  	v4 =	vld [tilespmem:s31+$0xFFFFFF90];
	[tilespmem:s29+$0xFFFFFFB0] =	vst v7;
	s31 =	sadd.s32 $0x80, s31  }
0x2e8: {  	[tilespmem:s29+$0xFFFFFFC0] =	vst v1  }
0x2e9: {  	[tilespmem:s29+$0xFFFFFFD0] =	vst v0  }
0x2ea: {  	[tilespmem:s29+$0xFFFFFFE0] =	vst v2  }
0x2eb: {  	[tilespmem:s29+$0xFFFFFFF0] =	vst v3  }
0x2ec: {  	[tilespmem:s29+$0xFFFFFF90] =	vst v4  }
0x2ed: {  	v3 =	vld [tilespmem:s17+$0x0]  }
0x2ee: {  	v4 =	vld [tilespmem:s17+$0xFFFFFFA0]  }
0x2ef: {  	v5 =	vld [tilespmem:s17+$0xFFFFFFB0]  }
0x2f0: {  	v1 =	vld [tilespmem:s17+$0xFFFFFFC0]  }
0x2f1: {  	v0 =	vld [tilespmem:s17+$0xFFFFFFD0]  }
0x2f2: {  	v2 =	vld [tilespmem:s17+$0xFFFFFFE0];
	[tilespmem:s28+$0x0] =	vst v3  }
0x2f3: {  	[tilespmem:s28+$0xFFFFFFA0] =	vst v4;
	v3 =	vld [tilespmem:s17+$0xFFFFFFF0]  }
0x2f4: {  	s30 =	simm.s32 $0x0;
	s31 =	sadd.s32 $0x80, s17;
	v4 =	vld [tilespmem:s17+$0xFFFFFF90];
	[tilespmem:s28+$0xFFFFFFB0] =	vst v5  }
.LBB2_30:
0x2f5: {  	v5 =	vld [tilespmem:s31+$0x0];
	s30 =	sadd.s32 $0x8, s30;
	[tilespmem:s28+$0xFFFFFFC0] =	vst v1  }
0x2f6: {  	v6 =	vld [tilespmem:s31+$0xFFFFFFA0];
	p0 =	slt.u32 s30, $0xF8;
	[tilespmem:s28+$0xFFFFFFD0] =	vst v0  }
0x2f7: {  	v7 =	vld [tilespmem:s31+$0xFFFFFFB0];
	[tilespmem:s28+$0xFFFFFFE0] =	vst v2  }
.Ltmp35:
0x2f8: {  	v1 =	vld [tilespmem:s31+$0xFFFFFFC0];
	[tilespmem:s28+$0xFFFFFFF0] =	vst v3;
	(pc) =	sbr.rel @p0 .LBB2_30-.Ltmp35, $4  }
0x2f9: {  	v0 =	vld [tilespmem:s31+$0xFFFFFFD0];
	[tilespmem:s28+$0xFFFFFF90] =	vst v4;
	s28 =	sadd.s32 $0x400, s28  }
0x2fa: {  	s29 =	simm.s32 $0x370;
	v2 =	vld [tilespmem:s31+$0xFFFFFFE0];
	[tilespmem:s28+$0x0] =	vst v5  }
0x2fb: {  	[tilespmem:s28+$0xFFFFFFA0] =	vst v6;
	v3 =	vld [tilespmem:s31+$0xFFFFFFF0]  }
0x2fc: {  	v4 =	vld [tilespmem:s31+$0xFFFFFF90];
	[tilespmem:s28+$0xFFFFFFB0] =	vst v7;
	s31 =	sadd.s32 $0x80, s31  }
0x2fd: {  	[tilespmem:s28+$0xFFFFFFC0] =	vst v1  }
0x2fe: {  	[tilespmem:s28+$0xFFFFFFD0] =	vst v0  }
0x2ff: {  	[tilespmem:s28+$0xFFFFFFE0] =	vst v2  }
0x300: {  	[tilespmem:s28+$0xFFFFFFF0] =	vst v3  }
0x301: {  	[tilespmem:s28+$0xFFFFFF90] =	vst v4  }
0x302: {  	v3 =	vld [tilespmem:s18+$0x0]  }
0x303: {  	v4 =	vld [tilespmem:s18+$0xFFFFFFA0]  }
0x304: {  	v5 =	vld [tilespmem:s18+$0xFFFFFFB0]  }
0x305: {  	v1 =	vld [tilespmem:s18+$0xFFFFFFC0]  }
0x306: {  	v0 =	vld [tilespmem:s18+$0xFFFFFFD0]  }
0x307: {  	v2 =	vld [tilespmem:s18+$0xFFFFFFE0];
	[tilespmem:s29+$0x0] =	vst v3  }
0x308: {  	[tilespmem:s29+$0xFFFFFFA0] =	vst v4;
	v3 =	vld [tilespmem:s18+$0xFFFFFFF0]  }
0x309: {  	s30 =	simm.s32 $0x0;
	s31 =	sadd.s32 $0x80, s18;
	v4 =	vld [tilespmem:s18+$0xFFFFFF90];
	[tilespmem:s29+$0xFFFFFFB0] =	vst v5  }
.LBB2_32:
0x30a: {  	v5 =	vld [tilespmem:s31+$0x0];
	s30 =	sadd.s32 $0x8, s30;
	[tilespmem:s29+$0xFFFFFFC0] =	vst v1  }
0x30b: {  	v6 =	vld [tilespmem:s31+$0xFFFFFFA0];
	p0 =	slt.u32 s30, $0xF8;
	[tilespmem:s29+$0xFFFFFFD0] =	vst v0  }
0x30c: {  	v7 =	vld [tilespmem:s31+$0xFFFFFFB0];
	[tilespmem:s29+$0xFFFFFFE0] =	vst v2  }
.Ltmp36:
0x30d: {  	v1 =	vld [tilespmem:s31+$0xFFFFFFC0];
	[tilespmem:s29+$0xFFFFFFF0] =	vst v3;
	(pc) =	sbr.rel @p0 .LBB2_32-.Ltmp36, $4  }
0x30e: {  	v0 =	vld [tilespmem:s31+$0xFFFFFFD0];
	[tilespmem:s29+$0xFFFFFF90] =	vst v4;
	s29 =	sadd.s32 $0x400, s29  }
0x30f: {  	s28 =	simm.s32 $0x3F0;
	v2 =	vld [tilespmem:s31+$0xFFFFFFE0];
	[tilespmem:s29+$0x0] =	vst v5  }
0x310: {  	[tilespmem:s29+$0xFFFFFFA0] =	vst v6;
	v3 =	vld [tilespmem:s31+$0xFFFFFFF0]  }
0x311: {  	v4 =	vld [tilespmem:s31+$0xFFFFFF90];
	[tilespmem:s29+$0xFFFFFFB0] =	vst v7;
	s31 =	sadd.s32 $0x80, s31  }
0x312: {  	[tilespmem:s29+$0xFFFFFFC0] =	vst v1  }
0x313: {  	[tilespmem:s29+$0xFFFFFFD0] =	vst v0  }
0x314: {  	[tilespmem:s29+$0xFFFFFFE0] =	vst v2  }
0x315: {  	[tilespmem:s29+$0xFFFFFFF0] =	vst v3  }
0x316: {  	[tilespmem:s29+$0xFFFFFF90] =	vst v4  }
0x317: {  	v3 =	vld [tilespmem:s19+$0x0]  }
0x318: {  	v4 =	vld [tilespmem:s19+$0xFFFFFFA0]  }
0x319: {  	v5 =	vld [tilespmem:s19+$0xFFFFFFB0]  }
0x31a: {  	v1 =	vld [tilespmem:s19+$0xFFFFFFC0]  }
0x31b: {  	v0 =	vld [tilespmem:s19+$0xFFFFFFD0]  }
0x31c: {  	v2 =	vld [tilespmem:s19+$0xFFFFFFE0];
	[tilespmem:s28+$0x0] =	vst v3  }
0x31d: {  	[tilespmem:s28+$0xFFFFFFA0] =	vst v4;
	v4 =	vld [tilespmem:s19+$0xFFFFFFF0]  }
0x31e: {  	s30 =	sadd.s32 $0x80, s19;
	s29 =	simm.s32 $0x0;
	v3 =	vld [tilespmem:s19+$0xFFFFFF90];
	[tilespmem:s28+$0xFFFFFFB0] =	vst v5  }
.LBB2_34:
0x31f: {  	v5 =	vld [tilespmem:s30+$0x0];
	s29 =	sadd.s32 $0x8, s29;
	[tilespmem:s28+$0xFFFFFFC0] =	vst v1  }
0x320: {  	v6 =	vld [tilespmem:s30+$0xFFFFFFA0];
	p0 =	slt.u32 s29, $0xF8;
	[tilespmem:s28+$0xFFFFFFD0] =	vst v0  }
0x321: {  	v7 =	vld [tilespmem:s30+$0xFFFFFFB0];
	[tilespmem:s28+$0xFFFFFFE0] =	vst v2  }
.Ltmp37:
0x322: {  	v1 =	vld [tilespmem:s30+$0xFFFFFFC0];
	[tilespmem:s28+$0xFFFFFFF0] =	vst v4;
	(pc) =	sbr.rel @p0 .LBB2_34-.Ltmp37, $4  }
0x323: {  	v0 =	vld [tilespmem:s30+$0xFFFFFFD0];
	[tilespmem:s28+$0xFFFFFF90] =	vst v3;
	s28 =	sadd.s32 $0x400, s28  }
0x324: {  	v2 =	vld [tilespmem:s30+$0xFFFFFFE0];
	[tilespmem:s28+$0x0] =	vst v5  }
0x325: {  	[tilespmem:s28+$0xFFFFFFA0] =	vst v6;
	v4 =	vld [tilespmem:s30+$0xFFFFFFF0]  }
0x326: {  	v3 =	vld [tilespmem:s30+$0xFFFFFF90];
	[tilespmem:s28+$0xFFFFFFB0] =	vst v7;
	s30 =	sadd.s32 $0x80, s30  }
.Ltmp38:
0x327: {  	_ = 	snop;
	(pc) =	sbr.rel .LBB2_35-.Ltmp38, $1  }
0x328: {  	_ =	sdelay $0x3  }
.LBB2_71:
0x329: {  	_ =	sfence.sel $0x180000  }
0x32a: {  	[bflag:$0x0] =	sbarrier.arrive $0xFFFF  }
0x32b: {  	p0 =	sne.s32 s2, $0x0;
	_ =	strace $0x90000047  }
0x32c: {  	s0 =	sadd.s32 @!p0 $0x100000, s0;
	[bflag:$0x2] =	sbarrier.arrive $0xFFFF  }
0x32d: {  	[sflag:s0] =	ssyncadd.tile.s32 @!p0 $0x1;
	_ =	shalt  }
.Lfunc_end2:
_tile_overlayer_lowered:
.L_overlay_start_2:
0x32e: {  	(tag) =	ssettag $0x2  }
0x32f: {  	s0 =	rddreg [dreg:$0x0];
	s2 =	stileid.u32  }
0x330: {  	s1 =	rddreg [dreg:$0x1];
	p0 =	sne.s32 s2, $0x0  }
0x331: {  	s3 =	rddreg [dreg:$0x2];
	[bflag:$0x3] =	sbarrier.arrive $0xFFFF;
	s2 =	simm.s32 @!p0 $0x1C05  }
0x332: {  	[timem:s3], [sflag:s2] =	dma.local @!p0 [hbm:s0], s1  }
0x333: {  	s0 =	simm.s32 @!p0 $0x5  }
0x334: {  	_ =	swait.ge @!p0 [sflag:s0], s1  }
0x335: {  	s1 =	ssub.s32 @!p0 $0x0, s1;
	[sflag:s0] =	ssyncset.done @!p0 $0x0  }
0x336: {  	[sflag:s0] =	ssyncadd.s32 @!p0 s1  }
0x337: {  	[bflag:$0x3] =	sbarrier.arrive $0xFFFF  }
0x338: {  	_ =	shalt  }

</sc_bundles>
